<compile_context>
chip_gen: v7x
topology: tpu7x:2x2x1
jax: 0.10.2.dev20260603
libtpu: 0.0.44.dev20260713+nightly
codegen_flags: <defaults>
</compile_context>

<pallas_src>
import functools

import jax
import jax.numpy as jnp
from jax import lax
from jax.experimental import pallas as pl
from jax.experimental.pallas import tpu as pltpu
from jax.experimental.pallas import tpu_sc as plsc

N_VERTS = 35709
ROW = N_VERTS * 3
ROW_PAD = 107136
BATCH = 128
NUM_WORKERS = 32
ROWS_PER_W = BATCH // NUM_WORKERS

REST, EYE, MOUTH, SPLIT = 0, 1, 2, 3
N_MOUTH = 1700 * 3 * BATCH
N_EYE = 1600 * 3 * BATCH
N_REST = (N_VERTS - 3300) * 3 * BATCH

CH = 24576
UNROLL = 8

_SEGS = ((0, 12000, REST), (12000, 14400, EYE), (14400, 24000, REST),
         (24000, 26400, EYE), (26400, 38400, REST), (38400, 43488, MOUTH),
         (43488, 43504, SPLIT), (43504, ROW_PAD, REST))


def _chunk_table():
    chunks = []
    cs = 0
    while cs < ROW_PAD:
        ce = min(cs + CH, ROW_PAD)
        spans = []
        for s, e, kind in _SEGS:
            lo, hi = max(s, cs), min(e, ce)
            if lo < hi:
                spans.append((lo - cs, hi - lo, kind))
        chunks.append((cs, ce - cs, tuple(spans)))
        cs = ce
    return tuple(chunks)

DMA_CHUNKS = _chunk_table()


def _span_sum(xb, yb, off, nvec):
    a0 = jnp.zeros((16,), jnp.float32)
    a1 = jnp.zeros((16,), jnp.float32)
    n_u = nvec // UNROLL

    if n_u > 0:
        def body(i, accs):
            b0, b1 = accs
            base = off + i * (16 * UNROLL)
            for u in range(UNROLL):
                o = base + u * 16
                v = jnp.abs(xb[pl.ds(o, 16)] - yb[pl.ds(o, 16)])
                if u % 2 == 0:
                    b0 = b0 + v
                else:
                    b1 = b1 + v
            return (b0, b1)
        a0, a1 = lax.fori_loop(0, n_u, body, (a0, a1))
    base = off + n_u * (16 * UNROLL)
    for u in range(nvec % UNROLL):
        o = base + u * 16
        v = jnp.abs(xb[pl.ds(o, 16)] - yb[pl.ds(o, 16)])
        if u % 2 == 0:
            a0 = a0 + v
        else:
            a1 = a1 + v
    return a0 + a1


def _region_l1_sc(x_hbm, y_hbm, out_hbm, xbuf0, xbuf1, ybuf0, ybuf1,
                  accbuf, sem0, sem1):
    wid = lax.axis_index("s") * 2 + lax.axis_index("c")
    zero = jnp.zeros((16,), jnp.float32)
    lane = lax.iota(jnp.int32, 16)
    sems = (sem0, sem1)
    xbufs = (xbuf0, xbuf1)
    ybufs = (ybuf0, ybuf1)
    nchunks = len(DMA_CHUNKS)

    def issue(row, c, slot):
        cs, cl, _ = DMA_CHUNKS[c]
        hx = pltpu.async_copy(x_hbm.at[row, pl.ds(cs, cl)],
                              xbufs[slot].at[pl.ds(0, cl)], sems[slot])
        hy = pltpu.async_copy(y_hbm.at[row, pl.ds(cs, cl)],
                              ybufs[slot].at[pl.ds(0, cl)], sems[slot])
        return hx, hy

    def row_body(r, accs):
        row = wid * ROWS_PER_W + r
        acc = list(accs)
        handles = [None, None]
        handles[0] = issue(row, 0, 0)
        handles[1] = issue(row, 1, 1)
        for c, (cs, cl, spans) in enumerate(DMA_CHUNKS):
            slot = c % 2
            hx, hy = handles[slot]
            hx.wait()
            hy.wait()
            xb, yb = xbufs[slot], ybufs[slot]
            for off, ln, kind in spans:
                if kind == SPLIT:
                    d = jnp.abs(xb[pl.ds(off, 16)] - yb[pl.ds(off, 16)])
                    acc[MOUTH] = acc[MOUTH] + jnp.where(lane < 12, d, 0.0)
                    acc[REST] = acc[REST] + jnp.where(lane >= 12, d, 0.0)
                else:
                    acc[kind] = acc[kind] + _span_sum(xb, yb, off, ln // 16)
            if c + 2 < nchunks:
                handles[slot] = issue(row, c + 2, slot)
        return tuple(acc)

    acc_rest, acc_eye, acc_mouth = lax.fori_loop(
        0, ROWS_PER_W, row_body, (zero, zero, zero))
    accbuf[0, :] = acc_rest
    accbuf[1, :] = acc_eye
    accbuf[2, :] = acc_mouth
    pltpu.sync_copy(accbuf, out_hbm.at[wid])


_PAD_BR = 8


def _pad_tc_body(x_ref, y_ref, xo_ref, yo_ref):
    zcols = jnp.zeros((_PAD_BR, ROW_PAD - ROW), jnp.float32)
    xo_ref[...] = jnp.concatenate([x_ref[...], zcols], axis=1)
    yo_ref[...] = jnp.concatenate([y_ref[...], zcols], axis=1)


@functools.cache
def _build_pad_tc():
    grid = BATCH // _PAD_BR
    in_spec = pl.BlockSpec((_PAD_BR, ROW), lambda i: (i, 0))
    out_spec = pl.BlockSpec((_PAD_BR, ROW_PAD), lambda i: (i, 0))
    return pl.pallas_call(
        _pad_tc_body,
        grid=(grid,),
        in_specs=[in_spec, in_spec],
        out_specs=[out_spec, out_spec],
        out_shape=[jax.ShapeDtypeStruct((BATCH, ROW_PAD), jnp.float32)] * 2,
        compiler_params=pltpu.CompilerParams(
            dimension_semantics=("arbitrary",)),
    )


@functools.cache
def _build_sc_kernel():
    mesh = plsc.VectorSubcoreMesh(core_axis_name="c", subcore_axis_name="s")
    return functools.partial(
        pl.kernel,
        mesh=mesh,
        out_type=jax.ShapeDtypeStruct((NUM_WORKERS, 3, 16), jnp.float32),
        scratch_types=[
            pltpu.VMEM((CH,), jnp.float32),
            pltpu.VMEM((CH,), jnp.float32),
            pltpu.VMEM((CH,), jnp.float32),
            pltpu.VMEM((CH,), jnp.float32),
            pltpu.VMEM((3, 16), jnp.float32),
            pltpu.SemaphoreType.DMA,
            pltpu.SemaphoreType.DMA,
        ],
        compiler_params=pltpu.CompilerParams(use_tc_tiling_on_sc=False),
    )(_region_l1_sc)


def kernel(input, target):
    x, y = _build_pad_tc()(input.reshape(BATCH, ROW),
                           target.reshape(BATCH, ROW))
    partials = _build_sc_kernel()(x, y)
    sums = partials.sum(axis=(0, 2))
    mouth_loss = sums[MOUTH] / N_MOUTH
    eye_loss = sums[EYE] / N_EYE
    rest_loss = sums[REST] / N_REST
    return (mouth_loss, eye_loss, rest_loss)

# --- scband reference (transcript-rebuilt; emitter-appended) ---
"""Pipeline reference for scband-region-vdcloss-14628658610937 (READ-ONLY COPY).

The authoritative reference and input builder live on the scoring server;
editing this copy changes nothing except your own understanding.
"""

import jax, jax.numpy as jnp
import numpy as np

N_VERTS = 35709
# Fixed facial-region vertex index sets (module relies on global mouth_index / eye_index
# from a 3DMM topology with 35709 vertices, e.g. BFM). We use deterministic plausible
# contiguous regions: ~1700 mouth verts, ~1600 eye verts.
mouth_index = np.arange(12800, 14500)
eye_index = np.concatenate([np.arange(4000, 4800), np.arange(8000, 8800)])
all_index = np.arange(0, N_VERTS)
region_index = np.append(mouth_index, eye_index)
rest_index = np.delete(all_index, region_index)

_mi = jnp.asarray(mouth_index)
_ei = jnp.asarray(eye_index)
_ri = jnp.asarray(rest_index)


def setup_inputs(seed: int = 0) -> dict:
    key = jax.random.key(seed)
    k1, k2 = jax.random.split(key)
    inp = jax.random.normal(k1, (128, N_VERTS, 3), dtype=jnp.float32)
    tgt = jax.random.normal(k2, (128, N_VERTS, 3), dtype=jnp.float32)
    return {"input": inp, "target": tgt}


def reference(input, target):
    # mouth region gather
    mouth_input = jnp.take(input, _mi, axis=1)
    mouth_target = jnp.take(target, _mi, axis=1)
    # eye region gather
    eye_input = jnp.take(input, _ei, axis=1)
    eye_target = jnp.take(target, _ei, axis=1)
    # rest region gather
    rest_input = jnp.take(input, _ri, axis=1)
    rest_target = jnp.take(target, _ri, axis=1)
    # L1 losses (mean reduction, matching nn.L1Loss default)
    mouth_loss = jnp.mean(jnp.abs(mouth_input - mouth_target))
    eye_loss = jnp.mean(jnp.abs(eye_input - eye_target))
    rest_loss = jnp.mean(jnp.abs(rest_input - rest_target))
    return (mouth_loss, eye_loss, rest_loss)

if __name__ == "__main__":
    import jax
    _d = setup_inputs()
    print(jax.jit(kernel)(*tuple(_d.values())))

</pallas_src>

<mosaic_0001>
#map = affine_map<(d0, d1) -> (0, 0)>
#map1 = affine_map<(d0, d1) -> (0, 0, 0)>
module attributes {stable_mosaic.version = 14 : i64} {
  func.func @_region_l1_sc(%arg0: i32, %arg1: i32, %arg2: memref<128x107136xf32, #tpu.memory_space<hbm>>, %arg3: memref<128x107136xf32, #tpu.memory_space<hbm>>, %arg4: memref<32x3x16xf32, #tpu.memory_space<hbm>>, %arg5: memref<24576xf32, #tpu.memory_space<vmem>>, %arg6: memref<24576xf32, #tpu.memory_space<vmem>>, %arg7: memref<24576xf32, #tpu.memory_space<vmem>>, %arg8: memref<24576xf32, #tpu.memory_space<vmem>>, %arg9: memref<3x16xf32, #tpu.memory_space<vmem>>, %arg10: memref<!tpu.dma_semaphore, #tpu.memory_space<semaphore_mem>>, %arg11: memref<!tpu.dma_semaphore, #tpu.memory_space<semaphore_mem>>) attributes {dimension_semantics = [#tpu.dimension_semantics<core_parallel>, #tpu.dimension_semantics<subcore_parallel>], iteration_bounds = array<i64: 2, 16>, scalar_prefetch = 0 : i64, scratch_operands = 7 : i64, tpu.core_type = #tpu.core_type<sc_vector_subcore>, window_params = [{transform_indices = #map}, {transform_indices = #map}, {transform_indices = #map1}]} {
    %mul3A = arith.constant 2 : i32
    %mul3A_0 = arith.muli %arg1, %mul3A : i32
    %add3A = arith.addi %mul3A_0, %arg0 : i32
    %broadcast_in_dim3A = arith.constant 0.000000e+00 : f32
    %broadcast_in_dim3A_1 = vector.broadcast %broadcast_in_dim3A : f32 to vector<16xf32>
    %iota3A = tpu.iota {dimensions = array<i32: 0>} : vector<16xi32>
    %scan3A = arith.constant 0 : i32
    %scan3A_2 = arith.constant 4 : i32
    %scan3A_3 = arith.addi %scan3A, %scan3A_2 : i32
    %scan3A_4 = arith.constant 1 : i32
    %scan3A_5:3 = scf.for %scan3A_24 = %scan3A to %scan3A_3 step %scan3A_4 iter_args(%scan3A_25 = %broadcast_in_dim3A_1, %scan3A_26 = %broadcast_in_dim3A_1, %scan3A_27 = %broadcast_in_dim3A_1) -> (vector<16xf32>, vector<16xf32>, vector<16xf32>)  : i32 {
      %mul3A_28 = arith.constant 4 : i32
      %mul3A_29 = arith.muli %add3A, %mul3A_28 : i32
      %add3A_30 = arith.addi %mul3A_29, %scan3A_24 : i32
      %dma_start3A = arith.constant 0 : i32
      %dma_start3A_31 = tpu.memref_slice %arg5[%dma_start3A] : memref<24576xf32, #tpu.memory_space<vmem>> -> memref<24576xf32, #tpu.memory_space<vmem>>
      %dma_start3A_32 = arith.constant 0 : i32
      %dma_start3A_33 = tpu.memref_slice %arg2[%add3A_30, %dma_start3A_32] : memref<128x107136xf32, #tpu.memory_space<hbm>> -> memref<1x24576xf32, #tpu.memory_space<hbm>>
      %dma_start3A_34 = tpu.memref_squeeze %dma_start3A_33 : memref<1x24576xf32, #tpu.memory_space<hbm>> -> memref<24576xf32, #tpu.memory_space<hbm>>
      %dma_start3A_35 = arith.constant 0 : i32
      %dma_start3A_36 = tpu.memref_slice %arg5[%dma_start3A_35] : memref<24576xf32, #tpu.memory_space<vmem>> -> memref<24576xf32, #tpu.memory_space<vmem>>
      %dma_start3A_37 = arith.constant 0 : i32
      %dma_start3A_38 = tpu.memref_slice %arg2[%add3A_30, %dma_start3A_37] : memref<128x107136xf32, #tpu.memory_space<hbm>> -> memref<1x24576xf32, #tpu.memory_space<hbm>>
      %dma_start3A_39 = tpu.memref_squeeze %dma_start3A_38 : memref<1x24576xf32, #tpu.memory_space<hbm>> -> memref<24576xf32, #tpu.memory_space<hbm>>
      tpu.enqueue_dma source(%dma_start3A_39 : memref<24576xf32, #tpu.memory_space<hbm>>) target(%dma_start3A_36 : memref<24576xf32, #tpu.memory_space<vmem>>) target_semaphore(%arg10 : memref<!tpu.dma_semaphore, #tpu.memory_space<semaphore_mem>>)
      %dma_start3A_40 = arith.constant 0 : i32
      %dma_start3A_41 = tpu.memref_slice %arg7[%dma_start3A_40] : memref<24576xf32, #tpu.memory_space<vmem>> -> memref<24576xf32, #tpu.memory_space<vmem>>
      %dma_start3A_42 = arith.constant 0 : i32
      %dma_start3A_43 = tpu.memref_slice %arg3[%add3A_30, %dma_start3A_42] : memref<128x107136xf32, #tpu.memory_space<hbm>> -> memref<1x24576xf32, #tpu.memory_space<hbm>>
      %dma_start3A_44 = tpu.memref_squeeze %dma_start3A_43 : memref<1x24576xf32, #tpu.memory_space<hbm>> -> memref<24576xf32, #tpu.memory_space<hbm>>
      %dma_start3A_45 = arith.constant 0 : i32
      %dma_start3A_46 = tpu.memref_slice %arg7[%dma_start3A_45] : memref<24576xf32, #tpu.memory_space<vmem>> -> memref<24576xf32, #tpu.memory_space<vmem>>
      %dma_start3A_47 = arith.constant 0 : i32
      %dma_start3A_48 = tpu.memref_slice %arg3[%add3A_30, %dma_start3A_47] : memref<128x107136xf32, #tpu.memory_space<hbm>> -> memref<1x24576xf32, #tpu.memory_space<hbm>>
      %dma_start3A_49 = tpu.memref_squeeze %dma_start3A_48 : memref<1x24576xf32, #tpu.memory_space<hbm>> -> memref<24576xf32, #tpu.memory_space<hbm>>
      tpu.enqueue_dma source(%dma_start3A_49 : memref<24576xf32, #tpu.memory_space<hbm>>) target(%dma_start3A_46 : memref<24576xf32, #tpu.memory_space<vmem>>) target_semaphore(%arg10 : memref<!tpu.dma_semaphore, #tpu.memory_space<semaphore_mem>>)
      %dma_start3A_50 = arith.constant 0 : i32
      %dma_start3A_51 = tpu.memref_slice %arg6[%dma_start3A_50] : memref<24576xf32, #tpu.memory_space<vmem>> -> memref<24576xf32, #tpu.memory_space<vmem>>
      %dma_start3A_52 = arith.constant 24576 : i32
      %dma_start3A_53 = tpu.memref_slice %arg2[%add3A_30, %dma_start3A_52] : memref<128x107136xf32, #tpu.memory_space<hbm>> -> memref<1x24576xf32, #tpu.memory_space<hbm>>
      %dma_start3A_54 = tpu.memref_squeeze %dma_start3A_53 : memref<1x24576xf32, #tpu.memory_space<hbm>> -> memref<24576xf32, #tpu.memory_space<hbm>>
      %dma_start3A_55 = arith.constant 0 : i32
      %dma_start3A_56 = tpu.memref_slice %arg6[%dma_start3A_55] : memref<24576xf32, #tpu.memory_space<vmem>> -> memref<24576xf32, #tpu.memory_space<vmem>>
      %dma_start3A_57 = arith.constant 24576 : i32
      %dma_start3A_58 = tpu.memref_slice %arg2[%add3A_30, %dma_start3A_57] : memref<128x107136xf32, #tpu.memory_space<hbm>> -> memref<1x24576xf32, #tpu.memory_space<hbm>>
      %dma_start3A_59 = tpu.memref_squeeze %dma_start3A_58 : memref<1x24576xf32, #tpu.memory_space<hbm>> -> memref<24576xf32, #tpu.memory_space<hbm>>
      tpu.enqueue_dma source(%dma_start3A_59 : memref<24576xf32, #tpu.memory_space<hbm>>) target(%dma_start3A_56 : memref<24576xf32, #tpu.memory_space<vmem>>) target_semaphore(%arg11 : memref<!tpu.dma_semaphore, #tpu.memory_space<semaphore_mem>>)
      %dma_start3A_60 = arith.constant 0 : i32
      %dma_start3A_61 = tpu.memref_slice %arg8[%dma_start3A_60] : memref<24576xf32, #tpu.memory_space<vmem>> -> memref<24576xf32, #tpu.memory_space<vmem>>
      %dma_start3A_62 = arith.constant 24576 : i32
      %dma_start3A_63 = tpu.memref_slice %arg3[%add3A_30, %dma_start3A_62] : memref<128x107136xf32, #tpu.memory_space<hbm>> -> memref<1x24576xf32, #tpu.memory_space<hbm>>
      %dma_start3A_64 = tpu.memref_squeeze %dma_start3A_63 : memref<1x24576xf32, #tpu.memory_space<hbm>> -> memref<24576xf32, #tpu.memory_space<hbm>>
      %dma_start3A_65 = arith.constant 0 : i32
      %dma_start3A_66 = tpu.memref_slice %arg8[%dma_start3A_65] : memref<24576xf32, #tpu.memory_space<vmem>> -> memref<24576xf32, #tpu.memory_space<vmem>>
      %dma_start3A_67 = arith.constant 24576 : i32
      %dma_start3A_68 = tpu.memref_slice %arg3[%add3A_30, %dma_start3A_67] : memref<128x107136xf32, #tpu.memory_space<hbm>> -> memref<1x24576xf32, #tpu.memory_space<hbm>>
      %dma_start3A_69 = tpu.memref_squeeze %dma_start3A_68 : memref<1x24576xf32, #tpu.memory_space<hbm>> -> memref<24576xf32, #tpu.memory_space<hbm>>
      tpu.enqueue_dma source(%dma_start3A_69 : memref<24576xf32, #tpu.memory_space<hbm>>) target(%dma_start3A_66 : memref<24576xf32, #tpu.memory_space<vmem>>) target_semaphore(%arg11 : memref<!tpu.dma_semaphore, #tpu.memory_space<semaphore_mem>>)
      %dma_wait3A = arith.constant 0 : i32
      %dma_wait3A_70 = tpu.memref_slice %arg5[%dma_wait3A] : memref<24576xf32, #tpu.memory_space<vmem>> -> memref<24576xf32, #tpu.memory_space<vmem>>
      %dma_wait3A_71 = arith.constant 0 : i32
      %dma_wait3A_72 = tpu.memref_slice %arg2[%add3A_30, %dma_wait3A_71] : memref<128x107136xf32, #tpu.memory_space<hbm>> -> memref<1x24576xf32, #tpu.memory_space<hbm>>
      %dma_wait3A_73 = tpu.memref_squeeze %dma_wait3A_72 : memref<1x24576xf32, #tpu.memory_space<hbm>> -> memref<24576xf32, #tpu.memory_space<hbm>>
      %dma_wait3A_74 = arith.constant 0 : i32
      %dma_wait3A_75 = tpu.memref_slice %arg5[%dma_wait3A_74] : memref<24576xf32, #tpu.memory_space<vmem>> -> memref<24576xf32, #tpu.memory_space<vmem>>
      %dma_wait3A_76 = arith.constant 0 : i32
      %dma_wait3A_77 = tpu.memref_slice %arg2[%add3A_30, %dma_wait3A_76] : memref<128x107136xf32, #tpu.memory_space<hbm>> -> memref<1x24576xf32, #tpu.memory_space<hbm>>
      %dma_wait3A_78 = tpu.memref_squeeze %dma_wait3A_77 : memref<1x24576xf32, #tpu.memory_space<hbm>> -> memref<24576xf32, #tpu.memory_space<hbm>>
      tpu.wait_dma2 semaphore(%arg10 : memref<!tpu.dma_semaphore, #tpu.memory_space<semaphore_mem>>) src(%dma_wait3A_78 : memref<24576xf32, #tpu.memory_space<hbm>>) dst(%dma_wait3A_75 : memref<24576xf32, #tpu.memory_space<vmem>>)
      %dma_wait3A_79 = arith.constant 0 : i32
      %dma_wait3A_80 = tpu.memref_slice %arg7[%dma_wait3A_79] : memref<24576xf32, #tpu.memory_space<vmem>> -> memref<24576xf32, #tpu.memory_space<vmem>>
      %dma_wait3A_81 = arith.constant 0 : i32
      %dma_wait3A_82 = tpu.memref_slice %arg3[%add3A_30, %dma_wait3A_81] : memref<128x107136xf32, #tpu.memory_space<hbm>> -> memref<1x24576xf32, #tpu.memory_space<hbm>>
      %dma_wait3A_83 = tpu.memref_squeeze %dma_wait3A_82 : memref<1x24576xf32, #tpu.memory_space<hbm>> -> memref<24576xf32, #tpu.memory_space<hbm>>
      %dma_wait3A_84 = arith.constant 0 : i32
      %dma_wait3A_85 = tpu.memref_slice %arg7[%dma_wait3A_84] : memref<24576xf32, #tpu.memory_space<vmem>> -> memref<24576xf32, #tpu.memory_space<vmem>>
      %dma_wait3A_86 = arith.constant 0 : i32
      %dma_wait3A_87 = tpu.memref_slice %arg3[%add3A_30, %dma_wait3A_86] : memref<128x107136xf32, #tpu.memory_space<hbm>> -> memref<1x24576xf32, #tpu.memory_space<hbm>>
      %dma_wait3A_88 = tpu.memref_squeeze %dma_wait3A_87 : memref<1x24576xf32, #tpu.memory_space<hbm>> -> memref<24576xf32, #tpu.memory_space<hbm>>
      tpu.wait_dma2 semaphore(%arg10 : memref<!tpu.dma_semaphore, #tpu.memory_space<semaphore_mem>>) src(%dma_wait3A_88 : memref<24576xf32, #tpu.memory_space<hbm>>) dst(%dma_wait3A_85 : memref<24576xf32, #tpu.memory_space<vmem>>)
      %broadcast_in_dim3A_89 = arith.constant 0.000000e+00 : f32
      %broadcast_in_dim3A_90 = vector.broadcast %broadcast_in_dim3A_89 : f32 to vector<16xf32>
      %broadcast_in_dim3A_91 = arith.constant 0.000000e+00 : f32
      %broadcast_in_dim3A_92 = vector.broadcast %broadcast_in_dim3A_91 : f32 to vector<16xf32>
      %scan3A_93 = arith.constant 0 : i32
      %scan3A_94 = arith.constant 93 : i32
      %scan3A_95 = arith.addi %scan3A_93, %scan3A_94 : i32
      %scan3A_96 = arith.constant 1 : i32
      %scan3A_97:2 = scf.for %scan3A_655 = %scan3A_93 to %scan3A_95 step %scan3A_96 iter_args(%scan3A_656 = %broadcast_in_dim3A_90, %scan3A_657 = %broadcast_in_dim3A_92) -> (vector<16xf32>, vector<16xf32>)  : i32 {
        %mul3A_658 = arith.constant 128 : i32
        %mul3A_659 = arith.muli %scan3A_655, %mul3A_658 : i32
        %add3A_660 = arith.constant 0 : i32
        %add3A_661 = arith.addi %add3A_660, %mul3A_659 : i32
        %add3A_662 = arith.constant 0 : i32
        %add3A_663 = arith.addi %add3A_661, %add3A_662 : i32
        %get3A_664 = arith.index_cast %add3A_663 : i32 to index
        %get3A_665 = tpu.vector_load %arg5[%get3A_664] {strides = array<i32>} : memref<24576xf32, #tpu.memory_space<vmem>>, vector<16xf32>,
        %get3A_666 = vector.shape_cast %get3A_665 : vector<16xf32> to vector<16xf32>
        %get3A_667 = arith.index_cast %add3A_663 : i32 to index
        %get3A_668 = tpu.vector_load %arg7[%get3A_667] {strides = array<i32>} : memref<24576xf32, #tpu.memory_space<vmem>>, vector<16xf32>,
        %get3A_669 = vector.shape_cast %get3A_668 : vector<16xf32> to vector<16xf32>
        %sub3A_670 = arith.subf %get3A_666, %get3A_669 : vector<16xf32>
        %abs3A_671 = math.absf %sub3A_670 : vector<16xf32>
        %add3A_672 = arith.addf %scan3A_656, %abs3A_671 : vector<16xf32>
        %add3A_673 = arith.constant 16 : i32
        %add3A_674 = arith.addi %add3A_661, %add3A_673 : i32
        %get3A_675 = arith.index_cast %add3A_674 : i32 to index
        %get3A_676 = tpu.vector_load %arg5[%get3A_675] {strides = array<i32>} : memref<24576xf32, #tpu.memory_space<vmem>>, vector<16xf32>,
        %get3A_677 = vector.shape_cast %get3A_676 : vector<16xf32> to vector<16xf32>
        %get3A_678 = arith.index_cast %add3A_674 : i32 to index
        %get3A_679 = tpu.vector_load %arg7[%get3A_678] {strides = array<i32>} : memref<24576xf32, #tpu.memory_space<vmem>>, vector<16xf32>,
        %get3A_680 = vector.shape_cast %get3A_679 : vector<16xf32> to vector<16xf32>
        %sub3A_681 = arith.subf %get3A_677, %get3A_680 : vector<16xf32>
        %abs3A_682 = math.absf %sub3A_681 : vector<16xf32>
        %add3A_683 = arith.addf %scan3A_657, %abs3A_682 : vector<16xf32>
        %add3A_684 = arith.constant 32 : i32
        %add3A_685 = arith.addi %add3A_661, %add3A_684 : i32
        %get3A_686 = arith.index_cast %add3A_685 : i32 to index
        %get3A_687 = tpu.vector_load %arg5[%get3A_686] {strides = array<i32>} : memref<24576xf32, #tpu.memory_space<vmem>>, vector<16xf32>,
        %get3A_688 = vector.shape_cast %get3A_687 : vector<16xf32> to vector<16xf32>
        %get3A_689 = arith.index_cast %add3A_685 : i32 to index
        %get3A_690 = tpu.vector_load %arg7[%get3A_689] {strides = array<i32>} : memref<24576xf32, #tpu.memory_space<vmem>>, vector<16xf32>,
        %get3A_691 = vector.shape_cast %get3A_690 : vector<16xf32> to vector<16xf32>
        %sub3A_692 = arith.subf %get3A_688, %get3A_691 : vector<16xf32>
        %abs3A_693 = math.absf %sub3A_692 : vector<16xf32>
        %add3A_694 = arith.addf %add3A_672, %abs3A_693 : vector<16xf32>
        %add3A_695 = arith.constant 48 : i32
        %add3A_696 = arith.addi %add3A_661, %add3A_695 : i32
        %get3A_697 = arith.index_cast %add3A_696 : i32 to index
        %get3A_698 = tpu.vector_load %arg5[%get3A_697] {strides = array<i32>} : memref<24576xf32, #tpu.memory_space<vmem>>, vector<16xf32>,
        %get3A_699 = vector.shape_cast %get3A_698 : vector<16xf32> to vector<16xf32>
        %get3A_700 = arith.index_cast %add3A_696 : i32 to index
        %get3A_701 = tpu.vector_load %arg7[%get3A_700] {strides = array<i32>} : memref<24576xf32, #tpu.memory_space<vmem>>, vector<16xf32>,
        %get3A_702 = vector.shape_cast %get3A_701 : vector<16xf32> to vector<16xf32>
        %sub3A_703 = arith.subf %get3A_699, %get3A_702 : vector<16xf32>
        %abs3A_704 = math.absf %sub3A_703 : vector<16xf32>
        %add3A_705 = arith.addf %add3A_683, %abs3A_704 : vector<16xf32>
        %add3A_706 = arith.constant 64 : i32
        %add3A_707 = arith.addi %add3A_661, %add3A_706 : i32
        %get3A_708 = arith.index_cast %add3A_707 : i32 to index
        %get3A_709 = tpu.vector_load %arg5[%get3A_708] {strides = array<i32>} : memref<24576xf32, #tpu.memory_space<vmem>>, vector<16xf32>,
        %get3A_710 = vector.shape_cast %get3A_709 : vector<16xf32> to vector<16xf32>
        %get3A_711 = arith.index_cast %add3A_707 : i32 to index
        %get3A_712 = tpu.vector_load %arg7[%get3A_711] {strides = array<i32>} : memref<24576xf32, #tpu.memory_space<vmem>>, vector<16xf32>,
        %get3A_713 = vector.shape_cast %get3A_712 : vector<16xf32> to vector<16xf32>
        %sub3A_714 = arith.subf %get3A_710, %get3A_713 : vector<16xf32>
        %abs3A_715 = math.absf %sub3A_714 : vector<16xf32>
        %add3A_716 = arith.addf %add3A_694, %abs3A_715 : vector<16xf32>
        %add3A_717 = arith.constant 80 : i32
        %add3A_718 = arith.addi %add3A_661, %add3A_717 : i32
        %get3A_719 = arith.index_cast %add3A_718 : i32 to index
        %get3A_720 = tpu.vector_load %arg5[%get3A_719] {strides = array<i32>} : memref<24576xf32, #tpu.memory_space<vmem>>, vector<16xf32>,
        %get3A_721 = vector.shape_cast %get3A_720 : vector<16xf32> to vector<16xf32>
        %get3A_722 = arith.index_cast %add3A_718 : i32 to index
        %get3A_723 = tpu.vector_load %arg7[%get3A_722] {strides = array<i32>} : memref<24576xf32, #tpu.memory_space<vmem>>, vector<16xf32>,
        %get3A_724 = vector.shape_cast %get3A_723 : vector<16xf32> to vector<16xf32>
        %sub3A_725 = arith.subf %get3A_721, %get3A_724 : vector<16xf32>
        %abs3A_726 = math.absf %sub3A_725 : vector<16xf32>
        %add3A_727 = arith.addf %add3A_705, %abs3A_726 : vector<16xf32>
        %add3A_728 = arith.constant 96 : i32
        %add3A_729 = arith.addi %add3A_661, %add3A_728 : i32
        %get3A_730 = arith.index_cast %add3A_729 : i32 to index
        %get3A_731 = tpu.vector_load %arg5[%get3A_730] {strides = array<i32>} : memref<24576xf32, #tpu.memory_space<vmem>>, vector<16xf32>,
        %get3A_732 = vector.shape_cast %get3A_731 : vector<16xf32> to vector<16xf32>
        %get3A_733 = arith.index_cast %add3A_729 : i32 to index
        %get3A_734 = tpu.vector_load %arg7[%get3A_733] {strides = array<i32>} : memref<24576xf32, #tpu.memory_space<vmem>>, vector<16xf32>,
        %get3A_735 = vector.shape_cast %get3A_734 : vector<16xf32> to vector<16xf32>
        %sub3A_736 = arith.subf %get3A_732, %get3A_735 : vector<16xf32>
        %abs3A_737 = math.absf %sub3A_736 : vector<16xf32>
        %add3A_738 = arith.addf %add3A_716, %abs3A_737 : vector<16xf32>
        %add3A_739 = arith.constant 112 : i32
        %add3A_740 = arith.addi %add3A_661, %add3A_739 : i32
        %get3A_741 = arith.index_cast %add3A_740 : i32 to index
        %get3A_742 = tpu.vector_load %arg5[%get3A_741] {strides = array<i32>} : memref<24576xf32, #tpu.memory_space<vmem>>, vector<16xf32>,
        %get3A_743 = vector.shape_cast %get3A_742 : vector<16xf32> to vector<16xf32>
        %get3A_744 = arith.index_cast %add3A_740 : i32 to index
        %get3A_745 = tpu.vector_load %arg7[%get3A_744] {strides = array<i32>} : memref<24576xf32, #tpu.memory_space<vmem>>, vector<16xf32>,
        %get3A_746 = vector.shape_cast %get3A_745 : vector<16xf32> to vector<16xf32>
        %sub3A_747 = arith.subf %get3A_743, %get3A_746 : vector<16xf32>
        %abs3A_748 = math.absf %sub3A_747 : vector<16xf32>
        %add3A_749 = arith.addf %add3A_727, %abs3A_748 : vector<16xf32>
        scf.yield %add3A_738, %add3A_749 : vector<16xf32>, vector<16xf32>
      }
      %scan3A_98 = arith.constant 93 : i32
      %get3A = arith.constant 11904 : index
      %get3A_99 = tpu.vector_load %arg5[%get3A] {strides = array<i32>} : memref<24576xf32, #tpu.memory_space<vmem>>, vector<16xf32>,
      %get3A_100 = vector.shape_cast %get3A_99 : vector<16xf32> to vector<16xf32>
      %get3A_101 = arith.constant 11904 : index
      %get3A_102 = tpu.vector_load %arg7[%get3A_101] {strides = array<i32>} : memref<24576xf32, #tpu.memory_space<vmem>>, vector<16xf32>,
      %get3A_103 = vector.shape_cast %get3A_102 : vector<16xf32> to vector<16xf32>
      %sub3A = arith.subf %get3A_100, %get3A_103 : vector<16xf32>
      %abs3A = math.absf %sub3A : vector<16xf32>
      %add3A_104 = arith.addf %scan3A_97#0, %abs3A : vector<16xf32>
      %get3A_105 = arith.constant 11920 : index
      %get3A_106 = tpu.vector_load %arg5[%get3A_105] {strides = array<i32>} : memref<24576xf32, #tpu.memory_space<vmem>>, vector<16xf32>,
      %get3A_107 = vector.shape_cast %get3A_106 : vector<16xf32> to vector<16xf32>
      %get3A_108 = arith.constant 11920 : index
      %get3A_109 = tpu.vector_load %arg7[%get3A_108] {strides = array<i32>} : memref<24576xf32, #tpu.memory_space<vmem>>, vector<16xf32>,
      %get3A_110 = vector.shape_cast %get3A_109 : vector<16xf32> to vector<16xf32>
      %sub3A_111 = arith.subf %get3A_107, %get3A_110 : vector<16xf32>
      %abs3A_112 = math.absf %sub3A_111 : vector<16xf32>
      %add3A_113 = arith.addf %scan3A_97#1, %abs3A_112 : vector<16xf32>
      %get3A_114 = arith.constant 11936 : index
      %get3A_115 = tpu.vector_load %arg5[%get3A_114] {strides = array<i32>} : memref<24576xf32, #tpu.memory_space<vmem>>, vector<16xf32>,
      %get3A_116 = vector.shape_cast %get3A_115 : vector<16xf32> to vector<16xf32>
      %get3A_117 = arith.constant 11936 : index
      %get3A_118 = tpu.vector_load %arg7[%get3A_117] {strides = array<i32>} : memref<24576xf32, #tpu.memory_space<vmem>>, vector<16xf32>,
      %get3A_119 = vector.shape_cast %get3A_118 : vector<16xf32> to vector<16xf32>
      %sub3A_120 = arith.subf %get3A_116, %get3A_119 : vector<16xf32>
      %abs3A_121 = math.absf %sub3A_120 : vector<16xf32>
      %add3A_122 = arith.addf %add3A_104, %abs3A_121 : vector<16xf32>
      %get3A_123 = arith.constant 11952 : index
      %get3A_124 = tpu.vector_load %arg5[%get3A_123] {strides = array<i32>} : memref<24576xf32, #tpu.memory_space<vmem>>, vector<16xf32>,
      %get3A_125 = vector.shape_cast %get3A_124 : vector<16xf32> to vector<16xf32>
      %get3A_126 = arith.constant 11952 : index
      %get3A_127 = tpu.vector_load %arg7[%get3A_126] {strides = array<i32>} : memref<24576xf32, #tpu.memory_space<vmem>>, vector<16xf32>,
      %get3A_128 = vector.shape_cast %get3A_127 : vector<16xf32> to vector<16xf32>
      %sub3A_129 = arith.subf %get3A_125, %get3A_128 : vector<16xf32>
      %abs3A_130 = math.absf %sub3A_129 : vector<16xf32>
      %add3A_131 = arith.addf %add3A_113, %abs3A_130 : vector<16xf32>
      %get3A_132 = arith.constant 11968 : index
      %get3A_133 = tpu.vector_load %arg5[%get3A_132] {strides = array<i32>} : memref<24576xf32, #tpu.memory_space<vmem>>, vector<16xf32>,
      %get3A_134 = vector.shape_cast %get3A_133 : vector<16xf32> to vector<16xf32>
      %get3A_135 = arith.constant 11968 : index
      %get3A_136 = tpu.vector_load %arg7[%get3A_135] {strides = array<i32>} : memref<24576xf32, #tpu.memory_space<vmem>>, vector<16xf32>,
      %get3A_137 = vector.shape_cast %get3A_136 : vector<16xf32> to vector<16xf32>
      %sub3A_138 = arith.subf %get3A_134, %get3A_137 : vector<16xf32>
      %abs3A_139 = math.absf %sub3A_138 : vector<16xf32>
      %add3A_140 = arith.addf %add3A_122, %abs3A_139 : vector<16xf32>
      %get3A_141 = arith.constant 11984 : index
      %get3A_142 = tpu.vector_load %arg5[%get3A_141] {strides = array<i32>} : memref<24576xf32, #tpu.memory_space<vmem>>, vector<16xf32>,
      %get3A_143 = vector.shape_cast %get3A_142 : vector<16xf32> to vector<16xf32>
      %get3A_144 = arith.constant 11984 : index
      %get3A_145 = tpu.vector_load %arg7[%get3A_144] {strides = array<i32>} : memref<24576xf32, #tpu.memory_space<vmem>>, vector<16xf32>,
      %get3A_146 = vector.shape_cast %get3A_145 : vector<16xf32> to vector<16xf32>
      %sub3A_147 = arith.subf %get3A_143, %get3A_146 : vector<16xf32>
      %abs3A_148 = math.absf %sub3A_147 : vector<16xf32>
      %add3A_149 = arith.addf %add3A_131, %abs3A_148 : vector<16xf32>
      %add3A_150 = arith.addf %add3A_140, %add3A_149 : vector<16xf32>
      %add3A_151 = arith.addf %scan3A_25, %add3A_150 : vector<16xf32>
      %broadcast_in_dim3A_152 = arith.constant 0.000000e+00 : f32
      %broadcast_in_dim3A_153 = vector.broadcast %broadcast_in_dim3A_152 : f32 to vector<16xf32>
      %broadcast_in_dim3A_154 = arith.constant 0.000000e+00 : f32
      %broadcast_in_dim3A_155 = vector.broadcast %broadcast_in_dim3A_154 : f32 to vector<16xf32>
      %scan3A_156 = arith.constant 0 : i32
      %scan3A_157 = arith.constant 18 : i32
      %scan3A_158 = arith.addi %scan3A_156, %scan3A_157 : i32
      %scan3A_159 = arith.constant 1 : i32
      %scan3A_160:2 = scf.for %scan3A_655 = %scan3A_156 to %scan3A_158 step %scan3A_159 iter_args(%scan3A_656 = %broadcast_in_dim3A_153, %scan3A_657 = %broadcast_in_dim3A_155) -> (vector<16xf32>, vector<16xf32>)  : i32 {
        %mul3A_658 = arith.constant 128 : i32
        %mul3A_659 = arith.muli %scan3A_655, %mul3A_658 : i32
        %add3A_660 = arith.constant 12000 : i32
        %add3A_661 = arith.addi %add3A_660, %mul3A_659 : i32
        %add3A_662 = arith.constant 0 : i32
        %add3A_663 = arith.addi %add3A_661, %add3A_662 : i32
        %get3A_664 = arith.index_cast %add3A_663 : i32 to index
        %get3A_665 = tpu.vector_load %arg5[%get3A_664] {strides = array<i32>} : memref<24576xf32, #tpu.memory_space<vmem>>, vector<16xf32>,
        %get3A_666 = vector.shape_cast %get3A_665 : vector<16xf32> to vector<16xf32>
        %get3A_667 = arith.index_cast %add3A_663 : i32 to index
        %get3A_668 = tpu.vector_load %arg7[%get3A_667] {strides = array<i32>} : memref<24576xf32, #tpu.memory_space<vmem>>, vector<16xf32>,
        %get3A_669 = vector.shape_cast %get3A_668 : vector<16xf32> to vector<16xf32>
        %sub3A_670 = arith.subf %get3A_666, %get3A_669 : vector<16xf32>
        %abs3A_671 = math.absf %sub3A_670 : vector<16xf32>
        %add3A_672 = arith.addf %scan3A_656, %abs3A_671 : vector<16xf32>
        %add3A_673 = arith.constant 16 : i32
        %add3A_674 = arith.addi %add3A_661, %add3A_673 : i32
        %get3A_675 = arith.index_cast %add3A_674 : i32 to index
        %get3A_676 = tpu.vector_load %arg5[%get3A_675] {strides = array<i32>} : memref<24576xf32, #tpu.memory_space<vmem>>, vector<16xf32>,
        %get3A_677 = vector.shape_cast %get3A_676 : vector<16xf32> to vector<16xf32>
        %get3A_678 = arith.index_cast %add3A_674 : i32 to index
        %get3A_679 = tpu.vector_load %arg7[%get3A_678] {strides = array<i32>} : memref<24576xf32, #tpu.memory_space<vmem>>, vector<16xf32>,
        %get3A_680 = vector.shape_cast %get3A_679 : vector<16xf32> to vector<16xf32>
        %sub3A_681 = arith.subf %get3A_677, %get3A_680 : vector<16xf32>
        %abs3A_682 = math.absf %sub3A_681 : vector<16xf32>
        %add3A_683 = arith.addf %scan3A_657, %abs3A_682 : vector<16xf32>
        %add3A_684 = arith.constant 32 : i32
        %add3A_685 = arith.addi %add3A_661, %add3A_684 : i32
        %get3A_686 = arith.index_cast %add3A_685 : i32 to index
        %get3A_687 = tpu.vector_load %arg5[%get3A_686] {strides = array<i32>} : memref<24576xf32, #tpu.memory_space<vmem>>, vector<16xf32>,
        %get3A_688 = vector.shape_cast %get3A_687 : vector<16xf32> to vector<16xf32>
        %get3A_689 = arith.index_cast %add3A_685 : i32 to index
        %get3A_690 = tpu.vector_load %arg7[%get3A_689] {strides = array<i32>} : memref<24576xf32, #tpu.memory_space<vmem>>, vector<16xf32>,
        %get3A_691 = vector.shape_cast %get3A_690 : vector<16xf32> to vector<16xf32>
        %sub3A_692 = arith.subf %get3A_688, %get3A_691 : vector<16xf32>
        %abs3A_693 = math.absf %sub3A_692 : vector<16xf32>
        %add3A_694 = arith.addf %add3A_672, %abs3A_693 : vector<16xf32>
        %add3A_695 = arith.constant 48 : i32
        %add3A_696 = arith.addi %add3A_661, %add3A_695 : i32
        %get3A_697 = arith.index_cast %add3A_696 : i32 to index
        %get3A_698 = tpu.vector_load %arg5[%get3A_697] {strides = array<i32>} : memref<24576xf32, #tpu.memory_space<vmem>>, vector<16xf32>,
        %get3A_699 = vector.shape_cast %get3A_698 : vector<16xf32> to vector<16xf32>
        %get3A_700 = arith.index_cast %add3A_696 : i32 to index
        %get3A_701 = tpu.vector_load %arg7[%get3A_700] {strides = array<i32>} : memref<24576xf32, #tpu.memory_space<vmem>>, vector<16xf32>,
        %get3A_702 = vector.shape_cast %get3A_701 : vector<16xf32> to vector<16xf32>
        %sub3A_703 = arith.subf %get3A_699, %get3A_702 : vector<16xf32>
        %abs3A_704 = math.absf %sub3A_703 : vector<16xf32>
        %add3A_705 = arith.addf %add3A_683, %abs3A_704 : vector<16xf32>
        %add3A_706 = arith.constant 64 : i32
        %add3A_707 = arith.addi %add3A_661, %add3A_706 : i32
        %get3A_708 = arith.index_cast %add3A_707 : i32 to index
        %get3A_709 = tpu.vector_load %arg5[%get3A_708] {strides = array<i32>} : memref<24576xf32, #tpu.memory_space<vmem>>, vector<16xf32>,
        %get3A_710 = vector.shape_cast %get3A_709 : vector<16xf32> to vector<16xf32>
        %get3A_711 = arith.index_cast %add3A_707 : i32 to index
        %get3A_712 = tpu.vector_load %arg7[%get3A_711] {strides = array<i32>} : memref<24576xf32, #tpu.memory_space<vmem>>, vector<16xf32>,
        %get3A_713 = vector.shape_cast %get3A_712 : vector<16xf32> to vector<16xf32>
        %sub3A_714 = arith.subf %get3A_710, %get3A_713 : vector<16xf32>
        %abs3A_715 = math.absf %sub3A_714 : vector<16xf32>
        %add3A_716 = arith.addf %add3A_694, %abs3A_715 : vector<16xf32>
        %add3A_717 = arith.constant 80 : i32
        %add3A_718 = arith.addi %add3A_661, %add3A_717 : i32
        %get3A_719 = arith.index_cast %add3A_718 : i32 to index
        %get3A_720 = tpu.vector_load %arg5[%get3A_719] {strides = array<i32>} : memref<24576xf32, #tpu.memory_space<vmem>>, vector<16xf32>,
        %get3A_721 = vector.shape_cast %get3A_720 : vector<16xf32> to vector<16xf32>
        %get3A_722 = arith.index_cast %add3A_718 : i32 to index
        %get3A_723 = tpu.vector_load %arg7[%get3A_722] {strides = array<i32>} : memref<24576xf32, #tpu.memory_space<vmem>>, vector<16xf32>,
        %get3A_724 = vector.shape_cast %get3A_723 : vector<16xf32> to vector<16xf32>
        %sub3A_725 = arith.subf %get3A_721, %get3A_724 : vector<16xf32>
        %abs3A_726 = math.absf %sub3A_725 : vector<16xf32>
        %add3A_727 = arith.addf %add3A_705, %abs3A_726 : vector<16xf32>
        %add3A_728 = arith.constant 96 : i32
        %add3A_729 = arith.addi %add3A_661, %add3A_728 : i32
        %get3A_730 = arith.index_cast %add3A_729 : i32 to index
        %get3A_731 = tpu.vector_load %arg5[%get3A_730] {strides = array<i32>} : memref<24576xf32, #tpu.memory_space<vmem>>, vector<16xf32>,
        %get3A_732 = vector.shape_cast %get3A_731 : vector<16xf32> to vector<16xf32>
        %get3A_733 = arith.index_cast %add3A_729 : i32 to index
        %get3A_734 = tpu.vector_load %arg7[%get3A_733] {strides = array<i32>} : memref<24576xf32, #tpu.memory_space<vmem>>, vector<16xf32>,
        %get3A_735 = vector.shape_cast %get3A_734 : vector<16xf32> to vector<16xf32>
        %sub3A_736 = arith.subf %get3A_732, %get3A_735 : vector<16xf32>
        %abs3A_737 = math.absf %sub3A_736 : vector<16xf32>
        %add3A_738 = arith.addf %add3A_716, %abs3A_737 : vector<16xf32>
        %add3A_739 = arith.constant 112 : i32
        %add3A_740 = arith.addi %add3A_661, %add3A_739 : i32
        %get3A_741 = arith.index_cast %add3A_740 : i32 to index
        %get3A_742 = tpu.vector_load %arg5[%get3A_741] {strides = array<i32>} : memref<24576xf32, #tpu.memory_space<vmem>>, vector<16xf32>,
        %get3A_743 = vector.shape_cast %get3A_742 : vector<16xf32> to vector<16xf32>
        %get3A_744 = arith.index_cast %add3A_740 : i32 to index
        %get3A_745 = tpu.vector_load %arg7[%get3A_744] {strides = array<i32>} : memref<24576xf32, #tpu.memory_space<vmem>>, vector<16xf32>,
        %get3A_746 = vector.shape_cast %get3A_745 : vector<16xf32> to vector<16xf32>
        %sub3A_747 = arith.subf %get3A_743, %get3A_746 : vector<16xf32>
        %abs3A_748 = math.absf %sub3A_747 : vector<16xf32>
        %add3A_749 = arith.addf %add3A_727, %abs3A_748 : vector<16xf32>
        scf.yield %add3A_738, %add3A_749 : vector<16xf32>, vector<16xf32>
      }
      %scan3A_161 = arith.constant 18 : i32
      %get3A_162 = arith.constant 14304 : index
      %get3A_163 = tpu.vector_load %arg5[%get3A_162] {strides = array<i32>} : memref<24576xf32, #tpu.memory_space<vmem>>, vector<16xf32>,
      %get3A_164 = vector.shape_cast %get3A_163 : vector<16xf32> to vector<16xf32>
      %get3A_165 = arith.constant 14304 : index
      %get3A_166 = tpu.vector_load %arg7[%get3A_165] {strides = array<i32>} : memref<24576xf32, #tpu.memory_space<vmem>>, vector<16xf32>,
      %get3A_167 = vector.shape_cast %get3A_166 : vector<16xf32> to vector<16xf32>
      %sub3A_168 = arith.subf %get3A_164, %get3A_167 : vector<16xf32>
      %abs3A_169 = math.absf %sub3A_168 : vector<16xf32>
      %add3A_170 = arith.addf %scan3A_160#0, %abs3A_169 : vector<16xf32>
      %get3A_171 = arith.constant 14320 : index
      %get3A_172 = tpu.vector_load %arg5[%get3A_171] {strides = array<i32>} : memref<24576xf32, #tpu.memory_space<vmem>>, vector<16xf32>,
      %get3A_173 = vector.shape_cast %get3A_172 : vector<16xf32> to vector<16xf32>
      %get3A_174 = arith.constant 14320 : index
      %get3A_175 = tpu.vector_load %arg7[%get3A_174] {strides = array<i32>} : memref<24576xf32, #tpu.memory_space<vmem>>, vector<16xf32>,
      %get3A_176 = vector.shape_cast %get3A_175 : vector<16xf32> to vector<16xf32>
      %sub3A_177 = arith.subf %get3A_173, %get3A_176 : vector<16xf32>
      %abs3A_178 = math.absf %sub3A_177 : vector<16xf32>
      %add3A_179 = arith.addf %scan3A_160#1, %abs3A_178 : vector<16xf32>
      %get3A_180 = arith.constant 14336 : index
      %get3A_181 = tpu.vector_load %arg5[%get3A_180] {strides = array<i32>} : memref<24576xf32, #tpu.memory_space<vmem>>, vector<16xf32>,
      %get3A_182 = vector.shape_cast %get3A_181 : vector<16xf32> to vector<16xf32>
      %get3A_183 = arith.constant 14336 : index
      %get3A_184 = tpu.vector_load %arg7[%get3A_183] {strides = array<i32>} : memref<24576xf32, #tpu.memory_space<vmem>>, vector<16xf32>,
      %get3A_185 = vector.shape_cast %get3A_184 : vector<16xf32> to vector<16xf32>
      %sub3A_186 = arith.subf %get3A_182, %get3A_185 : vector<16xf32>
      %abs3A_187 = math.absf %sub3A_186 : vector<16xf32>
      %add3A_188 = arith.addf %add3A_170, %abs3A_187 : vector<16xf32>
      %get3A_189 = arith.constant 14352 : index
      %get3A_190 = tpu.vector_load %arg5[%get3A_189] {strides = array<i32>} : memref<24576xf32, #tpu.memory_space<vmem>>, vector<16xf32>,
      %get3A_191 = vector.shape_cast %get3A_190 : vector<16xf32> to vector<16xf32>
      %get3A_192 = arith.constant 14352 : index
      %get3A_193 = tpu.vector_load %arg7[%get3A_192] {strides = array<i32>} : memref<24576xf32, #tpu.memory_space<vmem>>, vector<16xf32>,
      %get3A_194 = vector.shape_cast %get3A_193 : vector<16xf32> to vector<16xf32>
      %sub3A_195 = arith.subf %get3A_191, %get3A_194 : vector<16xf32>
      %abs3A_196 = math.absf %sub3A_195 : vector<16xf32>
      %add3A_197 = arith.addf %add3A_179, %abs3A_196 : vector<16xf32>
      %get3A_198 = arith.constant 14368 : index
      %get3A_199 = tpu.vector_load %arg5[%get3A_198] {strides = array<i32>} : memref<24576xf32, #tpu.memory_space<vmem>>, vector<16xf32>,
      %get3A_200 = vector.shape_cast %get3A_199 : vector<16xf32> to vector<16xf32>
      %get3A_201 = arith.constant 14368 : index
      %get3A_202 = tpu.vector_load %arg7[%get3A_201] {strides = array<i32>} : memref<24576xf32, #tpu.memory_space<vmem>>, vector<16xf32>,
      %get3A_203 = vector.shape_cast %get3A_202 : vector<16xf32> to vector<16xf32>
      %sub3A_204 = arith.subf %get3A_200, %get3A_203 : vector<16xf32>
      %abs3A_205 = math.absf %sub3A_204 : vector<16xf32>
      %add3A_206 = arith.addf %add3A_188, %abs3A_205 : vector<16xf32>
      %get3A_207 = arith.constant 14384 : index
      %get3A_208 = tpu.vector_load %arg5[%get3A_207] {strides = array<i32>} : memref<24576xf32, #tpu.memory_space<vmem>>, vector<16xf32>,
      %get3A_209 = vector.shape_cast %get3A_208 : vector<16xf32> to vector<16xf32>
      %get3A_210 = arith.constant 14384 : index
      %get3A_211 = tpu.vector_load %arg7[%get3A_210] {strides = array<i32>} : memref<24576xf32, #tpu.memory_space<vmem>>, vector<16xf32>,
      %get3A_212 = vector.shape_cast %get3A_211 : vector<16xf32> to vector<16xf32>
      %sub3A_213 = arith.subf %get3A_209, %get3A_212 : vector<16xf32>
      %abs3A_214 = math.absf %sub3A_213 : vector<16xf32>
      %add3A_215 = arith.addf %add3A_197, %abs3A_214 : vector<16xf32>
      %add3A_216 = arith.addf %add3A_206, %add3A_215 : vector<16xf32>
      %add3A_217 = arith.addf %scan3A_26, %add3A_216 : vector<16xf32>
      %broadcast_in_dim3A_218 = arith.constant 0.000000e+00 : f32
      %broadcast_in_dim3A_219 = vector.broadcast %broadcast_in_dim3A_218 : f32 to vector<16xf32>
      %broadcast_in_dim3A_220 = arith.constant 0.000000e+00 : f32
      %broadcast_in_dim3A_221 = vector.broadcast %broadcast_in_dim3A_220 : f32 to vector<16xf32>
      %scan3A_222 = arith.constant 0 : i32
      %scan3A_223 = arith.constant 75 : i32
      %scan3A_224 = arith.addi %scan3A_222, %scan3A_223 : i32
      %scan3A_225 = arith.constant 1 : i32
      %scan3A_226:2 = scf.for %scan3A_655 = %scan3A_222 to %scan3A_224 step %scan3A_225 iter_args(%scan3A_656 = %broadcast_in_dim3A_219, %scan3A_657 = %broadcast_in_dim3A_221) -> (vector<16xf32>, vector<16xf32>)  : i32 {
        %mul3A_658 = arith.constant 128 : i32
        %mul3A_659 = arith.muli %scan3A_655, %mul3A_658 : i32
        %add3A_660 = arith.constant 14400 : i32
        %add3A_661 = arith.addi %add3A_660, %mul3A_659 : i32
        %add3A_662 = arith.constant 0 : i32
        %add3A_663 = arith.addi %add3A_661, %add3A_662 : i32
        %get3A_664 = arith.index_cast %add3A_663 : i32 to index
        %get3A_665 = tpu.vector_load %arg5[%get3A_664] {strides = array<i32>} : memref<24576xf32, #tpu.memory_space<vmem>>, vector<16xf32>,
        %get3A_666 = vector.shape_cast %get3A_665 : vector<16xf32> to vector<16xf32>
        %get3A_667 = arith.index_cast %add3A_663 : i32 to index
        %get3A_668 = tpu.vector_load %arg7[%get3A_667] {strides = array<i32>} : memref<24576xf32, #tpu.memory_space<vmem>>, vector<16xf32>,
        %get3A_669 = vector.shape_cast %get3A_668 : vector<16xf32> to vector<16xf32>
        %sub3A_670 = arith.subf %get3A_666, %get3A_669 : vector<16xf32>
        %abs3A_671 = math.absf %sub3A_670 : vector<16xf32>
        %add3A_672 = arith.addf %scan3A_656, %abs3A_671 : vector<16xf32>
        %add3A_673 = arith.constant 16 : i32
        %add3A_674 = arith.addi %add3A_661, %add3A_673 : i32
        %get3A_675 = arith.index_cast %add3A_674 : i32 to index
        %get3A_676 = tpu.vector_load %arg5[%get3A_675] {strides = array<i32>} : memref<24576xf32, #tpu.memory_space<vmem>>, vector<16xf32>,
        %get3A_677 = vector.shape_cast %get3A_676 : vector<16xf32> to vector<16xf32>
        %get3A_678 = arith.index_cast %add3A_674 : i32 to index
        %get3A_679 = tpu.vector_load %arg7[%get3A_678] {strides = array<i32>} : memref<24576xf32, #tpu.memory_space<vmem>>, vector<16xf32>,
        %get3A_680 = vector.shape_cast %get3A_679 : vector<16xf32> to vector<16xf32>
        %sub3A_681 = arith.subf %get3A_677, %get3A_680 : vector<16xf32>
        %abs3A_682 = math.absf %sub3A_681 : vector<16xf32>
        %add3A_683 = arith.addf %scan3A_657, %abs3A_682 : vector<16xf32>
        %add3A_684 = arith.constant 32 : i32
        %add3A_685 = arith.addi %add3A_661, %add3A_684 : i32
        %get3A_686 = arith.index_cast %add3A_685 : i32 to index
        %get3A_687 = tpu.vector_load %arg5[%get3A_686] {strides = array<i32>} : memref<24576xf32, #tpu.memory_space<vmem>>, vector<16xf32>,
        %get3A_688 = vector.shape_cast %get3A_687 : vector<16xf32> to vector<16xf32>
        %get3A_689 = arith.index_cast %add3A_685 : i32 to index
        %get3A_690 = tpu.vector_load %arg7[%get3A_689] {strides = array<i32>} : memref<24576xf32, #tpu.memory_space<vmem>>, vector<16xf32>,
        %get3A_691 = vector.shape_cast %get3A_690 : vector<16xf32> to vector<16xf32>
        %sub3A_692 = arith.subf %get3A_688, %get3A_691 : vector<16xf32>
        %abs3A_693 = math.absf %sub3A_692 : vector<16xf32>
        %add3A_694 = arith.addf %add3A_672, %abs3A_693 : vector<16xf32>
        %add3A_695 = arith.constant 48 : i32
        %add3A_696 = arith.addi %add3A_661, %add3A_695 : i32
        %get3A_697 = arith.index_cast %add3A_696 : i32 to index
        %get3A_698 = tpu.vector_load %arg5[%get3A_697] {strides = array<i32>} : memref<24576xf32, #tpu.memory_space<vmem>>, vector<16xf32>,
        %get3A_699 = vector.shape_cast %get3A_698 : vector<16xf32> to vector<16xf32>
        %get3A_700 = arith.index_cast %add3A_696 : i32 to index
        %get3A_701 = tpu.vector_load %arg7[%get3A_700] {strides = array<i32>} : memref<24576xf32, #tpu.memory_space<vmem>>, vector<16xf32>,
        %get3A_702 = vector.shape_cast %get3A_701 : vector<16xf32> to vector<16xf32>
        %sub3A_703 = arith.subf %get3A_699, %get3A_702 : vector<16xf32>
        %abs3A_704 = math.absf %sub3A_703 : vector<16xf32>
        %add3A_705 = arith.addf %add3A_683, %abs3A_704 : vector<16xf32>
        %add3A_706 = arith.constant 64 : i32
        %add3A_707 = arith.addi %add3A_661, %add3A_706 : i32
        %get3A_708 = arith.index_cast %add3A_707 : i32 to index
        %get3A_709 = tpu.vector_load %arg5[%get3A_708] {strides = array<i32>} : memref<24576xf32, #tpu.memory_space<vmem>>, vector<16xf32>,
        %get3A_710 = vector.shape_cast %get3A_709 : vector<16xf32> to vector<16xf32>
        %get3A_711 = arith.index_cast %add3A_707 : i32 to index
        %get3A_712 = tpu.vector_load %arg7[%get3A_711] {strides = array<i32>} : memref<24576xf32, #tpu.memory_space<vmem>>, vector<16xf32>,
        %get3A_713 = vector.shape_cast %get3A_712 : vector<16xf32> to vector<16xf32>
        %sub3A_714 = arith.subf %get3A_710, %get3A_713 : vector<16xf32>
        %abs3A_715 = math.absf %sub3A_714 : vector<16xf32>
        %add3A_716 = arith.addf %add3A_694, %abs3A_715 : vector<16xf32>
        %add3A_717 = arith.constant 80 : i32
        %add3A_718 = arith.addi %add3A_661, %add3A_717 : i32
        %get3A_719 = arith.index_cast %add3A_718 : i32 to index
        %get3A_720 = tpu.vector_load %arg5[%get3A_719] {strides = array<i32>} : memref<24576xf32, #tpu.memory_space<vmem>>, vector<16xf32>,
        %get3A_721 = vector.shape_cast %get3A_720 : vector<16xf32> to vector<16xf32>
        %get3A_722 = arith.index_cast %add3A_718 : i32 to index
        %get3A_723 = tpu.vector_load %arg7[%get3A_722] {strides = array<i32>} : memref<24576xf32, #tpu.memory_space<vmem>>, vector<16xf32>,
        %get3A_724 = vector.shape_cast %get3A_723 : vector<16xf32> to vector<16xf32>
        %sub3A_725 = arith.subf %get3A_721, %get3A_724 : vector<16xf32>
        %abs3A_726 = math.absf %sub3A_725 : vector<16xf32>
        %add3A_727 = arith.addf %add3A_705, %abs3A_726 : vector<16xf32>
        %add3A_728 = arith.constant 96 : i32
        %add3A_729 = arith.addi %add3A_661, %add3A_728 : i32
        %get3A_730 = arith.index_cast %add3A_729 : i32 to index
        %get3A_731 = tpu.vector_load %arg5[%get3A_730] {strides = array<i32>} : memref<24576xf32, #tpu.memory_space<vmem>>, vector<16xf32>,
        %get3A_732 = vector.shape_cast %get3A_731 : vector<16xf32> to vector<16xf32>
        %get3A_733 = arith.index_cast %add3A_729 : i32 to index
        %get3A_734 = tpu.vector_load %arg7[%get3A_733] {strides = array<i32>} : memref<24576xf32, #tpu.memory_space<vmem>>, vector<16xf32>,
        %get3A_735 = vector.shape_cast %get3A_734 : vector<16xf32> to vector<16xf32>
        %sub3A_736 = arith.subf %get3A_732, %get3A_735 : vector<16xf32>
        %abs3A_737 = math.absf %sub3A_736 : vector<16xf32>
        %add3A_738 = arith.addf %add3A_716, %abs3A_737 : vector<16xf32>
        %add3A_739 = arith.constant 112 : i32
        %add3A_740 = arith.addi %add3A_661, %add3A_739 : i32
        %get3A_741 = arith.index_cast %add3A_740 : i32 to index
        %get3A_742 = tpu.vector_load %arg5[%get3A_741] {strides = array<i32>} : memref<24576xf32, #tpu.memory_space<vmem>>, vector<16xf32>,
        %get3A_743 = vector.shape_cast %get3A_742 : vector<16xf32> to vector<16xf32>
        %get3A_744 = arith.index_cast %add3A_740 : i32 to index
        %get3A_745 = tpu.vector_load %arg7[%get3A_744] {strides = array<i32>} : memref<24576xf32, #tpu.memory_space<vmem>>, vector<16xf32>,
        %get3A_746 = vector.shape_cast %get3A_745 : vector<16xf32> to vector<16xf32>
        %sub3A_747 = arith.subf %get3A_743, %get3A_746 : vector<16xf32>
        %abs3A_748 = math.absf %sub3A_747 : vector<16xf32>
        %add3A_749 = arith.addf %add3A_727, %abs3A_748 : vector<16xf32>
        scf.yield %add3A_738, %add3A_749 : vector<16xf32>, vector<16xf32>
      }
      %scan3A_227 = arith.constant 75 : i32
      %add3A_228 = arith.addf %scan3A_226#0, %scan3A_226#1 : vector<16xf32>
      %add3A_229 = arith.addf %add3A_151, %add3A_228 : vector<16xf32>
      %broadcast_in_dim3A_230 = arith.constant 0.000000e+00 : f32
      %broadcast_in_dim3A_231 = vector.broadcast %broadcast_in_dim3A_230 : f32 to vector<16xf32>
      %broadcast_in_dim3A_232 = arith.constant 0.000000e+00 : f32
      %broadcast_in_dim3A_233 = vector.broadcast %broadcast_in_dim3A_232 : f32 to vector<16xf32>
      %scan3A_234 = arith.constant 0 : i32
      %scan3A_235 = arith.constant 4 : i32
      %scan3A_236 = arith.addi %scan3A_234, %scan3A_235 : i32
      %scan3A_237 = arith.constant 1 : i32
      %scan3A_238:2 = scf.for %scan3A_655 = %scan3A_234 to %scan3A_236 step %scan3A_237 iter_args(%scan3A_656 = %broadcast_in_dim3A_231, %scan3A_657 = %broadcast_in_dim3A_233) -> (vector<16xf32>, vector<16xf32>)  : i32 {
        %mul3A_658 = arith.constant 128 : i32
        %mul3A_659 = arith.muli %scan3A_655, %mul3A_658 : i32
        %add3A_660 = arith.constant 24000 : i32
        %add3A_661 = arith.addi %add3A_660, %mul3A_659 : i32
        %add3A_662 = arith.constant 0 : i32
        %add3A_663 = arith.addi %add3A_661, %add3A_662 : i32
        %get3A_664 = arith.index_cast %add3A_663 : i32 to index
        %get3A_665 = tpu.vector_load %arg5[%get3A_664] {strides = array<i32>} : memref<24576xf32, #tpu.memory_space<vmem>>, vector<16xf32>,
        %get3A_666 = vector.shape_cast %get3A_665 : vector<16xf32> to vector<16xf32>
        %get3A_667 = arith.index_cast %add3A_663 : i32 to index
        %get3A_668 = tpu.vector_load %arg7[%get3A_667] {strides = array<i32>} : memref<24576xf32, #tpu.memory_space<vmem>>, vector<16xf32>,
        %get3A_669 = vector.shape_cast %get3A_668 : vector<16xf32> to vector<16xf32>
        %sub3A_670 = arith.subf %get3A_666, %get3A_669 : vector<16xf32>
        %abs3A_671 = math.absf %sub3A_670 : vector<16xf32>
        %add3A_672 = arith.addf %scan3A_656, %abs3A_671 : vector<16xf32>
        %add3A_673 = arith.constant 16 : i32
        %add3A_674 = arith.addi %add3A_661, %add3A_673 : i32
        %get3A_675 = arith.index_cast %add3A_674 : i32 to index
        %get3A_676 = tpu.vector_load %arg5[%get3A_675] {strides = array<i32>} : memref<24576xf32, #tpu.memory_space<vmem>>, vector<16xf32>,
        %get3A_677 = vector.shape_cast %get3A_676 : vector<16xf32> to vector<16xf32>
        %get3A_678 = arith.index_cast %add3A_674 : i32 to index
        %get3A_679 = tpu.vector_load %arg7[%get3A_678] {strides = array<i32>} : memref<24576xf32, #tpu.memory_space<vmem>>, vector<16xf32>,
        %get3A_680 = vector.shape_cast %get3A_679 : vector<16xf32> to vector<16xf32>
        %sub3A_681 = arith.subf %get3A_677, %get3A_680 : vector<16xf32>
        %abs3A_682 = math.absf %sub3A_681 : vector<16xf32>
        %add3A_683 = arith.addf %scan3A_657, %abs3A_682 : vector<16xf32>
        %add3A_684 = arith.constant 32 : i32
        %add3A_685 = arith.addi %add3A_661, %add3A_684 : i32
        %get3A_686 = arith.index_cast %add3A_685 : i32 to index
        %get3A_687 = tpu.vector_load %arg5[%get3A_686] {strides = array<i32>} : memref<24576xf32, #tpu.memory_space<vmem>>, vector<16xf32>,
        %get3A_688 = vector.shape_cast %get3A_687 : vector<16xf32> to vector<16xf32>
        %get3A_689 = arith.index_cast %add3A_685 : i32 to index
        %get3A_690 = tpu.vector_load %arg7[%get3A_689] {strides = array<i32>} : memref<24576xf32, #tpu.memory_space<vmem>>, vector<16xf32>,
        %get3A_691 = vector.shape_cast %get3A_690 : vector<16xf32> to vector<16xf32>
        %sub3A_692 = arith.subf %get3A_688, %get3A_691 : vector<16xf32>
        %abs3A_693 = math.absf %sub3A_692 : vector<16xf32>
        %add3A_694 = arith.addf %add3A_672, %abs3A_693 : vector<16xf32>
        %add3A_695 = arith.constant 48 : i32
        %add3A_696 = arith.addi %add3A_661, %add3A_695 : i32
        %get3A_697 = arith.index_cast %add3A_696 : i32 to index
        %get3A_698 = tpu.vector_load %arg5[%get3A_697] {strides = array<i32>} : memref<24576xf32, #tpu.memory_space<vmem>>, vector<16xf32>,
        %get3A_699 = vector.shape_cast %get3A_698 : vector<16xf32> to vector<16xf32>
        %get3A_700 = arith.index_cast %add3A_696 : i32 to index
        %get3A_701 = tpu.vector_load %arg7[%get3A_700] {strides = array<i32>} : memref<24576xf32, #tpu.memory_space<vmem>>, vector<16xf32>,
        %get3A_702 = vector.shape_cast %get3A_701 : vector<16xf32> to vector<16xf32>
        %sub3A_703 = arith.subf %get3A_699, %get3A_702 : vector<16xf32>
        %abs3A_704 = math.absf %sub3A_703 : vector<16xf32>
        %add3A_705 = arith.addf %add3A_683, %abs3A_704 : vector<16xf32>
        %add3A_706 = arith.constant 64 : i32
        %add3A_707 = arith.addi %add3A_661, %add3A_706 : i32
        %get3A_708 = arith.index_cast %add3A_707 : i32 to index
        %get3A_709 = tpu.vector_load %arg5[%get3A_708] {strides = array<i32>} : memref<24576xf32, #tpu.memory_space<vmem>>, vector<16xf32>,
        %get3A_710 = vector.shape_cast %get3A_709 : vector<16xf32> to vector<16xf32>
        %get3A_711 = arith.index_cast %add3A_707 : i32 to index
        %get3A_712 = tpu.vector_load %arg7[%get3A_711] {strides = array<i32>} : memref<24576xf32, #tpu.memory_space<vmem>>, vector<16xf32>,
        %get3A_713 = vector.shape_cast %get3A_712 : vector<16xf32> to vector<16xf32>
        %sub3A_714 = arith.subf %get3A_710, %get3A_713 : vector<16xf32>
        %abs3A_715 = math.absf %sub3A_714 : vector<16xf32>
        %add3A_716 = arith.addf %add3A_694, %abs3A_715 : vector<16xf32>
        %add3A_717 = arith.constant 80 : i32
        %add3A_718 = arith.addi %add3A_661, %add3A_717 : i32
        %get3A_719 = arith.index_cast %add3A_718 : i32 to index
        %get3A_720 = tpu.vector_load %arg5[%get3A_719] {strides = array<i32>} : memref<24576xf32, #tpu.memory_space<vmem>>, vector<16xf32>,
        %get3A_721 = vector.shape_cast %get3A_720 : vector<16xf32> to vector<16xf32>
        %get3A_722 = arith.index_cast %add3A_718 : i32 to index
        %get3A_723 = tpu.vector_load %arg7[%get3A_722] {strides = array<i32>} : memref<24576xf32, #tpu.memory_space<vmem>>, vector<16xf32>,
        %get3A_724 = vector.shape_cast %get3A_723 : vector<16xf32> to vector<16xf32>
        %sub3A_725 = arith.subf %get3A_721, %get3A_724 : vector<16xf32>
        %abs3A_726 = math.absf %sub3A_725 : vector<16xf32>
        %add3A_727 = arith.addf %add3A_705, %abs3A_726 : vector<16xf32>
        %add3A_728 = arith.constant 96 : i32
        %add3A_729 = arith.addi %add3A_661, %add3A_728 : i32
        %get3A_730 = arith.index_cast %add3A_729 : i32 to index
        %get3A_731 = tpu.vector_load %arg5[%get3A_730] {strides = array<i32>} : memref<24576xf32, #tpu.memory_space<vmem>>, vector<16xf32>,
        %get3A_732 = vector.shape_cast %get3A_731 : vector<16xf32> to vector<16xf32>
        %get3A_733 = arith.index_cast %add3A_729 : i32 to index
        %get3A_734 = tpu.vector_load %arg7[%get3A_733] {strides = array<i32>} : memref<24576xf32, #tpu.memory_space<vmem>>, vector<16xf32>,
        %get3A_735 = vector.shape_cast %get3A_734 : vector<16xf32> to vector<16xf32>
        %sub3A_736 = arith.subf %get3A_732, %get3A_735 : vector<16xf32>
        %abs3A_737 = math.absf %sub3A_736 : vector<16xf32>
        %add3A_738 = arith.addf %add3A_716, %abs3A_737 : vector<16xf32>
        %add3A_739 = arith.constant 112 : i32
        %add3A_740 = arith.addi %add3A_661, %add3A_739 : i32
        %get3A_741 = arith.index_cast %add3A_740 : i32 to index
        %get3A_742 = tpu.vector_load %arg5[%get3A_741] {strides = array<i32>} : memref<24576xf32, #tpu.memory_space<vmem>>, vector<16xf32>,
        %get3A_743 = vector.shape_cast %get3A_742 : vector<16xf32> to vector<16xf32>
        %get3A_744 = arith.index_cast %add3A_740 : i32 to index
        %get3A_745 = tpu.vector_load %arg7[%get3A_744] {strides = array<i32>} : memref<24576xf32, #tpu.memory_space<vmem>>, vector<16xf32>,
        %get3A_746 = vector.shape_cast %get3A_745 : vector<16xf32> to vector<16xf32>
        %sub3A_747 = arith.subf %get3A_743, %get3A_746 : vector<16xf32>
        %abs3A_748 = math.absf %sub3A_747 : vector<16xf32>
        %add3A_749 = arith.addf %add3A_727, %abs3A_748 : vector<16xf32>
        scf.yield %add3A_738, %add3A_749 : vector<16xf32>, vector<16xf32>
      }
      %scan3A_239 = arith.constant 4 : i32
      %get3A_240 = arith.constant 24512 : index
      %get3A_241 = tpu.vector_load %arg5[%get3A_240] {strides = array<i32>} : memref<24576xf32, #tpu.memory_space<vmem>>, vector<16xf32>,
      %get3A_242 = vector.shape_cast %get3A_241 : vector<16xf32> to vector<16xf32>
      %get3A_243 = arith.constant 24512 : index
      %get3A_244 = tpu.vector_load %arg7[%get3A_243] {strides = array<i32>} : memref<24576xf32, #tpu.memory_space<vmem>>, vector<16xf32>,
      %get3A_245 = vector.shape_cast %get3A_244 : vector<16xf32> to vector<16xf32>
      %sub3A_246 = arith.subf %get3A_242, %get3A_245 : vector<16xf32>
      %abs3A_247 = math.absf %sub3A_246 : vector<16xf32>
      %add3A_248 = arith.addf %scan3A_238#0, %abs3A_247 : vector<16xf32>
      %get3A_249 = arith.constant 24528 : index
      %get3A_250 = tpu.vector_load %arg5[%get3A_249] {strides = array<i32>} : memref<24576xf32, #tpu.memory_space<vmem>>, vector<16xf32>,
      %get3A_251 = vector.shape_cast %get3A_250 : vector<16xf32> to vector<16xf32>
      %get3A_252 = arith.constant 24528 : index
      %get3A_253 = tpu.vector_load %arg7[%get3A_252] {strides = array<i32>} : memref<24576xf32, #tpu.memory_space<vmem>>, vector<16xf32>,
      %get3A_254 = vector.shape_cast %get3A_253 : vector<16xf32> to vector<16xf32>
      %sub3A_255 = arith.subf %get3A_251, %get3A_254 : vector<16xf32>
      %abs3A_256 = math.absf %sub3A_255 : vector<16xf32>
      %add3A_257 = arith.addf %scan3A_238#1, %abs3A_256 : vector<16xf32>
      %get3A_258 = arith.constant 24544 : index
      %get3A_259 = tpu.vector_load %arg5[%get3A_258] {strides = array<i32>} : memref<24576xf32, #tpu.memory_space<vmem>>, vector<16xf32>,
      %get3A_260 = vector.shape_cast %get3A_259 : vector<16xf32> to vector<16xf32>
      %get3A_261 = arith.constant 24544 : index
      %get3A_262 = tpu.vector_load %arg7[%get3A_261] {strides = array<i32>} : memref<24576xf32, #tpu.memory_space<vmem>>, vector<16xf32>,
      %get3A_263 = vector.shape_cast %get3A_262 : vector<16xf32> to vector<16xf32>
      %sub3A_264 = arith.subf %get3A_260, %get3A_263 : vector<16xf32>
      %abs3A_265 = math.absf %sub3A_264 : vector<16xf32>
      %add3A_266 = arith.addf %add3A_248, %abs3A_265 : vector<16xf32>
      %get3A_267 = arith.constant 24560 : index
      %get3A_268 = tpu.vector_load %arg5[%get3A_267] {strides = array<i32>} : memref<24576xf32, #tpu.memory_space<vmem>>, vector<16xf32>,
      %get3A_269 = vector.shape_cast %get3A_268 : vector<16xf32> to vector<16xf32>
      %get3A_270 = arith.constant 24560 : index
      %get3A_271 = tpu.vector_load %arg7[%get3A_270] {strides = array<i32>} : memref<24576xf32, #tpu.memory_space<vmem>>, vector<16xf32>,
      %get3A_272 = vector.shape_cast %get3A_271 : vector<16xf32> to vector<16xf32>
      %sub3A_273 = arith.subf %get3A_269, %get3A_272 : vector<16xf32>
      %abs3A_274 = math.absf %sub3A_273 : vector<16xf32>
      %add3A_275 = arith.addf %add3A_257, %abs3A_274 : vector<16xf32>
      %add3A_276 = arith.addf %add3A_266, %add3A_275 : vector<16xf32>
      %add3A_277 = arith.addf %add3A_217, %add3A_276 : vector<16xf32>
      %dma_start3A_278 = arith.constant 0 : i32
      %dma_start3A_279 = tpu.memref_slice %arg5[%dma_start3A_278] : memref<24576xf32, #tpu.memory_space<vmem>> -> memref<24576xf32, #tpu.memory_space<vmem>>
      %dma_start3A_280 = arith.constant 49152 : i32
      %dma_start3A_281 = tpu.memref_slice %arg2[%add3A_30, %dma_start3A_280] : memref<128x107136xf32, #tpu.memory_space<hbm>> -> memref<1x24576xf32, #tpu.memory_space<hbm>>
      %dma_start3A_282 = tpu.memref_squeeze %dma_start3A_281 : memref<1x24576xf32, #tpu.memory_space<hbm>> -> memref<24576xf32, #tpu.memory_space<hbm>>
      %dma_start3A_283 = arith.constant 0 : i32
      %dma_start3A_284 = tpu.memref_slice %arg5[%dma_start3A_283] : memref<24576xf32, #tpu.memory_space<vmem>> -> memref<24576xf32, #tpu.memory_space<vmem>>
      %dma_start3A_285 = arith.constant 49152 : i32
      %dma_start3A_286 = tpu.memref_slice %arg2[%add3A_30, %dma_start3A_285] : memref<128x107136xf32, #tpu.memory_space<hbm>> -> memref<1x24576xf32, #tpu.memory_space<hbm>>
      %dma_start3A_287 = tpu.memref_squeeze %dma_start3A_286 : memref<1x24576xf32, #tpu.memory_space<hbm>> -> memref<24576xf32, #tpu.memory_space<hbm>>
      tpu.enqueue_dma source(%dma_start3A_287 : memref<24576xf32, #tpu.memory_space<hbm>>) target(%dma_start3A_284 : memref<24576xf32, #tpu.memory_space<vmem>>) target_semaphore(%arg10 : memref<!tpu.dma_semaphore, #tpu.memory_space<semaphore_mem>>)
      %dma_start3A_288 = arith.constant 0 : i32
      %dma_start3A_289 = tpu.memref_slice %arg7[%dma_start3A_288] : memref<24576xf32, #tpu.memory_space<vmem>> -> memref<24576xf32, #tpu.memory_space<vmem>>
      %dma_start3A_290 = arith.constant 49152 : i32
      %dma_start3A_291 = tpu.memref_slice %arg3[%add3A_30, %dma_start3A_290] : memref<128x107136xf32, #tpu.memory_space<hbm>> -> memref<1x24576xf32, #tpu.memory_space<hbm>>
      %dma_start3A_292 = tpu.memref_squeeze %dma_start3A_291 : memref<1x24576xf32, #tpu.memory_space<hbm>> -> memref<24576xf32, #tpu.memory_space<hbm>>
      %dma_start3A_293 = arith.constant 0 : i32
      %dma_start3A_294 = tpu.memref_slice %arg7[%dma_start3A_293] : memref<24576xf32, #tpu.memory_space<vmem>> -> memref<24576xf32, #tpu.memory_space<vmem>>
      %dma_start3A_295 = arith.constant 49152 : i32
      %dma_start3A_296 = tpu.memref_slice %arg3[%add3A_30, %dma_start3A_295] : memref<128x107136xf32, #tpu.memory_space<hbm>> -> memref<1x24576xf32, #tpu.memory_space<hbm>>
      %dma_start3A_297 = tpu.memref_squeeze %dma_start3A_296 : memref<1x24576xf32, #tpu.memory_space<hbm>> -> memref<24576xf32, #tpu.memory_space<hbm>>
      tpu.enqueue_dma source(%dma_start3A_297 : memref<24576xf32, #tpu.memory_space<hbm>>) target(%dma_start3A_294 : memref<24576xf32, #tpu.memory_space<vmem>>) target_semaphore(%arg10 : memref<!tpu.dma_semaphore, #tpu.memory_space<semaphore_mem>>)
      %dma_wait3A_298 = arith.constant 0 : i32
      %dma_wait3A_299 = tpu.memref_slice %arg6[%dma_wait3A_298] : memref<24576xf32, #tpu.memory_space<vmem>> -> memref<24576xf32, #tpu.memory_space<vmem>>
      %dma_wait3A_300 = arith.constant 24576 : i32
      %dma_wait3A_301 = tpu.memref_slice %arg2[%add3A_30, %dma_wait3A_300] : memref<128x107136xf32, #tpu.memory_space<hbm>> -> memref<1x24576xf32, #tpu.memory_space<hbm>>
      %dma_wait3A_302 = tpu.memref_squeeze %dma_wait3A_301 : memref<1x24576xf32, #tpu.memory_space<hbm>> -> memref<24576xf32, #tpu.memory_space<hbm>>
      %dma_wait3A_303 = arith.constant 0 : i32
      %dma_wait3A_304 = tpu.memref_slice %arg6[%dma_wait3A_303] : memref<24576xf32, #tpu.memory_space<vmem>> -> memref<24576xf32, #tpu.memory_space<vmem>>
      %dma_wait3A_305 = arith.constant 24576 : i32
      %dma_wait3A_306 = tpu.memref_slice %arg2[%add3A_30, %dma_wait3A_305] : memref<128x107136xf32, #tpu.memory_space<hbm>> -> memref<1x24576xf32, #tpu.memory_space<hbm>>
      %dma_wait3A_307 = tpu.memref_squeeze %dma_wait3A_306 : memref<1x24576xf32, #tpu.memory_space<hbm>> -> memref<24576xf32, #tpu.memory_space<hbm>>
      tpu.wait_dma2 semaphore(%arg11 : memref<!tpu.dma_semaphore, #tpu.memory_space<semaphore_mem>>) src(%dma_wait3A_307 : memref<24576xf32, #tpu.memory_space<hbm>>) dst(%dma_wait3A_304 : memref<24576xf32, #tpu.memory_space<vmem>>)
      %dma_wait3A_308 = arith.constant 0 : i32
      %dma_wait3A_309 = tpu.memref_slice %arg8[%dma_wait3A_308] : memref<24576xf32, #tpu.memory_space<vmem>> -> memref<24576xf32, #tpu.memory_space<vmem>>
      %dma_wait3A_310 = arith.constant 24576 : i32
      %dma_wait3A_311 = tpu.memref_slice %arg3[%add3A_30, %dma_wait3A_310] : memref<128x107136xf32, #tpu.memory_space<hbm>> -> memref<1x24576xf32, #tpu.memory_space<hbm>>
      %dma_wait3A_312 = tpu.memref_squeeze %dma_wait3A_311 : memref<1x24576xf32, #tpu.memory_space<hbm>> -> memref<24576xf32, #tpu.memory_space<hbm>>
      %dma_wait3A_313 = arith.constant 0 : i32
      %dma_wait3A_314 = tpu.memref_slice %arg8[%dma_wait3A_313] : memref<24576xf32, #tpu.memory_space<vmem>> -> memref<24576xf32, #tpu.memory_space<vmem>>
      %dma_wait3A_315 = arith.constant 24576 : i32
      %dma_wait3A_316 = tpu.memref_slice %arg3[%add3A_30, %dma_wait3A_315] : memref<128x107136xf32, #tpu.memory_space<hbm>> -> memref<1x24576xf32, #tpu.memory_space<hbm>>
      %dma_wait3A_317 = tpu.memref_squeeze %dma_wait3A_316 : memref<1x24576xf32, #tpu.memory_space<hbm>> -> memref<24576xf32, #tpu.memory_space<hbm>>
      tpu.wait_dma2 semaphore(%arg11 : memref<!tpu.dma_semaphore, #tpu.memory_space<semaphore_mem>>) src(%dma_wait3A_317 : memref<24576xf32, #tpu.memory_space<hbm>>) dst(%dma_wait3A_314 : memref<24576xf32, #tpu.memory_space<vmem>>)
      %broadcast_in_dim3A_318 = arith.constant 0.000000e+00 : f32
      %broadcast_in_dim3A_319 = vector.broadcast %broadcast_in_dim3A_318 : f32 to vector<16xf32>
      %broadcast_in_dim3A_320 = arith.constant 0.000000e+00 : f32
      %broadcast_in_dim3A_321 = vector.broadcast %broadcast_in_dim3A_320 : f32 to vector<16xf32>
      %scan3A_322 = arith.constant 0 : i32
      %scan3A_323 = arith.constant 14 : i32
      %scan3A_324 = arith.addi %scan3A_322, %scan3A_323 : i32
      %scan3A_325 = arith.constant 1 : i32
      %scan3A_326:2 = scf.for %scan3A_655 = %scan3A_322 to %scan3A_324 step %scan3A_325 iter_args(%scan3A_656 = %broadcast_in_dim3A_319, %scan3A_657 = %broadcast_in_dim3A_321) -> (vector<16xf32>, vector<16xf32>)  : i32 {
        %mul3A_658 = arith.constant 128 : i32
        %mul3A_659 = arith.muli %scan3A_655, %mul3A_658 : i32
        %add3A_660 = arith.constant 0 : i32
        %add3A_661 = arith.addi %add3A_660, %mul3A_659 : i32
        %add3A_662 = arith.constant 0 : i32
        %add3A_663 = arith.addi %add3A_661, %add3A_662 : i32
        %get3A_664 = arith.index_cast %add3A_663 : i32 to index
        %get3A_665 = tpu.vector_load %arg6[%get3A_664] {strides = array<i32>} : memref<24576xf32, #tpu.memory_space<vmem>>, vector<16xf32>,
        %get3A_666 = vector.shape_cast %get3A_665 : vector<16xf32> to vector<16xf32>
        %get3A_667 = arith.index_cast %add3A_663 : i32 to index
        %get3A_668 = tpu.vector_load %arg8[%get3A_667] {strides = array<i32>} : memref<24576xf32, #tpu.memory_space<vmem>>, vector<16xf32>,
        %get3A_669 = vector.shape_cast %get3A_668 : vector<16xf32> to vector<16xf32>
        %sub3A_670 = arith.subf %get3A_666, %get3A_669 : vector<16xf32>
        %abs3A_671 = math.absf %sub3A_670 : vector<16xf32>
        %add3A_672 = arith.addf %scan3A_656, %abs3A_671 : vector<16xf32>
        %add3A_673 = arith.constant 16 : i32
        %add3A_674 = arith.addi %add3A_661, %add3A_673 : i32
        %get3A_675 = arith.index_cast %add3A_674 : i32 to index
        %get3A_676 = tpu.vector_load %arg6[%get3A_675] {strides = array<i32>} : memref<24576xf32, #tpu.memory_space<vmem>>, vector<16xf32>,
        %get3A_677 = vector.shape_cast %get3A_676 : vector<16xf32> to vector<16xf32>
        %get3A_678 = arith.index_cast %add3A_674 : i32 to index
        %get3A_679 = tpu.vector_load %arg8[%get3A_678] {strides = array<i32>} : memref<24576xf32, #tpu.memory_space<vmem>>, vector<16xf32>,
        %get3A_680 = vector.shape_cast %get3A_679 : vector<16xf32> to vector<16xf32>
        %sub3A_681 = arith.subf %get3A_677, %get3A_680 : vector<16xf32>
        %abs3A_682 = math.absf %sub3A_681 : vector<16xf32>
        %add3A_683 = arith.addf %scan3A_657, %abs3A_682 : vector<16xf32>
        %add3A_684 = arith.constant 32 : i32
        %add3A_685 = arith.addi %add3A_661, %add3A_684 : i32
        %get3A_686 = arith.index_cast %add3A_685 : i32 to index
        %get3A_687 = tpu.vector_load %arg6[%get3A_686] {strides = array<i32>} : memref<24576xf32, #tpu.memory_space<vmem>>, vector<16xf32>,
        %get3A_688 = vector.shape_cast %get3A_687 : vector<16xf32> to vector<16xf32>
        %get3A_689 = arith.index_cast %add3A_685 : i32 to index
        %get3A_690 = tpu.vector_load %arg8[%get3A_689] {strides = array<i32>} : memref<24576xf32, #tpu.memory_space<vmem>>, vector<16xf32>,
        %get3A_691 = vector.shape_cast %get3A_690 : vector<16xf32> to vector<16xf32>
        %sub3A_692 = arith.subf %get3A_688, %get3A_691 : vector<16xf32>
        %abs3A_693 = math.absf %sub3A_692 : vector<16xf32>
        %add3A_694 = arith.addf %add3A_672, %abs3A_693 : vector<16xf32>
        %add3A_695 = arith.constant 48 : i32
        %add3A_696 = arith.addi %add3A_661, %add3A_695 : i32
        %get3A_697 = arith.index_cast %add3A_696 : i32 to index
        %get3A_698 = tpu.vector_load %arg6[%get3A_697] {strides = array<i32>} : memref<24576xf32, #tpu.memory_space<vmem>>, vector<16xf32>,
        %get3A_699 = vector.shape_cast %get3A_698 : vector<16xf32> to vector<16xf32>
        %get3A_700 = arith.index_cast %add3A_696 : i32 to index
        %get3A_701 = tpu.vector_load %arg8[%get3A_700] {strides = array<i32>} : memref<24576xf32, #tpu.memory_space<vmem>>, vector<16xf32>,
        %get3A_702 = vector.shape_cast %get3A_701 : vector<16xf32> to vector<16xf32>
        %sub3A_703 = arith.subf %get3A_699, %get3A_702 : vector<16xf32>
        %abs3A_704 = math.absf %sub3A_703 : vector<16xf32>
        %add3A_705 = arith.addf %add3A_683, %abs3A_704 : vector<16xf32>
        %add3A_706 = arith.constant 64 : i32
        %add3A_707 = arith.addi %add3A_661, %add3A_706 : i32
        %get3A_708 = arith.index_cast %add3A_707 : i32 to index
        %get3A_709 = tpu.vector_load %arg6[%get3A_708] {strides = array<i32>} : memref<24576xf32, #tpu.memory_space<vmem>>, vector<16xf32>,
        %get3A_710 = vector.shape_cast %get3A_709 : vector<16xf32> to vector<16xf32>
        %get3A_711 = arith.index_cast %add3A_707 : i32 to index
        %get3A_712 = tpu.vector_load %arg8[%get3A_711] {strides = array<i32>} : memref<24576xf32, #tpu.memory_space<vmem>>, vector<16xf32>,
        %get3A_713 = vector.shape_cast %get3A_712 : vector<16xf32> to vector<16xf32>
        %sub3A_714 = arith.subf %get3A_710, %get3A_713 : vector<16xf32>
        %abs3A_715 = math.absf %sub3A_714 : vector<16xf32>
        %add3A_716 = arith.addf %add3A_694, %abs3A_715 : vector<16xf32>
        %add3A_717 = arith.constant 80 : i32
        %add3A_718 = arith.addi %add3A_661, %add3A_717 : i32
        %get3A_719 = arith.index_cast %add3A_718 : i32 to index
        %get3A_720 = tpu.vector_load %arg6[%get3A_719] {strides = array<i32>} : memref<24576xf32, #tpu.memory_space<vmem>>, vector<16xf32>,
        %get3A_721 = vector.shape_cast %get3A_720 : vector<16xf32> to vector<16xf32>
        %get3A_722 = arith.index_cast %add3A_718 : i32 to index
        %get3A_723 = tpu.vector_load %arg8[%get3A_722] {strides = array<i32>} : memref<24576xf32, #tpu.memory_space<vmem>>, vector<16xf32>,
        %get3A_724 = vector.shape_cast %get3A_723 : vector<16xf32> to vector<16xf32>
        %sub3A_725 = arith.subf %get3A_721, %get3A_724 : vector<16xf32>
        %abs3A_726 = math.absf %sub3A_725 : vector<16xf32>
        %add3A_727 = arith.addf %add3A_705, %abs3A_726 : vector<16xf32>
        %add3A_728 = arith.constant 96 : i32
        %add3A_729 = arith.addi %add3A_661, %add3A_728 : i32
        %get3A_730 = arith.index_cast %add3A_729 : i32 to index
        %get3A_731 = tpu.vector_load %arg6[%get3A_730] {strides = array<i32>} : memref<24576xf32, #tpu.memory_space<vmem>>, vector<16xf32>,
        %get3A_732 = vector.shape_cast %get3A_731 : vector<16xf32> to vector<16xf32>
        %get3A_733 = arith.index_cast %add3A_729 : i32 to index
        %get3A_734 = tpu.vector_load %arg8[%get3A_733] {strides = array<i32>} : memref<24576xf32, #tpu.memory_space<vmem>>, vector<16xf32>,
        %get3A_735 = vector.shape_cast %get3A_734 : vector<16xf32> to vector<16xf32>
        %sub3A_736 = arith.subf %get3A_732, %get3A_735 : vector<16xf32>
        %abs3A_737 = math.absf %sub3A_736 : vector<16xf32>
        %add3A_738 = arith.addf %add3A_716, %abs3A_737 : vector<16xf32>
        %add3A_739 = arith.constant 112 : i32
        %add3A_740 = arith.addi %add3A_661, %add3A_739 : i32
        %get3A_741 = arith.index_cast %add3A_740 : i32 to index
        %get3A_742 = tpu.vector_load %arg6[%get3A_741] {strides = array<i32>} : memref<24576xf32, #tpu.memory_space<vmem>>, vector<16xf32>,
        %get3A_743 = vector.shape_cast %get3A_742 : vector<16xf32> to vector<16xf32>
        %get3A_744 = arith.index_cast %add3A_740 : i32 to index
        %get3A_745 = tpu.vector_load %arg8[%get3A_744] {strides = array<i32>} : memref<24576xf32, #tpu.memory_space<vmem>>, vector<16xf32>,
        %get3A_746 = vector.shape_cast %get3A_745 : vector<16xf32> to vector<16xf32>
        %sub3A_747 = arith.subf %get3A_743, %get3A_746 : vector<16xf32>
        %abs3A_748 = math.absf %sub3A_747 : vector<16xf32>
        %add3A_749 = arith.addf %add3A_727, %abs3A_748 : vector<16xf32>
        scf.yield %add3A_738, %add3A_749 : vector<16xf32>, vector<16xf32>
      }
      %scan3A_327 = arith.constant 14 : i32
      %get3A_328 = arith.constant 1792 : index
      %get3A_329 = tpu.vector_load %arg6[%get3A_328] {strides = array<i32>} : memref<24576xf32, #tpu.memory_space<vmem>>, vector<16xf32>,
      %get3A_330 = vector.shape_cast %get3A_329 : vector<16xf32> to vector<16xf32>
      %get3A_331 = arith.constant 1792 : index
      %get3A_332 = tpu.vector_load %arg8[%get3A_331] {strides = array<i32>} : memref<24576xf32, #tpu.memory_space<vmem>>, vector<16xf32>,
      %get3A_333 = vector.shape_cast %get3A_332 : vector<16xf32> to vector<16xf32>
      %sub3A_334 = arith.subf %get3A_330, %get3A_333 : vector<16xf32>
      %abs3A_335 = math.absf %sub3A_334 : vector<16xf32>
      %add3A_336 = arith.addf %scan3A_326#0, %abs3A_335 : vector<16xf32>
      %get3A_337 = arith.constant 1808 : index
      %get3A_338 = tpu.vector_load %arg6[%get3A_337] {strides = array<i32>} : memref<24576xf32, #tpu.memory_space<vmem>>, vector<16xf32>,
      %get3A_339 = vector.shape_cast %get3A_338 : vector<16xf32> to vector<16xf32>
      %get3A_340 = arith.constant 1808 : index
      %get3A_341 = tpu.vector_load %arg8[%get3A_340] {strides = array<i32>} : memref<24576xf32, #tpu.memory_space<vmem>>, vector<16xf32>,
      %get3A_342 = vector.shape_cast %get3A_341 : vector<16xf32> to vector<16xf32>
      %sub3A_343 = arith.subf %get3A_339, %get3A_342 : vector<16xf32>
      %abs3A_344 = math.absf %sub3A_343 : vector<16xf32>
      %add3A_345 = arith.addf %scan3A_326#1, %abs3A_344 : vector<16xf32>
      %add3A_346 = arith.addf %add3A_336, %add3A_345 : vector<16xf32>
      %add3A_347 = arith.addf %add3A_277, %add3A_346 : vector<16xf32>
      %broadcast_in_dim3A_348 = arith.constant 0.000000e+00 : f32
      %broadcast_in_dim3A_349 = vector.broadcast %broadcast_in_dim3A_348 : f32 to vector<16xf32>
      %broadcast_in_dim3A_350 = arith.constant 0.000000e+00 : f32
      %broadcast_in_dim3A_351 = vector.broadcast %broadcast_in_dim3A_350 : f32 to vector<16xf32>
      %scan3A_352 = arith.constant 0 : i32
      %scan3A_353 = arith.constant 93 : i32
      %scan3A_354 = arith.addi %scan3A_352, %scan3A_353 : i32
      %scan3A_355 = arith.constant 1 : i32
      %scan3A_356:2 = scf.for %scan3A_655 = %scan3A_352 to %scan3A_354 step %scan3A_355 iter_args(%scan3A_656 = %broadcast_in_dim3A_349, %scan3A_657 = %broadcast_in_dim3A_351) -> (vector<16xf32>, vector<16xf32>)  : i32 {
        %mul3A_658 = arith.constant 128 : i32
        %mul3A_659 = arith.muli %scan3A_655, %mul3A_658 : i32
        %add3A_660 = arith.constant 1824 : i32
        %add3A_661 = arith.addi %add3A_660, %mul3A_659 : i32
        %add3A_662 = arith.constant 0 : i32
        %add3A_663 = arith.addi %add3A_661, %add3A_662 : i32
        %get3A_664 = arith.index_cast %add3A_663 : i32 to index
        %get3A_665 = tpu.vector_load %arg6[%get3A_664] {strides = array<i32>} : memref<24576xf32, #tpu.memory_space<vmem>>, vector<16xf32>,
        %get3A_666 = vector.shape_cast %get3A_665 : vector<16xf32> to vector<16xf32>
        %get3A_667 = arith.index_cast %add3A_663 : i32 to index
        %get3A_668 = tpu.vector_load %arg8[%get3A_667] {strides = array<i32>} : memref<24576xf32, #tpu.memory_space<vmem>>, vector<16xf32>,
        %get3A_669 = vector.shape_cast %get3A_668 : vector<16xf32> to vector<16xf32>
        %sub3A_670 = arith.subf %get3A_666, %get3A_669 : vector<16xf32>
        %abs3A_671 = math.absf %sub3A_670 : vector<16xf32>
        %add3A_672 = arith.addf %scan3A_656, %abs3A_671 : vector<16xf32>
        %add3A_673 = arith.constant 16 : i32
        %add3A_674 = arith.addi %add3A_661, %add3A_673 : i32
        %get3A_675 = arith.index_cast %add3A_674 : i32 to index
        %get3A_676 = tpu.vector_load %arg6[%get3A_675] {strides = array<i32>} : memref<24576xf32, #tpu.memory_space<vmem>>, vector<16xf32>,
        %get3A_677 = vector.shape_cast %get3A_676 : vector<16xf32> to vector<16xf32>
        %get3A_678 = arith.index_cast %add3A_674 : i32 to index
        %get3A_679 = tpu.vector_load %arg8[%get3A_678] {strides = array<i32>} : memref<24576xf32, #tpu.memory_space<vmem>>, vector<16xf32>,
        %get3A_680 = vector.shape_cast %get3A_679 : vector<16xf32> to vector<16xf32>
        %sub3A_681 = arith.subf %get3A_677, %get3A_680 : vector<16xf32>
        %abs3A_682 = math.absf %sub3A_681 : vector<16xf32>
        %add3A_683 = arith.addf %scan3A_657, %abs3A_682 : vector<16xf32>
        %add3A_684 = arith.constant 32 : i32
        %add3A_685 = arith.addi %add3A_661, %add3A_684 : i32
        %get3A_686 = arith.index_cast %add3A_685 : i32 to index
        %get3A_687 = tpu.vector_load %arg6[%get3A_686] {strides = array<i32>} : memref<24576xf32, #tpu.memory_space<vmem>>, vector<16xf32>,
        %get3A_688 = vector.shape_cast %get3A_687 : vector<16xf32> to vector<16xf32>
        %get3A_689 = arith.index_cast %add3A_685 : i32 to index
        %get3A_690 = tpu.vector_load %arg8[%get3A_689] {strides = array<i32>} : memref<24576xf32, #tpu.memory_space<vmem>>, vector<16xf32>,
        %get3A_691 = vector.shape_cast %get3A_690 : vector<16xf32> to vector<16xf32>
        %sub3A_692 = arith.subf %get3A_688, %get3A_691 : vector<16xf32>
        %abs3A_693 = math.absf %sub3A_692 : vector<16xf32>
        %add3A_694 = arith.addf %add3A_672, %abs3A_693 : vector<16xf32>
        %add3A_695 = arith.constant 48 : i32
        %add3A_696 = arith.addi %add3A_661, %add3A_695 : i32
        %get3A_697 = arith.index_cast %add3A_696 : i32 to index
        %get3A_698 = tpu.vector_load %arg6[%get3A_697] {strides = array<i32>} : memref<24576xf32, #tpu.memory_space<vmem>>, vector<16xf32>,
        %get3A_699 = vector.shape_cast %get3A_698 : vector<16xf32> to vector<16xf32>
        %get3A_700 = arith.index_cast %add3A_696 : i32 to index
        %get3A_701 = tpu.vector_load %arg8[%get3A_700] {strides = array<i32>} : memref<24576xf32, #tpu.memory_space<vmem>>, vector<16xf32>,
        %get3A_702 = vector.shape_cast %get3A_701 : vector<16xf32> to vector<16xf32>
        %sub3A_703 = arith.subf %get3A_699, %get3A_702 : vector<16xf32>
        %abs3A_704 = math.absf %sub3A_703 : vector<16xf32>
        %add3A_705 = arith.addf %add3A_683, %abs3A_704 : vector<16xf32>
        %add3A_706 = arith.constant 64 : i32
        %add3A_707 = arith.addi %add3A_661, %add3A_706 : i32
        %get3A_708 = arith.index_cast %add3A_707 : i32 to index
        %get3A_709 = tpu.vector_load %arg6[%get3A_708] {strides = array<i32>} : memref<24576xf32, #tpu.memory_space<vmem>>, vector<16xf32>,
        %get3A_710 = vector.shape_cast %get3A_709 : vector<16xf32> to vector<16xf32>
        %get3A_711 = arith.index_cast %add3A_707 : i32 to index
        %get3A_712 = tpu.vector_load %arg8[%get3A_711] {strides = array<i32>} : memref<24576xf32, #tpu.memory_space<vmem>>, vector<16xf32>,
        %get3A_713 = vector.shape_cast %get3A_712 : vector<16xf32> to vector<16xf32>
        %sub3A_714 = arith.subf %get3A_710, %get3A_713 : vector<16xf32>
        %abs3A_715 = math.absf %sub3A_714 : vector<16xf32>
        %add3A_716 = arith.addf %add3A_694, %abs3A_715 : vector<16xf32>
        %add3A_717 = arith.constant 80 : i32
        %add3A_718 = arith.addi %add3A_661, %add3A_717 : i32
        %get3A_719 = arith.index_cast %add3A_718 : i32 to index
        %get3A_720 = tpu.vector_load %arg6[%get3A_719] {strides = array<i32>} : memref<24576xf32, #tpu.memory_space<vmem>>, vector<16xf32>,
        %get3A_721 = vector.shape_cast %get3A_720 : vector<16xf32> to vector<16xf32>
        %get3A_722 = arith.index_cast %add3A_718 : i32 to index
        %get3A_723 = tpu.vector_load %arg8[%get3A_722] {strides = array<i32>} : memref<24576xf32, #tpu.memory_space<vmem>>, vector<16xf32>,
        %get3A_724 = vector.shape_cast %get3A_723 : vector<16xf32> to vector<16xf32>
        %sub3A_725 = arith.subf %get3A_721, %get3A_724 : vector<16xf32>
        %abs3A_726 = math.absf %sub3A_725 : vector<16xf32>
        %add3A_727 = arith.addf %add3A_705, %abs3A_726 : vector<16xf32>
        %add3A_728 = arith.constant 96 : i32
        %add3A_729 = arith.addi %add3A_661, %add3A_728 : i32
        %get3A_730 = arith.index_cast %add3A_729 : i32 to index
        %get3A_731 = tpu.vector_load %arg6[%get3A_730] {strides = array<i32>} : memref<24576xf32, #tpu.memory_space<vmem>>, vector<16xf32>,
        %get3A_732 = vector.shape_cast %get3A_731 : vector<16xf32> to vector<16xf32>
        %get3A_733 = arith.index_cast %add3A_729 : i32 to index
        %get3A_734 = tpu.vector_load %arg8[%get3A_733] {strides = array<i32>} : memref<24576xf32, #tpu.memory_space<vmem>>, vector<16xf32>,
        %get3A_735 = vector.shape_cast %get3A_734 : vector<16xf32> to vector<16xf32>
        %sub3A_736 = arith.subf %get3A_732, %get3A_735 : vector<16xf32>
        %abs3A_737 = math.absf %sub3A_736 : vector<16xf32>
        %add3A_738 = arith.addf %add3A_716, %abs3A_737 : vector<16xf32>
        %add3A_739 = arith.constant 112 : i32
        %add3A_740 = arith.addi %add3A_661, %add3A_739 : i32
        %get3A_741 = arith.index_cast %add3A_740 : i32 to index
        %get3A_742 = tpu.vector_load %arg6[%get3A_741] {strides = array<i32>} : memref<24576xf32, #tpu.memory_space<vmem>>, vector<16xf32>,
        %get3A_743 = vector.shape_cast %get3A_742 : vector<16xf32> to vector<16xf32>
        %get3A_744 = arith.index_cast %add3A_740 : i32 to index
        %get3A_745 = tpu.vector_load %arg8[%get3A_744] {strides = array<i32>} : memref<24576xf32, #tpu.memory_space<vmem>>, vector<16xf32>,
        %get3A_746 = vector.shape_cast %get3A_745 : vector<16xf32> to vector<16xf32>
        %sub3A_747 = arith.subf %get3A_743, %get3A_746 : vector<16xf32>
        %abs3A_748 = math.absf %sub3A_747 : vector<16xf32>
        %add3A_749 = arith.addf %add3A_727, %abs3A_748 : vector<16xf32>
        scf.yield %add3A_738, %add3A_749 : vector<16xf32>, vector<16xf32>
      }
      %scan3A_357 = arith.constant 93 : i32
      %get3A_358 = arith.constant 13728 : index
      %get3A_359 = tpu.vector_load %arg6[%get3A_358] {strides = array<i32>} : memref<24576xf32, #tpu.memory_space<vmem>>, vector<16xf32>,
      %get3A_360 = vector.shape_cast %get3A_359 : vector<16xf32> to vector<16xf32>
      %get3A_361 = arith.constant 13728 : index
      %get3A_362 = tpu.vector_load %arg8[%get3A_361] {strides = array<i32>} : memref<24576xf32, #tpu.memory_space<vmem>>, vector<16xf32>,
      %get3A_363 = vector.shape_cast %get3A_362 : vector<16xf32> to vector<16xf32>
      %sub3A_364 = arith.subf %get3A_360, %get3A_363 : vector<16xf32>
      %abs3A_365 = math.absf %sub3A_364 : vector<16xf32>
      %add3A_366 = arith.addf %scan3A_356#0, %abs3A_365 : vector<16xf32>
      %get3A_367 = arith.constant 13744 : index
      %get3A_368 = tpu.vector_load %arg6[%get3A_367] {strides = array<i32>} : memref<24576xf32, #tpu.memory_space<vmem>>, vector<16xf32>,
      %get3A_369 = vector.shape_cast %get3A_368 : vector<16xf32> to vector<16xf32>
      %get3A_370 = arith.constant 13744 : index
      %get3A_371 = tpu.vector_load %arg8[%get3A_370] {strides = array<i32>} : memref<24576xf32, #tpu.memory_space<vmem>>, vector<16xf32>,
      %get3A_372 = vector.shape_cast %get3A_371 : vector<16xf32> to vector<16xf32>
      %sub3A_373 = arith.subf %get3A_369, %get3A_372 : vector<16xf32>
      %abs3A_374 = math.absf %sub3A_373 : vector<16xf32>
      %add3A_375 = arith.addf %scan3A_356#1, %abs3A_374 : vector<16xf32>
      %get3A_376 = arith.constant 13760 : index
      %get3A_377 = tpu.vector_load %arg6[%get3A_376] {strides = array<i32>} : memref<24576xf32, #tpu.memory_space<vmem>>, vector<16xf32>,
      %get3A_378 = vector.shape_cast %get3A_377 : vector<16xf32> to vector<16xf32>
      %get3A_379 = arith.constant 13760 : index
      %get3A_380 = tpu.vector_load %arg8[%get3A_379] {strides = array<i32>} : memref<24576xf32, #tpu.memory_space<vmem>>, vector<16xf32>,
      %get3A_381 = vector.shape_cast %get3A_380 : vector<16xf32> to vector<16xf32>
      %sub3A_382 = arith.subf %get3A_378, %get3A_381 : vector<16xf32>
      %abs3A_383 = math.absf %sub3A_382 : vector<16xf32>
      %add3A_384 = arith.addf %add3A_366, %abs3A_383 : vector<16xf32>
      %get3A_385 = arith.constant 13776 : index
      %get3A_386 = tpu.vector_load %arg6[%get3A_385] {strides = array<i32>} : memref<24576xf32, #tpu.memory_space<vmem>>, vector<16xf32>,
      %get3A_387 = vector.shape_cast %get3A_386 : vector<16xf32> to vector<16xf32>
      %get3A_388 = arith.constant 13776 : index
      %get3A_389 = tpu.vector_load %arg8[%get3A_388] {strides = array<i32>} : memref<24576xf32, #tpu.memory_space<vmem>>, vector<16xf32>,
      %get3A_390 = vector.shape_cast %get3A_389 : vector<16xf32> to vector<16xf32>
      %sub3A_391 = arith.subf %get3A_387, %get3A_390 : vector<16xf32>
      %abs3A_392 = math.absf %sub3A_391 : vector<16xf32>
      %add3A_393 = arith.addf %add3A_375, %abs3A_392 : vector<16xf32>
      %get3A_394 = arith.constant 13792 : index
      %get3A_395 = tpu.vector_load %arg6[%get3A_394] {strides = array<i32>} : memref<24576xf32, #tpu.memory_space<vmem>>, vector<16xf32>,
      %get3A_396 = vector.shape_cast %get3A_395 : vector<16xf32> to vector<16xf32>
      %get3A_397 = arith.constant 13792 : index
      %get3A_398 = tpu.vector_load %arg8[%get3A_397] {strides = array<i32>} : memref<24576xf32, #tpu.memory_space<vmem>>, vector<16xf32>,
      %get3A_399 = vector.shape_cast %get3A_398 : vector<16xf32> to vector<16xf32>
      %sub3A_400 = arith.subf %get3A_396, %get3A_399 : vector<16xf32>
      %abs3A_401 = math.absf %sub3A_400 : vector<16xf32>
      %add3A_402 = arith.addf %add3A_384, %abs3A_401 : vector<16xf32>
      %get3A_403 = arith.constant 13808 : index
      %get3A_404 = tpu.vector_load %arg6[%get3A_403] {strides = array<i32>} : memref<24576xf32, #tpu.memory_space<vmem>>, vector<16xf32>,
      %get3A_405 = vector.shape_cast %get3A_404 : vector<16xf32> to vector<16xf32>
      %get3A_406 = arith.constant 13808 : index
      %get3A_407 = tpu.vector_load %arg8[%get3A_406] {strides = array<i32>} : memref<24576xf32, #tpu.memory_space<vmem>>, vector<16xf32>,
      %get3A_408 = vector.shape_cast %get3A_407 : vector<16xf32> to vector<16xf32>
      %sub3A_409 = arith.subf %get3A_405, %get3A_408 : vector<16xf32>
      %abs3A_410 = math.absf %sub3A_409 : vector<16xf32>
      %add3A_411 = arith.addf %add3A_393, %abs3A_410 : vector<16xf32>
      %add3A_412 = arith.addf %add3A_402, %add3A_411 : vector<16xf32>
      %add3A_413 = arith.addf %add3A_229, %add3A_412 : vector<16xf32>
      %broadcast_in_dim3A_414 = arith.constant 0.000000e+00 : f32
      %broadcast_in_dim3A_415 = vector.broadcast %broadcast_in_dim3A_414 : f32 to vector<16xf32>
      %broadcast_in_dim3A_416 = arith.constant 0.000000e+00 : f32
      %broadcast_in_dim3A_417 = vector.broadcast %broadcast_in_dim3A_416 : f32 to vector<16xf32>
      %scan3A_418 = arith.constant 0 : i32
      %scan3A_419 = arith.constant 39 : i32
      %scan3A_420 = arith.addi %scan3A_418, %scan3A_419 : i32
      %scan3A_421 = arith.constant 1 : i32
      %scan3A_422:2 = scf.for %scan3A_655 = %scan3A_418 to %scan3A_420 step %scan3A_421 iter_args(%scan3A_656 = %broadcast_in_dim3A_415, %scan3A_657 = %broadcast_in_dim3A_417) -> (vector<16xf32>, vector<16xf32>)  : i32 {
        %mul3A_658 = arith.constant 128 : i32
        %mul3A_659 = arith.muli %scan3A_655, %mul3A_658 : i32
        %add3A_660 = arith.constant 13824 : i32
        %add3A_661 = arith.addi %add3A_660, %mul3A_659 : i32
        %add3A_662 = arith.constant 0 : i32
        %add3A_663 = arith.addi %add3A_661, %add3A_662 : i32
        %get3A_664 = arith.index_cast %add3A_663 : i32 to index
        %get3A_665 = tpu.vector_load %arg6[%get3A_664] {strides = array<i32>} : memref<24576xf32, #tpu.memory_space<vmem>>, vector<16xf32>,
        %get3A_666 = vector.shape_cast %get3A_665 : vector<16xf32> to vector<16xf32>
        %get3A_667 = arith.index_cast %add3A_663 : i32 to index
        %get3A_668 = tpu.vector_load %arg8[%get3A_667] {strides = array<i32>} : memref<24576xf32, #tpu.memory_space<vmem>>, vector<16xf32>,
        %get3A_669 = vector.shape_cast %get3A_668 : vector<16xf32> to vector<16xf32>
        %sub3A_670 = arith.subf %get3A_666, %get3A_669 : vector<16xf32>
        %abs3A_671 = math.absf %sub3A_670 : vector<16xf32>
        %add3A_672 = arith.addf %scan3A_656, %abs3A_671 : vector<16xf32>
        %add3A_673 = arith.constant 16 : i32
        %add3A_674 = arith.addi %add3A_661, %add3A_673 : i32
        %get3A_675 = arith.index_cast %add3A_674 : i32 to index
        %get3A_676 = tpu.vector_load %arg6[%get3A_675] {strides = array<i32>} : memref<24576xf32, #tpu.memory_space<vmem>>, vector<16xf32>,
        %get3A_677 = vector.shape_cast %get3A_676 : vector<16xf32> to vector<16xf32>
        %get3A_678 = arith.index_cast %add3A_674 : i32 to index
        %get3A_679 = tpu.vector_load %arg8[%get3A_678] {strides = array<i32>} : memref<24576xf32, #tpu.memory_space<vmem>>, vector<16xf32>,
        %get3A_680 = vector.shape_cast %get3A_679 : vector<16xf32> to vector<16xf32>
        %sub3A_681 = arith.subf %get3A_677, %get3A_680 : vector<16xf32>
        %abs3A_682 = math.absf %sub3A_681 : vector<16xf32>
        %add3A_683 = arith.addf %scan3A_657, %abs3A_682 : vector<16xf32>
        %add3A_684 = arith.constant 32 : i32
        %add3A_685 = arith.addi %add3A_661, %add3A_684 : i32
        %get3A_686 = arith.index_cast %add3A_685 : i32 to index
        %get3A_687 = tpu.vector_load %arg6[%get3A_686] {strides = array<i32>} : memref<24576xf32, #tpu.memory_space<vmem>>, vector<16xf32>,
        %get3A_688 = vector.shape_cast %get3A_687 : vector<16xf32> to vector<16xf32>
        %get3A_689 = arith.index_cast %add3A_685 : i32 to index
        %get3A_690 = tpu.vector_load %arg8[%get3A_689] {strides = array<i32>} : memref<24576xf32, #tpu.memory_space<vmem>>, vector<16xf32>,
        %get3A_691 = vector.shape_cast %get3A_690 : vector<16xf32> to vector<16xf32>
        %sub3A_692 = arith.subf %get3A_688, %get3A_691 : vector<16xf32>
        %abs3A_693 = math.absf %sub3A_692 : vector<16xf32>
        %add3A_694 = arith.addf %add3A_672, %abs3A_693 : vector<16xf32>
        %add3A_695 = arith.constant 48 : i32
        %add3A_696 = arith.addi %add3A_661, %add3A_695 : i32
        %get3A_697 = arith.index_cast %add3A_696 : i32 to index
        %get3A_698 = tpu.vector_load %arg6[%get3A_697] {strides = array<i32>} : memref<24576xf32, #tpu.memory_space<vmem>>, vector<16xf32>,
        %get3A_699 = vector.shape_cast %get3A_698 : vector<16xf32> to vector<16xf32>
        %get3A_700 = arith.index_cast %add3A_696 : i32 to index
        %get3A_701 = tpu.vector_load %arg8[%get3A_700] {strides = array<i32>} : memref<24576xf32, #tpu.memory_space<vmem>>, vector<16xf32>,
        %get3A_702 = vector.shape_cast %get3A_701 : vector<16xf32> to vector<16xf32>
        %sub3A_703 = arith.subf %get3A_699, %get3A_702 : vector<16xf32>
        %abs3A_704 = math.absf %sub3A_703 : vector<16xf32>
        %add3A_705 = arith.addf %add3A_683, %abs3A_704 : vector<16xf32>
        %add3A_706 = arith.constant 64 : i32
        %add3A_707 = arith.addi %add3A_661, %add3A_706 : i32
        %get3A_708 = arith.index_cast %add3A_707 : i32 to index
        %get3A_709 = tpu.vector_load %arg6[%get3A_708] {strides = array<i32>} : memref<24576xf32, #tpu.memory_space<vmem>>, vector<16xf32>,
        %get3A_710 = vector.shape_cast %get3A_709 : vector<16xf32> to vector<16xf32>
        %get3A_711 = arith.index_cast %add3A_707 : i32 to index
        %get3A_712 = tpu.vector_load %arg8[%get3A_711] {strides = array<i32>} : memref<24576xf32, #tpu.memory_space<vmem>>, vector<16xf32>,
        %get3A_713 = vector.shape_cast %get3A_712 : vector<16xf32> to vector<16xf32>
        %sub3A_714 = arith.subf %get3A_710, %get3A_713 : vector<16xf32>
        %abs3A_715 = math.absf %sub3A_714 : vector<16xf32>
        %add3A_716 = arith.addf %add3A_694, %abs3A_715 : vector<16xf32>
        %add3A_717 = arith.constant 80 : i32
        %add3A_718 = arith.addi %add3A_661, %add3A_717 : i32
        %get3A_719 = arith.index_cast %add3A_718 : i32 to index
        %get3A_720 = tpu.vector_load %arg6[%get3A_719] {strides = array<i32>} : memref<24576xf32, #tpu.memory_space<vmem>>, vector<16xf32>,
        %get3A_721 = vector.shape_cast %get3A_720 : vector<16xf32> to vector<16xf32>
        %get3A_722 = arith.index_cast %add3A_718 : i32 to index
        %get3A_723 = tpu.vector_load %arg8[%get3A_722] {strides = array<i32>} : memref<24576xf32, #tpu.memory_space<vmem>>, vector<16xf32>,
        %get3A_724 = vector.shape_cast %get3A_723 : vector<16xf32> to vector<16xf32>
        %sub3A_725 = arith.subf %get3A_721, %get3A_724 : vector<16xf32>
        %abs3A_726 = math.absf %sub3A_725 : vector<16xf32>
        %add3A_727 = arith.addf %add3A_705, %abs3A_726 : vector<16xf32>
        %add3A_728 = arith.constant 96 : i32
        %add3A_729 = arith.addi %add3A_661, %add3A_728 : i32
        %get3A_730 = arith.index_cast %add3A_729 : i32 to index
        %get3A_731 = tpu.vector_load %arg6[%get3A_730] {strides = array<i32>} : memref<24576xf32, #tpu.memory_space<vmem>>, vector<16xf32>,
        %get3A_732 = vector.shape_cast %get3A_731 : vector<16xf32> to vector<16xf32>
        %get3A_733 = arith.index_cast %add3A_729 : i32 to index
        %get3A_734 = tpu.vector_load %arg8[%get3A_733] {strides = array<i32>} : memref<24576xf32, #tpu.memory_space<vmem>>, vector<16xf32>,
        %get3A_735 = vector.shape_cast %get3A_734 : vector<16xf32> to vector<16xf32>
        %sub3A_736 = arith.subf %get3A_732, %get3A_735 : vector<16xf32>
        %abs3A_737 = math.absf %sub3A_736 : vector<16xf32>
        %add3A_738 = arith.addf %add3A_716, %abs3A_737 : vector<16xf32>
        %add3A_739 = arith.constant 112 : i32
        %add3A_740 = arith.addi %add3A_661, %add3A_739 : i32
        %get3A_741 = arith.index_cast %add3A_740 : i32 to index
        %get3A_742 = tpu.vector_load %arg6[%get3A_741] {strides = array<i32>} : memref<24576xf32, #tpu.memory_space<vmem>>, vector<16xf32>,
        %get3A_743 = vector.shape_cast %get3A_742 : vector<16xf32> to vector<16xf32>
        %get3A_744 = arith.index_cast %add3A_740 : i32 to index
        %get3A_745 = tpu.vector_load %arg8[%get3A_744] {strides = array<i32>} : memref<24576xf32, #tpu.memory_space<vmem>>, vector<16xf32>,
        %get3A_746 = vector.shape_cast %get3A_745 : vector<16xf32> to vector<16xf32>
        %sub3A_747 = arith.subf %get3A_743, %get3A_746 : vector<16xf32>
        %abs3A_748 = math.absf %sub3A_747 : vector<16xf32>
        %add3A_749 = arith.addf %add3A_727, %abs3A_748 : vector<16xf32>
        scf.yield %add3A_738, %add3A_749 : vector<16xf32>, vector<16xf32>
      }
      %scan3A_423 = arith.constant 39 : i32
      %get3A_424 = arith.constant 18816 : index
      %get3A_425 = tpu.vector_load %arg6[%get3A_424] {strides = array<i32>} : memref<24576xf32, #tpu.memory_space<vmem>>, vector<16xf32>,
      %get3A_426 = vector.shape_cast %get3A_425 : vector<16xf32> to vector<16xf32>
      %get3A_427 = arith.constant 18816 : index
      %get3A_428 = tpu.vector_load %arg8[%get3A_427] {strides = array<i32>} : memref<24576xf32, #tpu.memory_space<vmem>>, vector<16xf32>,
      %get3A_429 = vector.shape_cast %get3A_428 : vector<16xf32> to vector<16xf32>
      %sub3A_430 = arith.subf %get3A_426, %get3A_429 : vector<16xf32>
      %abs3A_431 = math.absf %sub3A_430 : vector<16xf32>
      %add3A_432 = arith.addf %scan3A_422#0, %abs3A_431 : vector<16xf32>
      %get3A_433 = arith.constant 18832 : index
      %get3A_434 = tpu.vector_load %arg6[%get3A_433] {strides = array<i32>} : memref<24576xf32, #tpu.memory_space<vmem>>, vector<16xf32>,
      %get3A_435 = vector.shape_cast %get3A_434 : vector<16xf32> to vector<16xf32>
      %get3A_436 = arith.constant 18832 : index
      %get3A_437 = tpu.vector_load %arg8[%get3A_436] {strides = array<i32>} : memref<24576xf32, #tpu.memory_space<vmem>>, vector<16xf32>,
      %get3A_438 = vector.shape_cast %get3A_437 : vector<16xf32> to vector<16xf32>
      %sub3A_439 = arith.subf %get3A_435, %get3A_438 : vector<16xf32>
      %abs3A_440 = math.absf %sub3A_439 : vector<16xf32>
      %add3A_441 = arith.addf %scan3A_422#1, %abs3A_440 : vector<16xf32>
      %get3A_442 = arith.constant 18848 : index
      %get3A_443 = tpu.vector_load %arg6[%get3A_442] {strides = array<i32>} : memref<24576xf32, #tpu.memory_space<vmem>>, vector<16xf32>,
      %get3A_444 = vector.shape_cast %get3A_443 : vector<16xf32> to vector<16xf32>
      %get3A_445 = arith.constant 18848 : index
      %get3A_446 = tpu.vector_load %arg8[%get3A_445] {strides = array<i32>} : memref<24576xf32, #tpu.memory_space<vmem>>, vector<16xf32>,
      %get3A_447 = vector.shape_cast %get3A_446 : vector<16xf32> to vector<16xf32>
      %sub3A_448 = arith.subf %get3A_444, %get3A_447 : vector<16xf32>
      %abs3A_449 = math.absf %sub3A_448 : vector<16xf32>
      %add3A_450 = arith.addf %add3A_432, %abs3A_449 : vector<16xf32>
      %get3A_451 = arith.constant 18864 : index
      %get3A_452 = tpu.vector_load %arg6[%get3A_451] {strides = array<i32>} : memref<24576xf32, #tpu.memory_space<vmem>>, vector<16xf32>,
      %get3A_453 = vector.shape_cast %get3A_452 : vector<16xf32> to vector<16xf32>
      %get3A_454 = arith.constant 18864 : index
      %get3A_455 = tpu.vector_load %arg8[%get3A_454] {strides = array<i32>} : memref<24576xf32, #tpu.memory_space<vmem>>, vector<16xf32>,
      %get3A_456 = vector.shape_cast %get3A_455 : vector<16xf32> to vector<16xf32>
      %sub3A_457 = arith.subf %get3A_453, %get3A_456 : vector<16xf32>
      %abs3A_458 = math.absf %sub3A_457 : vector<16xf32>
      %add3A_459 = arith.addf %add3A_441, %abs3A_458 : vector<16xf32>
      %get3A_460 = arith.constant 18880 : index
      %get3A_461 = tpu.vector_load %arg6[%get3A_460] {strides = array<i32>} : memref<24576xf32, #tpu.memory_space<vmem>>, vector<16xf32>,
      %get3A_462 = vector.shape_cast %get3A_461 : vector<16xf32> to vector<16xf32>
      %get3A_463 = arith.constant 18880 : index
      %get3A_464 = tpu.vector_load %arg8[%get3A_463] {strides = array<i32>} : memref<24576xf32, #tpu.memory_space<vmem>>, vector<16xf32>,
      %get3A_465 = vector.shape_cast %get3A_464 : vector<16xf32> to vector<16xf32>
      %sub3A_466 = arith.subf %get3A_462, %get3A_465 : vector<16xf32>
      %abs3A_467 = math.absf %sub3A_466 : vector<16xf32>
      %add3A_468 = arith.addf %add3A_450, %abs3A_467 : vector<16xf32>
      %get3A_469 = arith.constant 18896 : index
      %get3A_470 = tpu.vector_load %arg6[%get3A_469] {strides = array<i32>} : memref<24576xf32, #tpu.memory_space<vmem>>, vector<16xf32>,
      %get3A_471 = vector.shape_cast %get3A_470 : vector<16xf32> to vector<16xf32>
      %get3A_472 = arith.constant 18896 : index
      %get3A_473 = tpu.vector_load %arg8[%get3A_472] {strides = array<i32>} : memref<24576xf32, #tpu.memory_space<vmem>>, vector<16xf32>,
      %get3A_474 = vector.shape_cast %get3A_473 : vector<16xf32> to vector<16xf32>
      %sub3A_475 = arith.subf %get3A_471, %get3A_474 : vector<16xf32>
      %abs3A_476 = math.absf %sub3A_475 : vector<16xf32>
      %add3A_477 = arith.addf %add3A_459, %abs3A_476 : vector<16xf32>
      %add3A_478 = arith.addf %add3A_468, %add3A_477 : vector<16xf32>
      %add3A_479 = arith.addf %scan3A_27, %add3A_478 : vector<16xf32>
      %get3A_480 = arith.constant 18912 : index
      %get3A_481 = tpu.vector_load %arg6[%get3A_480] {strides = array<i32>} : memref<24576xf32, #tpu.memory_space<vmem>>, vector<16xf32>,
      %get3A_482 = vector.shape_cast %get3A_481 : vector<16xf32> to vector<16xf32>
      %get3A_483 = arith.constant 18912 : index
      %get3A_484 = tpu.vector_load %arg8[%get3A_483] {strides = array<i32>} : memref<24576xf32, #tpu.memory_space<vmem>>, vector<16xf32>,
      %get3A_485 = vector.shape_cast %get3A_484 : vector<16xf32> to vector<16xf32>
      %sub3A_486 = arith.subf %get3A_482, %get3A_485 : vector<16xf32>
      %abs3A_487 = math.absf %sub3A_486 : vector<16xf32>
      %lt3A = arith.constant 12 : i32
      %lt3A_488 = vector.broadcast %lt3A : i32 to vector<16xi32>
      %lt3A_489 = arith.cmpi slt, %iota3A, %lt3A_488 : vector<16xi32>
      %jit3A = arith.constant 0.000000e+00 : f32
      %broadcast_in_dim3A_490 = vector.broadcast %jit3A : f32 to vector<16xf32>
      %select_n3A = arith.select %lt3A_489, %abs3A_487, %broadcast_in_dim3A_490 : vector<16xi1>, vector<16xf32>
      %add3A_491 = arith.addf %add3A_479, %select_n3A : vector<16xf32>
      %ge3A = arith.constant 12 : i32
      %ge3A_492 = vector.broadcast %ge3A : i32 to vector<16xi32>
      %ge3A_493 = arith.cmpi sge, %iota3A, %ge3A_492 : vector<16xi32>
      %jit3A_494 = arith.constant 0.000000e+00 : f32
      %broadcast_in_dim3A_495 = vector.broadcast %jit3A_494 : f32 to vector<16xf32>
      %select_n3A_496 = arith.select %ge3A_493, %abs3A_487, %broadcast_in_dim3A_495 : vector<16xi1>, vector<16xf32>
      %add3A_497 = arith.addf %add3A_413, %select_n3A_496 : vector<16xf32>
      %broadcast_in_dim3A_498 = arith.constant 0.000000e+00 : f32
      %broadcast_in_dim3A_499 = vector.broadcast %broadcast_in_dim3A_498 : f32 to vector<16xf32>
      %broadcast_in_dim3A_500 = arith.constant 0.000000e+00 : f32
      %broadcast_in_dim3A_501 = vector.broadcast %broadcast_in_dim3A_500 : f32 to vector<16xf32>
      %scan3A_502 = arith.constant 0 : i32
      %scan3A_503 = arith.constant 44 : i32
      %scan3A_504 = arith.addi %scan3A_502, %scan3A_503 : i32
      %scan3A_505 = arith.constant 1 : i32
      %scan3A_506:2 = scf.for %scan3A_655 = %scan3A_502 to %scan3A_504 step %scan3A_505 iter_args(%scan3A_656 = %broadcast_in_dim3A_499, %scan3A_657 = %broadcast_in_dim3A_501) -> (vector<16xf32>, vector<16xf32>)  : i32 {
        %mul3A_658 = arith.constant 128 : i32
        %mul3A_659 = arith.muli %scan3A_655, %mul3A_658 : i32
        %add3A_660 = arith.constant 18928 : i32
        %add3A_661 = arith.addi %add3A_660, %mul3A_659 : i32
        %add3A_662 = arith.constant 0 : i32
        %add3A_663 = arith.addi %add3A_661, %add3A_662 : i32
        %get3A_664 = arith.index_cast %add3A_663 : i32 to index
        %get3A_665 = tpu.vector_load %arg6[%get3A_664] {strides = array<i32>} : memref<24576xf32, #tpu.memory_space<vmem>>, vector<16xf32>,
        %get3A_666 = vector.shape_cast %get3A_665 : vector<16xf32> to vector<16xf32>
        %get3A_667 = arith.index_cast %add3A_663 : i32 to index
        %get3A_668 = tpu.vector_load %arg8[%get3A_667] {strides = array<i32>} : memref<24576xf32, #tpu.memory_space<vmem>>, vector<16xf32>,
        %get3A_669 = vector.shape_cast %get3A_668 : vector<16xf32> to vector<16xf32>
        %sub3A_670 = arith.subf %get3A_666, %get3A_669 : vector<16xf32>
        %abs3A_671 = math.absf %sub3A_670 : vector<16xf32>
        %add3A_672 = arith.addf %scan3A_656, %abs3A_671 : vector<16xf32>
        %add3A_673 = arith.constant 16 : i32
        %add3A_674 = arith.addi %add3A_661, %add3A_673 : i32
        %get3A_675 = arith.index_cast %add3A_674 : i32 to index
        %get3A_676 = tpu.vector_load %arg6[%get3A_675] {strides = array<i32>} : memref<24576xf32, #tpu.memory_space<vmem>>, vector<16xf32>,
        %get3A_677 = vector.shape_cast %get3A_676 : vector<16xf32> to vector<16xf32>
        %get3A_678 = arith.index_cast %add3A_674 : i32 to index
        %get3A_679 = tpu.vector_load %arg8[%get3A_678] {strides = array<i32>} : memref<24576xf32, #tpu.memory_space<vmem>>, vector<16xf32>,
        %get3A_680 = vector.shape_cast %get3A_679 : vector<16xf32> to vector<16xf32>
        %sub3A_681 = arith.subf %get3A_677, %get3A_680 : vector<16xf32>
        %abs3A_682 = math.absf %sub3A_681 : vector<16xf32>
        %add3A_683 = arith.addf %scan3A_657, %abs3A_682 : vector<16xf32>
        %add3A_684 = arith.constant 32 : i32
        %add3A_685 = arith.addi %add3A_661, %add3A_684 : i32
        %get3A_686 = arith.index_cast %add3A_685 : i32 to index
        %get3A_687 = tpu.vector_load %arg6[%get3A_686] {strides = array<i32>} : memref<24576xf32, #tpu.memory_space<vmem>>, vector<16xf32>,
        %get3A_688 = vector.shape_cast %get3A_687 : vector<16xf32> to vector<16xf32>
        %get3A_689 = arith.index_cast %add3A_685 : i32 to index
        %get3A_690 = tpu.vector_load %arg8[%get3A_689] {strides = array<i32>} : memref<24576xf32, #tpu.memory_space<vmem>>, vector<16xf32>,
        %get3A_691 = vector.shape_cast %get3A_690 : vector<16xf32> to vector<16xf32>
        %sub3A_692 = arith.subf %get3A_688, %get3A_691 : vector<16xf32>
        %abs3A_693 = math.absf %sub3A_692 : vector<16xf32>
        %add3A_694 = arith.addf %add3A_672, %abs3A_693 : vector<16xf32>
        %add3A_695 = arith.constant 48 : i32
        %add3A_696 = arith.addi %add3A_661, %add3A_695 : i32
        %get3A_697 = arith.index_cast %add3A_696 : i32 to index
        %get3A_698 = tpu.vector_load %arg6[%get3A_697] {strides = array<i32>} : memref<24576xf32, #tpu.memory_space<vmem>>, vector<16xf32>,
        %get3A_699 = vector.shape_cast %get3A_698 : vector<16xf32> to vector<16xf32>
        %get3A_700 = arith.index_cast %add3A_696 : i32 to index
        %get3A_701 = tpu.vector_load %arg8[%get3A_700] {strides = array<i32>} : memref<24576xf32, #tpu.memory_space<vmem>>, vector<16xf32>,
        %get3A_702 = vector.shape_cast %get3A_701 : vector<16xf32> to vector<16xf32>
        %sub3A_703 = arith.subf %get3A_699, %get3A_702 : vector<16xf32>
        %abs3A_704 = math.absf %sub3A_703 : vector<16xf32>
        %add3A_705 = arith.addf %add3A_683, %abs3A_704 : vector<16xf32>
        %add3A_706 = arith.constant 64 : i32
        %add3A_707 = arith.addi %add3A_661, %add3A_706 : i32
        %get3A_708 = arith.index_cast %add3A_707 : i32 to index
        %get3A_709 = tpu.vector_load %arg6[%get3A_708] {strides = array<i32>} : memref<24576xf32, #tpu.memory_space<vmem>>, vector<16xf32>,
        %get3A_710 = vector.shape_cast %get3A_709 : vector<16xf32> to vector<16xf32>
        %get3A_711 = arith.index_cast %add3A_707 : i32 to index
        %get3A_712 = tpu.vector_load %arg8[%get3A_711] {strides = array<i32>} : memref<24576xf32, #tpu.memory_space<vmem>>, vector<16xf32>,
        %get3A_713 = vector.shape_cast %get3A_712 : vector<16xf32> to vector<16xf32>
        %sub3A_714 = arith.subf %get3A_710, %get3A_713 : vector<16xf32>
        %abs3A_715 = math.absf %sub3A_714 : vector<16xf32>
        %add3A_716 = arith.addf %add3A_694, %abs3A_715 : vector<16xf32>
        %add3A_717 = arith.constant 80 : i32
        %add3A_718 = arith.addi %add3A_661, %add3A_717 : i32
        %get3A_719 = arith.index_cast %add3A_718 : i32 to index
        %get3A_720 = tpu.vector_load %arg6[%get3A_719] {strides = array<i32>} : memref<24576xf32, #tpu.memory_space<vmem>>, vector<16xf32>,
        %get3A_721 = vector.shape_cast %get3A_720 : vector<16xf32> to vector<16xf32>
        %get3A_722 = arith.index_cast %add3A_718 : i32 to index
        %get3A_723 = tpu.vector_load %arg8[%get3A_722] {strides = array<i32>} : memref<24576xf32, #tpu.memory_space<vmem>>, vector<16xf32>,
        %get3A_724 = vector.shape_cast %get3A_723 : vector<16xf32> to vector<16xf32>
        %sub3A_725 = arith.subf %get3A_721, %get3A_724 : vector<16xf32>
        %abs3A_726 = math.absf %sub3A_725 : vector<16xf32>
        %add3A_727 = arith.addf %add3A_705, %abs3A_726 : vector<16xf32>
        %add3A_728 = arith.constant 96 : i32
        %add3A_729 = arith.addi %add3A_661, %add3A_728 : i32
        %get3A_730 = arith.index_cast %add3A_729 : i32 to index
        %get3A_731 = tpu.vector_load %arg6[%get3A_730] {strides = array<i32>} : memref<24576xf32, #tpu.memory_space<vmem>>, vector<16xf32>,
        %get3A_732 = vector.shape_cast %get3A_731 : vector<16xf32> to vector<16xf32>
        %get3A_733 = arith.index_cast %add3A_729 : i32 to index
        %get3A_734 = tpu.vector_load %arg8[%get3A_733] {strides = array<i32>} : memref<24576xf32, #tpu.memory_space<vmem>>, vector<16xf32>,
        %get3A_735 = vector.shape_cast %get3A_734 : vector<16xf32> to vector<16xf32>
        %sub3A_736 = arith.subf %get3A_732, %get3A_735 : vector<16xf32>
        %abs3A_737 = math.absf %sub3A_736 : vector<16xf32>
        %add3A_738 = arith.addf %add3A_716, %abs3A_737 : vector<16xf32>
        %add3A_739 = arith.constant 112 : i32
        %add3A_740 = arith.addi %add3A_661, %add3A_739 : i32
        %get3A_741 = arith.index_cast %add3A_740 : i32 to index
        %get3A_742 = tpu.vector_load %arg6[%get3A_741] {strides = array<i32>} : memref<24576xf32, #tpu.memory_space<vmem>>, vector<16xf32>,
        %get3A_743 = vector.shape_cast %get3A_742 : vector<16xf32> to vector<16xf32>
        %get3A_744 = arith.index_cast %add3A_740 : i32 to index
        %get3A_745 = tpu.vector_load %arg8[%get3A_744] {strides = array<i32>} : memref<24576xf32, #tpu.memory_space<vmem>>, vector<16xf32>,
        %get3A_746 = vector.shape_cast %get3A_745 : vector<16xf32> to vector<16xf32>
        %sub3A_747 = arith.subf %get3A_743, %get3A_746 : vector<16xf32>
        %abs3A_748 = math.absf %sub3A_747 : vector<16xf32>
        %add3A_749 = arith.addf %add3A_727, %abs3A_748 : vector<16xf32>
        scf.yield %add3A_738, %add3A_749 : vector<16xf32>, vector<16xf32>
      }
      %scan3A_507 = arith.constant 44 : i32
      %get3A_508 = arith.constant 24560 : index
      %get3A_509 = tpu.vector_load %arg6[%get3A_508] {strides = array<i32>} : memref<24576xf32, #tpu.memory_space<vmem>>, vector<16xf32>,
      %get3A_510 = vector.shape_cast %get3A_509 : vector<16xf32> to vector<16xf32>
      %get3A_511 = arith.constant 24560 : index
      %get3A_512 = tpu.vector_load %arg8[%get3A_511] {strides = array<i32>} : memref<24576xf32, #tpu.memory_space<vmem>>, vector<16xf32>,
      %get3A_513 = vector.shape_cast %get3A_512 : vector<16xf32> to vector<16xf32>
      %sub3A_514 = arith.subf %get3A_510, %get3A_513 : vector<16xf32>
      %abs3A_515 = math.absf %sub3A_514 : vector<16xf32>
      %add3A_516 = arith.addf %scan3A_506#0, %abs3A_515 : vector<16xf32>
      %add3A_517 = arith.addf %add3A_516, %scan3A_506#1 : vector<16xf32>
      %add3A_518 = arith.addf %add3A_497, %add3A_517 : vector<16xf32>
      %dma_start3A_519 = arith.constant 0 : i32
      %dma_start3A_520 = tpu.memref_slice %arg6[%dma_start3A_519] : memref<24576xf32, #tpu.memory_space<vmem>> -> memref<24576xf32, #tpu.memory_space<vmem>>
      %dma_start3A_521 = arith.constant 73728 : i32
      %dma_start3A_522 = tpu.memref_slice %arg2[%add3A_30, %dma_start3A_521] : memref<128x107136xf32, #tpu.memory_space<hbm>> -> memref<1x24576xf32, #tpu.memory_space<hbm>>
      %dma_start3A_523 = tpu.memref_squeeze %dma_start3A_522 : memref<1x24576xf32, #tpu.memory_space<hbm>> -> memref<24576xf32, #tpu.memory_space<hbm>>
      %dma_start3A_524 = arith.constant 0 : i32
      %dma_start3A_525 = tpu.memref_slice %arg6[%dma_start3A_524] : memref<24576xf32, #tpu.memory_space<vmem>> -> memref<24576xf32, #tpu.memory_space<vmem>>
      %dma_start3A_526 = arith.constant 73728 : i32
      %dma_start3A_527 = tpu.memref_slice %arg2[%add3A_30, %dma_start3A_526] : memref<128x107136xf32, #tpu.memory_space<hbm>> -> memref<1x24576xf32, #tpu.memory_space<hbm>>
      %dma_start3A_528 = tpu.memref_squeeze %dma_start3A_527 : memref<1x24576xf32, #tpu.memory_space<hbm>> -> memref<24576xf32, #tpu.memory_space<hbm>>
      tpu.enqueue_dma source(%dma_start3A_528 : memref<24576xf32, #tpu.memory_space<hbm>>) target(%dma_start3A_525 : memref<24576xf32, #tpu.memory_space<vmem>>) target_semaphore(%arg11 : memref<!tpu.dma_semaphore, #tpu.memory_space<semaphore_mem>>)
      %dma_start3A_529 = arith.constant 0 : i32
      %dma_start3A_530 = tpu.memref_slice %arg8[%dma_start3A_529] : memref<24576xf32, #tpu.memory_space<vmem>> -> memref<24576xf32, #tpu.memory_space<vmem>>
      %dma_start3A_531 = arith.constant 73728 : i32
      %dma_start3A_532 = tpu.memref_slice %arg3[%add3A_30, %dma_start3A_531] : memref<128x107136xf32, #tpu.memory_space<hbm>> -> memref<1x24576xf32, #tpu.memory_space<hbm>>
      %dma_start3A_533 = tpu.memref_squeeze %dma_start3A_532 : memref<1x24576xf32, #tpu.memory_space<hbm>> -> memref<24576xf32, #tpu.memory_space<hbm>>
      %dma_start3A_534 = arith.constant 0 : i32
      %dma_start3A_535 = tpu.memref_slice %arg8[%dma_start3A_534] : memref<24576xf32, #tpu.memory_space<vmem>> -> memref<24576xf32, #tpu.memory_space<vmem>>
      %dma_start3A_536 = arith.constant 73728 : i32
      %dma_start3A_537 = tpu.memref_slice %arg3[%add3A_30, %dma_start3A_536] : memref<128x107136xf32, #tpu.memory_space<hbm>> -> memref<1x24576xf32, #tpu.memory_space<hbm>>
      %dma_start3A_538 = tpu.memref_squeeze %dma_start3A_537 : memref<1x24576xf32, #tpu.memory_space<hbm>> -> memref<24576xf32, #tpu.memory_space<hbm>>
      tpu.enqueue_dma source(%dma_start3A_538 : memref<24576xf32, #tpu.memory_space<hbm>>) target(%dma_start3A_535 : memref<24576xf32, #tpu.memory_space<vmem>>) target_semaphore(%arg11 : memref<!tpu.dma_semaphore, #tpu.memory_space<semaphore_mem>>)
      %dma_wait3A_539 = arith.constant 0 : i32
      %dma_wait3A_540 = tpu.memref_slice %arg5[%dma_wait3A_539] : memref<24576xf32, #tpu.memory_space<vmem>> -> memref<24576xf32, #tpu.memory_space<vmem>>
      %dma_wait3A_541 = arith.constant 49152 : i32
      %dma_wait3A_542 = tpu.memref_slice %arg2[%add3A_30, %dma_wait3A_541] : memref<128x107136xf32, #tpu.memory_space<hbm>> -> memref<1x24576xf32, #tpu.memory_space<hbm>>
      %dma_wait3A_543 = tpu.memref_squeeze %dma_wait3A_542 : memref<1x24576xf32, #tpu.memory_space<hbm>> -> memref<24576xf32, #tpu.memory_space<hbm>>
      %dma_wait3A_544 = arith.constant 0 : i32
      %dma_wait3A_545 = tpu.memref_slice %arg5[%dma_wait3A_544] : memref<24576xf32, #tpu.memory_space<vmem>> -> memref<24576xf32, #tpu.memory_space<vmem>>
      %dma_wait3A_546 = arith.constant 49152 : i32
      %dma_wait3A_547 = tpu.memref_slice %arg2[%add3A_30, %dma_wait3A_546] : memref<128x107136xf32, #tpu.memory_space<hbm>> -> memref<1x24576xf32, #tpu.memory_space<hbm>>
      %dma_wait3A_548 = tpu.memref_squeeze %dma_wait3A_547 : memref<1x24576xf32, #tpu.memory_space<hbm>> -> memref<24576xf32, #tpu.memory_space<hbm>>
      tpu.wait_dma2 semaphore(%arg10 : memref<!tpu.dma_semaphore, #tpu.memory_space<semaphore_mem>>) src(%dma_wait3A_548 : memref<24576xf32, #tpu.memory_space<hbm>>) dst(%dma_wait3A_545 : memref<24576xf32, #tpu.memory_space<vmem>>)
      %dma_wait3A_549 = arith.constant 0 : i32
      %dma_wait3A_550 = tpu.memref_slice %arg7[%dma_wait3A_549] : memref<24576xf32, #tpu.memory_space<vmem>> -> memref<24576xf32, #tpu.memory_space<vmem>>
      %dma_wait3A_551 = arith.constant 49152 : i32
      %dma_wait3A_552 = tpu.memref_slice %arg3[%add3A_30, %dma_wait3A_551] : memref<128x107136xf32, #tpu.memory_space<hbm>> -> memref<1x24576xf32, #tpu.memory_space<hbm>>
      %dma_wait3A_553 = tpu.memref_squeeze %dma_wait3A_552 : memref<1x24576xf32, #tpu.memory_space<hbm>> -> memref<24576xf32, #tpu.memory_space<hbm>>
      %dma_wait3A_554 = arith.constant 0 : i32
      %dma_wait3A_555 = tpu.memref_slice %arg7[%dma_wait3A_554] : memref<24576xf32, #tpu.memory_space<vmem>> -> memref<24576xf32, #tpu.memory_space<vmem>>
      %dma_wait3A_556 = arith.constant 49152 : i32
      %dma_wait3A_557 = tpu.memref_slice %arg3[%add3A_30, %dma_wait3A_556] : memref<128x107136xf32, #tpu.memory_space<hbm>> -> memref<1x24576xf32, #tpu.memory_space<hbm>>
      %dma_wait3A_558 = tpu.memref_squeeze %dma_wait3A_557 : memref<1x24576xf32, #tpu.memory_space<hbm>> -> memref<24576xf32, #tpu.memory_space<hbm>>
      tpu.wait_dma2 semaphore(%arg10 : memref<!tpu.dma_semaphore, #tpu.memory_space<semaphore_mem>>) src(%dma_wait3A_558 : memref<24576xf32, #tpu.memory_space<hbm>>) dst(%dma_wait3A_555 : memref<24576xf32, #tpu.memory_space<vmem>>)
      %broadcast_in_dim3A_559 = arith.constant 0.000000e+00 : f32
      %broadcast_in_dim3A_560 = vector.broadcast %broadcast_in_dim3A_559 : f32 to vector<16xf32>
      %broadcast_in_dim3A_561 = arith.constant 0.000000e+00 : f32
      %broadcast_in_dim3A_562 = vector.broadcast %broadcast_in_dim3A_561 : f32 to vector<16xf32>
      %scan3A_563 = arith.constant 0 : i32
      %scan3A_564 = arith.constant 192 : i32
      %scan3A_565 = arith.addi %scan3A_563, %scan3A_564 : i32
      %scan3A_566 = arith.constant 1 : i32
      %scan3A_567:2 = scf.for %scan3A_655 = %scan3A_563 to %scan3A_565 step %scan3A_566 iter_args(%scan3A_656 = %broadcast_in_dim3A_560, %scan3A_657 = %broadcast_in_dim3A_562) -> (vector<16xf32>, vector<16xf32>)  : i32 {
        %mul3A_658 = arith.constant 128 : i32
        %mul3A_659 = arith.muli %scan3A_655, %mul3A_658 : i32
        %add3A_660 = arith.constant 0 : i32
        %add3A_661 = arith.addi %add3A_660, %mul3A_659 : i32
        %add3A_662 = arith.constant 0 : i32
        %add3A_663 = arith.addi %add3A_661, %add3A_662 : i32
        %get3A_664 = arith.index_cast %add3A_663 : i32 to index
        %get3A_665 = tpu.vector_load %arg5[%get3A_664] {strides = array<i32>} : memref<24576xf32, #tpu.memory_space<vmem>>, vector<16xf32>,
        %get3A_666 = vector.shape_cast %get3A_665 : vector<16xf32> to vector<16xf32>
        %get3A_667 = arith.index_cast %add3A_663 : i32 to index
        %get3A_668 = tpu.vector_load %arg7[%get3A_667] {strides = array<i32>} : memref<24576xf32, #tpu.memory_space<vmem>>, vector<16xf32>,
        %get3A_669 = vector.shape_cast %get3A_668 : vector<16xf32> to vector<16xf32>
        %sub3A_670 = arith.subf %get3A_666, %get3A_669 : vector<16xf32>
        %abs3A_671 = math.absf %sub3A_670 : vector<16xf32>
        %add3A_672 = arith.addf %scan3A_656, %abs3A_671 : vector<16xf32>
        %add3A_673 = arith.constant 16 : i32
        %add3A_674 = arith.addi %add3A_661, %add3A_673 : i32
        %get3A_675 = arith.index_cast %add3A_674 : i32 to index
        %get3A_676 = tpu.vector_load %arg5[%get3A_675] {strides = array<i32>} : memref<24576xf32, #tpu.memory_space<vmem>>, vector<16xf32>,
        %get3A_677 = vector.shape_cast %get3A_676 : vector<16xf32> to vector<16xf32>
        %get3A_678 = arith.index_cast %add3A_674 : i32 to index
        %get3A_679 = tpu.vector_load %arg7[%get3A_678] {strides = array<i32>} : memref<24576xf32, #tpu.memory_space<vmem>>, vector<16xf32>,
        %get3A_680 = vector.shape_cast %get3A_679 : vector<16xf32> to vector<16xf32>
        %sub3A_681 = arith.subf %get3A_677, %get3A_680 : vector<16xf32>
        %abs3A_682 = math.absf %sub3A_681 : vector<16xf32>
        %add3A_683 = arith.addf %scan3A_657, %abs3A_682 : vector<16xf32>
        %add3A_684 = arith.constant 32 : i32
        %add3A_685 = arith.addi %add3A_661, %add3A_684 : i32
        %get3A_686 = arith.index_cast %add3A_685 : i32 to index
        %get3A_687 = tpu.vector_load %arg5[%get3A_686] {strides = array<i32>} : memref<24576xf32, #tpu.memory_space<vmem>>, vector<16xf32>,
        %get3A_688 = vector.shape_cast %get3A_687 : vector<16xf32> to vector<16xf32>
        %get3A_689 = arith.index_cast %add3A_685 : i32 to index
        %get3A_690 = tpu.vector_load %arg7[%get3A_689] {strides = array<i32>} : memref<24576xf32, #tpu.memory_space<vmem>>, vector<16xf32>,
        %get3A_691 = vector.shape_cast %get3A_690 : vector<16xf32> to vector<16xf32>
        %sub3A_692 = arith.subf %get3A_688, %get3A_691 : vector<16xf32>
        %abs3A_693 = math.absf %sub3A_692 : vector<16xf32>
        %add3A_694 = arith.addf %add3A_672, %abs3A_693 : vector<16xf32>
        %add3A_695 = arith.constant 48 : i32
        %add3A_696 = arith.addi %add3A_661, %add3A_695 : i32
        %get3A_697 = arith.index_cast %add3A_696 : i32 to index
        %get3A_698 = tpu.vector_load %arg5[%get3A_697] {strides = array<i32>} : memref<24576xf32, #tpu.memory_space<vmem>>, vector<16xf32>,
        %get3A_699 = vector.shape_cast %get3A_698 : vector<16xf32> to vector<16xf32>
        %get3A_700 = arith.index_cast %add3A_696 : i32 to index
        %get3A_701 = tpu.vector_load %arg7[%get3A_700] {strides = array<i32>} : memref<24576xf32, #tpu.memory_space<vmem>>, vector<16xf32>,
        %get3A_702 = vector.shape_cast %get3A_701 : vector<16xf32> to vector<16xf32>
        %sub3A_703 = arith.subf %get3A_699, %get3A_702 : vector<16xf32>
        %abs3A_704 = math.absf %sub3A_703 : vector<16xf32>
        %add3A_705 = arith.addf %add3A_683, %abs3A_704 : vector<16xf32>
        %add3A_706 = arith.constant 64 : i32
        %add3A_707 = arith.addi %add3A_661, %add3A_706 : i32
        %get3A_708 = arith.index_cast %add3A_707 : i32 to index
        %get3A_709 = tpu.vector_load %arg5[%get3A_708] {strides = array<i32>} : memref<24576xf32, #tpu.memory_space<vmem>>, vector<16xf32>,
        %get3A_710 = vector.shape_cast %get3A_709 : vector<16xf32> to vector<16xf32>
        %get3A_711 = arith.index_cast %add3A_707 : i32 to index
        %get3A_712 = tpu.vector_load %arg7[%get3A_711] {strides = array<i32>} : memref<24576xf32, #tpu.memory_space<vmem>>, vector<16xf32>,
        %get3A_713 = vector.shape_cast %get3A_712 : vector<16xf32> to vector<16xf32>
        %sub3A_714 = arith.subf %get3A_710, %get3A_713 : vector<16xf32>
        %abs3A_715 = math.absf %sub3A_714 : vector<16xf32>
        %add3A_716 = arith.addf %add3A_694, %abs3A_715 : vector<16xf32>
        %add3A_717 = arith.constant 80 : i32
        %add3A_718 = arith.addi %add3A_661, %add3A_717 : i32
        %get3A_719 = arith.index_cast %add3A_718 : i32 to index
        %get3A_720 = tpu.vector_load %arg5[%get3A_719] {strides = array<i32>} : memref<24576xf32, #tpu.memory_space<vmem>>, vector<16xf32>,
        %get3A_721 = vector.shape_cast %get3A_720 : vector<16xf32> to vector<16xf32>
        %get3A_722 = arith.index_cast %add3A_718 : i32 to index
        %get3A_723 = tpu.vector_load %arg7[%get3A_722] {strides = array<i32>} : memref<24576xf32, #tpu.memory_space<vmem>>, vector<16xf32>,
        %get3A_724 = vector.shape_cast %get3A_723 : vector<16xf32> to vector<16xf32>
        %sub3A_725 = arith.subf %get3A_721, %get3A_724 : vector<16xf32>
        %abs3A_726 = math.absf %sub3A_725 : vector<16xf32>
        %add3A_727 = arith.addf %add3A_705, %abs3A_726 : vector<16xf32>
        %add3A_728 = arith.constant 96 : i32
        %add3A_729 = arith.addi %add3A_661, %add3A_728 : i32
        %get3A_730 = arith.index_cast %add3A_729 : i32 to index
        %get3A_731 = tpu.vector_load %arg5[%get3A_730] {strides = array<i32>} : memref<24576xf32, #tpu.memory_space<vmem>>, vector<16xf32>,
        %get3A_732 = vector.shape_cast %get3A_731 : vector<16xf32> to vector<16xf32>
        %get3A_733 = arith.index_cast %add3A_729 : i32 to index
        %get3A_734 = tpu.vector_load %arg7[%get3A_733] {strides = array<i32>} : memref<24576xf32, #tpu.memory_space<vmem>>, vector<16xf32>,
        %get3A_735 = vector.shape_cast %get3A_734 : vector<16xf32> to vector<16xf32>
        %sub3A_736 = arith.subf %get3A_732, %get3A_735 : vector<16xf32>
        %abs3A_737 = math.absf %sub3A_736 : vector<16xf32>
        %add3A_738 = arith.addf %add3A_716, %abs3A_737 : vector<16xf32>
        %add3A_739 = arith.constant 112 : i32
        %add3A_740 = arith.addi %add3A_661, %add3A_739 : i32
        %get3A_741 = arith.index_cast %add3A_740 : i32 to index
        %get3A_742 = tpu.vector_load %arg5[%get3A_741] {strides = array<i32>} : memref<24576xf32, #tpu.memory_space<vmem>>, vector<16xf32>,
        %get3A_743 = vector.shape_cast %get3A_742 : vector<16xf32> to vector<16xf32>
        %get3A_744 = arith.index_cast %add3A_740 : i32 to index
        %get3A_745 = tpu.vector_load %arg7[%get3A_744] {strides = array<i32>} : memref<24576xf32, #tpu.memory_space<vmem>>, vector<16xf32>,
        %get3A_746 = vector.shape_cast %get3A_745 : vector<16xf32> to vector<16xf32>
        %sub3A_747 = arith.subf %get3A_743, %get3A_746 : vector<16xf32>
        %abs3A_748 = math.absf %sub3A_747 : vector<16xf32>
        %add3A_749 = arith.addf %add3A_727, %abs3A_748 : vector<16xf32>
        scf.yield %add3A_738, %add3A_749 : vector<16xf32>, vector<16xf32>
      }
      %scan3A_568 = arith.constant 192 : i32
      %add3A_569 = arith.addf %scan3A_567#0, %scan3A_567#1 : vector<16xf32>
      %add3A_570 = arith.addf %add3A_518, %add3A_569 : vector<16xf32>
      %dma_start3A_571 = arith.constant 0 : i32
      %dma_start3A_572 = tpu.memref_slice %arg5[%dma_start3A_571] : memref<24576xf32, #tpu.memory_space<vmem>> -> memref<8832xf32, #tpu.memory_space<vmem>>
      %dma_start3A_573 = arith.constant 98304 : i32
      %dma_start3A_574 = tpu.memref_slice %arg2[%add3A_30, %dma_start3A_573] : memref<128x107136xf32, #tpu.memory_space<hbm>> -> memref<1x8832xf32, #tpu.memory_space<hbm>>
      %dma_start3A_575 = tpu.memref_squeeze %dma_start3A_574 : memref<1x8832xf32, #tpu.memory_space<hbm>> -> memref<8832xf32, #tpu.memory_space<hbm>>
      %dma_start3A_576 = arith.constant 0 : i32
      %dma_start3A_577 = tpu.memref_slice %arg5[%dma_start3A_576] : memref<24576xf32, #tpu.memory_space<vmem>> -> memref<8832xf32, #tpu.memory_space<vmem>>
      %dma_start3A_578 = arith.constant 98304 : i32
      %dma_start3A_579 = tpu.memref_slice %arg2[%add3A_30, %dma_start3A_578] : memref<128x107136xf32, #tpu.memory_space<hbm>> -> memref<1x8832xf32, #tpu.memory_space<hbm>>
      %dma_start3A_580 = tpu.memref_squeeze %dma_start3A_579 : memref<1x8832xf32, #tpu.memory_space<hbm>> -> memref<8832xf32, #tpu.memory_space<hbm>>
      tpu.enqueue_dma source(%dma_start3A_580 : memref<8832xf32, #tpu.memory_space<hbm>>) target(%dma_start3A_577 : memref<8832xf32, #tpu.memory_space<vmem>>) target_semaphore(%arg10 : memref<!tpu.dma_semaphore, #tpu.memory_space<semaphore_mem>>)
      %dma_start3A_581 = arith.constant 0 : i32
      %dma_start3A_582 = tpu.memref_slice %arg7[%dma_start3A_581] : memref<24576xf32, #tpu.memory_space<vmem>> -> memref<8832xf32, #tpu.memory_space<vmem>>
      %dma_start3A_583 = arith.constant 98304 : i32
      %dma_start3A_584 = tpu.memref_slice %arg3[%add3A_30, %dma_start3A_583] : memref<128x107136xf32, #tpu.memory_space<hbm>> -> memref<1x8832xf32, #tpu.memory_space<hbm>>
      %dma_start3A_585 = tpu.memref_squeeze %dma_start3A_584 : memref<1x8832xf32, #tpu.memory_space<hbm>> -> memref<8832xf32, #tpu.memory_space<hbm>>
      %dma_start3A_586 = arith.constant 0 : i32
      %dma_start3A_587 = tpu.memref_slice %arg7[%dma_start3A_586] : memref<24576xf32, #tpu.memory_space<vmem>> -> memref<8832xf32, #tpu.memory_space<vmem>>
      %dma_start3A_588 = arith.constant 98304 : i32
      %dma_start3A_589 = tpu.memref_slice %arg3[%add3A_30, %dma_start3A_588] : memref<128x107136xf32, #tpu.memory_space<hbm>> -> memref<1x8832xf32, #tpu.memory_space<hbm>>
      %dma_start3A_590 = tpu.memref_squeeze %dma_start3A_589 : memref<1x8832xf32, #tpu.memory_space<hbm>> -> memref<8832xf32, #tpu.memory_space<hbm>>
      tpu.enqueue_dma source(%dma_start3A_590 : memref<8832xf32, #tpu.memory_space<hbm>>) target(%dma_start3A_587 : memref<8832xf32, #tpu.memory_space<vmem>>) target_semaphore(%arg10 : memref<!tpu.dma_semaphore, #tpu.memory_space<semaphore_mem>>)
      %dma_wait3A_591 = arith.constant 0 : i32
      %dma_wait3A_592 = tpu.memref_slice %arg6[%dma_wait3A_591] : memref<24576xf32, #tpu.memory_space<vmem>> -> memref<24576xf32, #tpu.memory_space<vmem>>
      %dma_wait3A_593 = arith.constant 73728 : i32
      %dma_wait3A_594 = tpu.memref_slice %arg2[%add3A_30, %dma_wait3A_593] : memref<128x107136xf32, #tpu.memory_space<hbm>> -> memref<1x24576xf32, #tpu.memory_space<hbm>>
      %dma_wait3A_595 = tpu.memref_squeeze %dma_wait3A_594 : memref<1x24576xf32, #tpu.memory_space<hbm>> -> memref<24576xf32, #tpu.memory_space<hbm>>
      %dma_wait3A_596 = arith.constant 0 : i32
      %dma_wait3A_597 = tpu.memref_slice %arg6[%dma_wait3A_596] : memref<24576xf32, #tpu.memory_space<vmem>> -> memref<24576xf32, #tpu.memory_space<vmem>>
      %dma_wait3A_598 = arith.constant 73728 : i32
      %dma_wait3A_599 = tpu.memref_slice %arg2[%add3A_30, %dma_wait3A_598] : memref<128x107136xf32, #tpu.memory_space<hbm>> -> memref<1x24576xf32, #tpu.memory_space<hbm>>
      %dma_wait3A_600 = tpu.memref_squeeze %dma_wait3A_599 : memref<1x24576xf32, #tpu.memory_space<hbm>> -> memref<24576xf32, #tpu.memory_space<hbm>>
      tpu.wait_dma2 semaphore(%arg11 : memref<!tpu.dma_semaphore, #tpu.memory_space<semaphore_mem>>) src(%dma_wait3A_600 : memref<24576xf32, #tpu.memory_space<hbm>>) dst(%dma_wait3A_597 : memref<24576xf32, #tpu.memory_space<vmem>>)
      %dma_wait3A_601 = arith.constant 0 : i32
      %dma_wait3A_602 = tpu.memref_slice %arg8[%dma_wait3A_601] : memref<24576xf32, #tpu.memory_space<vmem>> -> memref<24576xf32, #tpu.memory_space<vmem>>
      %dma_wait3A_603 = arith.constant 73728 : i32
      %dma_wait3A_604 = tpu.memref_slice %arg3[%add3A_30, %dma_wait3A_603] : memref<128x107136xf32, #tpu.memory_space<hbm>> -> memref<1x24576xf32, #tpu.memory_space<hbm>>
      %dma_wait3A_605 = tpu.memref_squeeze %dma_wait3A_604 : memref<1x24576xf32, #tpu.memory_space<hbm>> -> memref<24576xf32, #tpu.memory_space<hbm>>
      %dma_wait3A_606 = arith.constant 0 : i32
      %dma_wait3A_607 = tpu.memref_slice %arg8[%dma_wait3A_606] : memref<24576xf32, #tpu.memory_space<vmem>> -> memref<24576xf32, #tpu.memory_space<vmem>>
      %dma_wait3A_608 = arith.constant 73728 : i32
      %dma_wait3A_609 = tpu.memref_slice %arg3[%add3A_30, %dma_wait3A_608] : memref<128x107136xf32, #tpu.memory_space<hbm>> -> memref<1x24576xf32, #tpu.memory_space<hbm>>
      %dma_wait3A_610 = tpu.memref_squeeze %dma_wait3A_609 : memref<1x24576xf32, #tpu.memory_space<hbm>> -> memref<24576xf32, #tpu.memory_space<hbm>>
      tpu.wait_dma2 semaphore(%arg11 : memref<!tpu.dma_semaphore, #tpu.memory_space<semaphore_mem>>) src(%dma_wait3A_610 : memref<24576xf32, #tpu.memory_space<hbm>>) dst(%dma_wait3A_607 : memref<24576xf32, #tpu.memory_space<vmem>>)
      %broadcast_in_dim3A_611 = arith.constant 0.000000e+00 : f32
      %broadcast_in_dim3A_612 = vector.broadcast %broadcast_in_dim3A_611 : f32 to vector<16xf32>
      %broadcast_in_dim3A_613 = arith.constant 0.000000e+00 : f32
      %broadcast_in_dim3A_614 = vector.broadcast %broadcast_in_dim3A_613 : f32 to vector<16xf32>
      %scan3A_615 = arith.constant 0 : i32
      %scan3A_616 = arith.constant 192 : i32
      %scan3A_617 = arith.addi %scan3A_615, %scan3A_616 : i32
      %scan3A_618 = arith.constant 1 : i32
      %scan3A_619:2 = scf.for %scan3A_655 = %scan3A_615 to %scan3A_617 step %scan3A_618 iter_args(%scan3A_656 = %broadcast_in_dim3A_612, %scan3A_657 = %broadcast_in_dim3A_614) -> (vector<16xf32>, vector<16xf32>)  : i32 {
        %mul3A_658 = arith.constant 128 : i32
        %mul3A_659 = arith.muli %scan3A_655, %mul3A_658 : i32
        %add3A_660 = arith.constant 0 : i32
        %add3A_661 = arith.addi %add3A_660, %mul3A_659 : i32
        %add3A_662 = arith.constant 0 : i32
        %add3A_663 = arith.addi %add3A_661, %add3A_662 : i32
        %get3A_664 = arith.index_cast %add3A_663 : i32 to index
        %get3A_665 = tpu.vector_load %arg6[%get3A_664] {strides = array<i32>} : memref<24576xf32, #tpu.memory_space<vmem>>, vector<16xf32>,
        %get3A_666 = vector.shape_cast %get3A_665 : vector<16xf32> to vector<16xf32>
        %get3A_667 = arith.index_cast %add3A_663 : i32 to index
        %get3A_668 = tpu.vector_load %arg8[%get3A_667] {strides = array<i32>} : memref<24576xf32, #tpu.memory_space<vmem>>, vector<16xf32>,
        %get3A_669 = vector.shape_cast %get3A_668 : vector<16xf32> to vector<16xf32>
        %sub3A_670 = arith.subf %get3A_666, %get3A_669 : vector<16xf32>
        %abs3A_671 = math.absf %sub3A_670 : vector<16xf32>
        %add3A_672 = arith.addf %scan3A_656, %abs3A_671 : vector<16xf32>
        %add3A_673 = arith.constant 16 : i32
        %add3A_674 = arith.addi %add3A_661, %add3A_673 : i32
        %get3A_675 = arith.index_cast %add3A_674 : i32 to index
        %get3A_676 = tpu.vector_load %arg6[%get3A_675] {strides = array<i32>} : memref<24576xf32, #tpu.memory_space<vmem>>, vector<16xf32>,
        %get3A_677 = vector.shape_cast %get3A_676 : vector<16xf32> to vector<16xf32>
        %get3A_678 = arith.index_cast %add3A_674 : i32 to index
        %get3A_679 = tpu.vector_load %arg8[%get3A_678] {strides = array<i32>} : memref<24576xf32, #tpu.memory_space<vmem>>, vector<16xf32>,
        %get3A_680 = vector.shape_cast %get3A_679 : vector<16xf32> to vector<16xf32>
        %sub3A_681 = arith.subf %get3A_677, %get3A_680 : vector<16xf32>
        %abs3A_682 = math.absf %sub3A_681 : vector<16xf32>
        %add3A_683 = arith.addf %scan3A_657, %abs3A_682 : vector<16xf32>
        %add3A_684 = arith.constant 32 : i32
        %add3A_685 = arith.addi %add3A_661, %add3A_684 : i32
        %get3A_686 = arith.index_cast %add3A_685 : i32 to index
        %get3A_687 = tpu.vector_load %arg6[%get3A_686] {strides = array<i32>} : memref<24576xf32, #tpu.memory_space<vmem>>, vector<16xf32>,
        %get3A_688 = vector.shape_cast %get3A_687 : vector<16xf32> to vector<16xf32>
        %get3A_689 = arith.index_cast %add3A_685 : i32 to index
        %get3A_690 = tpu.vector_load %arg8[%get3A_689] {strides = array<i32>} : memref<24576xf32, #tpu.memory_space<vmem>>, vector<16xf32>,
        %get3A_691 = vector.shape_cast %get3A_690 : vector<16xf32> to vector<16xf32>
        %sub3A_692 = arith.subf %get3A_688, %get3A_691 : vector<16xf32>
        %abs3A_693 = math.absf %sub3A_692 : vector<16xf32>
        %add3A_694 = arith.addf %add3A_672, %abs3A_693 : vector<16xf32>
        %add3A_695 = arith.constant 48 : i32
        %add3A_696 = arith.addi %add3A_661, %add3A_695 : i32
        %get3A_697 = arith.index_cast %add3A_696 : i32 to index
        %get3A_698 = tpu.vector_load %arg6[%get3A_697] {strides = array<i32>} : memref<24576xf32, #tpu.memory_space<vmem>>, vector<16xf32>,
        %get3A_699 = vector.shape_cast %get3A_698 : vector<16xf32> to vector<16xf32>
        %get3A_700 = arith.index_cast %add3A_696 : i32 to index
        %get3A_701 = tpu.vector_load %arg8[%get3A_700] {strides = array<i32>} : memref<24576xf32, #tpu.memory_space<vmem>>, vector<16xf32>,
        %get3A_702 = vector.shape_cast %get3A_701 : vector<16xf32> to vector<16xf32>
        %sub3A_703 = arith.subf %get3A_699, %get3A_702 : vector<16xf32>
        %abs3A_704 = math.absf %sub3A_703 : vector<16xf32>
        %add3A_705 = arith.addf %add3A_683, %abs3A_704 : vector<16xf32>
        %add3A_706 = arith.constant 64 : i32
        %add3A_707 = arith.addi %add3A_661, %add3A_706 : i32
        %get3A_708 = arith.index_cast %add3A_707 : i32 to index
        %get3A_709 = tpu.vector_load %arg6[%get3A_708] {strides = array<i32>} : memref<24576xf32, #tpu.memory_space<vmem>>, vector<16xf32>,
        %get3A_710 = vector.shape_cast %get3A_709 : vector<16xf32> to vector<16xf32>
        %get3A_711 = arith.index_cast %add3A_707 : i32 to index
        %get3A_712 = tpu.vector_load %arg8[%get3A_711] {strides = array<i32>} : memref<24576xf32, #tpu.memory_space<vmem>>, vector<16xf32>,
        %get3A_713 = vector.shape_cast %get3A_712 : vector<16xf32> to vector<16xf32>
        %sub3A_714 = arith.subf %get3A_710, %get3A_713 : vector<16xf32>
        %abs3A_715 = math.absf %sub3A_714 : vector<16xf32>
        %add3A_716 = arith.addf %add3A_694, %abs3A_715 : vector<16xf32>
        %add3A_717 = arith.constant 80 : i32
        %add3A_718 = arith.addi %add3A_661, %add3A_717 : i32
        %get3A_719 = arith.index_cast %add3A_718 : i32 to index
        %get3A_720 = tpu.vector_load %arg6[%get3A_719] {strides = array<i32>} : memref<24576xf32, #tpu.memory_space<vmem>>, vector<16xf32>,
        %get3A_721 = vector.shape_cast %get3A_720 : vector<16xf32> to vector<16xf32>
        %get3A_722 = arith.index_cast %add3A_718 : i32 to index
        %get3A_723 = tpu.vector_load %arg8[%get3A_722] {strides = array<i32>} : memref<24576xf32, #tpu.memory_space<vmem>>, vector<16xf32>,
        %get3A_724 = vector.shape_cast %get3A_723 : vector<16xf32> to vector<16xf32>
        %sub3A_725 = arith.subf %get3A_721, %get3A_724 : vector<16xf32>
        %abs3A_726 = math.absf %sub3A_725 : vector<16xf32>
        %add3A_727 = arith.addf %add3A_705, %abs3A_726 : vector<16xf32>
        %add3A_728 = arith.constant 96 : i32
        %add3A_729 = arith.addi %add3A_661, %add3A_728 : i32
        %get3A_730 = arith.index_cast %add3A_729 : i32 to index
        %get3A_731 = tpu.vector_load %arg6[%get3A_730] {strides = array<i32>} : memref<24576xf32, #tpu.memory_space<vmem>>, vector<16xf32>,
        %get3A_732 = vector.shape_cast %get3A_731 : vector<16xf32> to vector<16xf32>
        %get3A_733 = arith.index_cast %add3A_729 : i32 to index
        %get3A_734 = tpu.vector_load %arg8[%get3A_733] {strides = array<i32>} : memref<24576xf32, #tpu.memory_space<vmem>>, vector<16xf32>,
        %get3A_735 = vector.shape_cast %get3A_734 : vector<16xf32> to vector<16xf32>
        %sub3A_736 = arith.subf %get3A_732, %get3A_735 : vector<16xf32>
        %abs3A_737 = math.absf %sub3A_736 : vector<16xf32>
        %add3A_738 = arith.addf %add3A_716, %abs3A_737 : vector<16xf32>
        %add3A_739 = arith.constant 112 : i32
        %add3A_740 = arith.addi %add3A_661, %add3A_739 : i32
        %get3A_741 = arith.index_cast %add3A_740 : i32 to index
        %get3A_742 = tpu.vector_load %arg6[%get3A_741] {strides = array<i32>} : memref<24576xf32, #tpu.memory_space<vmem>>, vector<16xf32>,
        %get3A_743 = vector.shape_cast %get3A_742 : vector<16xf32> to vector<16xf32>
        %get3A_744 = arith.index_cast %add3A_740 : i32 to index
        %get3A_745 = tpu.vector_load %arg8[%get3A_744] {strides = array<i32>} : memref<24576xf32, #tpu.memory_space<vmem>>, vector<16xf32>,
        %get3A_746 = vector.shape_cast %get3A_745 : vector<16xf32> to vector<16xf32>
        %sub3A_747 = arith.subf %get3A_743, %get3A_746 : vector<16xf32>
        %abs3A_748 = math.absf %sub3A_747 : vector<16xf32>
        %add3A_749 = arith.addf %add3A_727, %abs3A_748 : vector<16xf32>
        scf.yield %add3A_738, %add3A_749 : vector<16xf32>, vector<16xf32>
      }
      %scan3A_620 = arith.constant 192 : i32
      %add3A_621 = arith.addf %scan3A_619#0, %scan3A_619#1 : vector<16xf32>
      %add3A_622 = arith.addf %add3A_570, %add3A_621 : vector<16xf32>
      %dma_wait3A_623 = arith.constant 0 : i32
      %dma_wait3A_624 = tpu.memref_slice %arg5[%dma_wait3A_623] : memref<24576xf32, #tpu.memory_space<vmem>> -> memref<8832xf32, #tpu.memory_space<vmem>>
      %dma_wait3A_625 = arith.constant 98304 : i32
      %dma_wait3A_626 = tpu.memref_slice %arg2[%add3A_30, %dma_wait3A_625] : memref<128x107136xf32, #tpu.memory_space<hbm>> -> memref<1x8832xf32, #tpu.memory_space<hbm>>
      %dma_wait3A_627 = tpu.memref_squeeze %dma_wait3A_626 : memref<1x8832xf32, #tpu.memory_space<hbm>> -> memref<8832xf32, #tpu.memory_space<hbm>>
      %dma_wait3A_628 = arith.constant 0 : i32
      %dma_wait3A_629 = tpu.memref_slice %arg5[%dma_wait3A_628] : memref<24576xf32, #tpu.memory_space<vmem>> -> memref<8832xf32, #tpu.memory_space<vmem>>
      %dma_wait3A_630 = arith.constant 98304 : i32
      %dma_wait3A_631 = tpu.memref_slice %arg2[%add3A_30, %dma_wait3A_630] : memref<128x107136xf32, #tpu.memory_space<hbm>> -> memref<1x8832xf32, #tpu.memory_space<hbm>>
      %dma_wait3A_632 = tpu.memref_squeeze %dma_wait3A_631 : memref<1x8832xf32, #tpu.memory_space<hbm>> -> memref<8832xf32, #tpu.memory_space<hbm>>
      tpu.wait_dma2 semaphore(%arg10 : memref<!tpu.dma_semaphore, #tpu.memory_space<semaphore_mem>>) src(%dma_wait3A_632 : memref<8832xf32, #tpu.memory_space<hbm>>) dst(%dma_wait3A_629 : memref<8832xf32, #tpu.memory_space<vmem>>)
      %dma_wait3A_633 = arith.constant 0 : i32
      %dma_wait3A_634 = tpu.memref_slice %arg7[%dma_wait3A_633] : memref<24576xf32, #tpu.memory_space<vmem>> -> memref<8832xf32, #tpu.memory_space<vmem>>
      %dma_wait3A_635 = arith.constant 98304 : i32
      %dma_wait3A_636 = tpu.memref_slice %arg3[%add3A_30, %dma_wait3A_635] : memref<128x107136xf32, #tpu.memory_space<hbm>> -> memref<1x8832xf32, #tpu.memory_space<hbm>>
      %dma_wait3A_637 = tpu.memref_squeeze %dma_wait3A_636 : memref<1x8832xf32, #tpu.memory_space<hbm>> -> memref<8832xf32, #tpu.memory_space<hbm>>
      %dma_wait3A_638 = arith.constant 0 : i32
      %dma_wait3A_639 = tpu.memref_slice %arg7[%dma_wait3A_638] : memref<24576xf32, #tpu.memory_space<vmem>> -> memref<8832xf32, #tpu.memory_space<vmem>>
      %dma_wait3A_640 = arith.constant 98304 : i32
      %dma_wait3A_641 = tpu.memref_slice %arg3[%add3A_30, %dma_wait3A_640] : memref<128x107136xf32, #tpu.memory_space<hbm>> -> memref<1x8832xf32, #tpu.memory_space<hbm>>
      %dma_wait3A_642 = tpu.memref_squeeze %dma_wait3A_641 : memref<1x8832xf32, #tpu.memory_space<hbm>> -> memref<8832xf32, #tpu.memory_space<hbm>>
      tpu.wait_dma2 semaphore(%arg10 : memref<!tpu.dma_semaphore, #tpu.memory_space<semaphore_mem>>) src(%dma_wait3A_642 : memref<8832xf32, #tpu.memory_space<hbm>>) dst(%dma_wait3A_639 : memref<8832xf32, #tpu.memory_space<vmem>>)
      %broadcast_in_dim3A_643 = arith.constant 0.000000e+00 : f32
      %broadcast_in_dim3A_644 = vector.broadcast %broadcast_in_dim3A_643 : f32 to vector<16xf32>
      %broadcast_in_dim3A_645 = arith.constant 0.000000e+00 : f32
      %broadcast_in_dim3A_646 = vector.broadcast %broadcast_in_dim3A_645 : f32 to vector<16xf32>
      %scan3A_647 = arith.constant 0 : i32
      %scan3A_648 = arith.constant 69 : i32
      %scan3A_649 = arith.addi %scan3A_647, %scan3A_648 : i32
      %scan3A_650 = arith.constant 1 : i32
      %scan3A_651:2 = scf.for %scan3A_655 = %scan3A_647 to %scan3A_649 step %scan3A_650 iter_args(%scan3A_656 = %broadcast_in_dim3A_644, %scan3A_657 = %broadcast_in_dim3A_646) -> (vector<16xf32>, vector<16xf32>)  : i32 {
        %mul3A_658 = arith.constant 128 : i32
        %mul3A_659 = arith.muli %scan3A_655, %mul3A_658 : i32
        %add3A_660 = arith.constant 0 : i32
        %add3A_661 = arith.addi %add3A_660, %mul3A_659 : i32
        %add3A_662 = arith.constant 0 : i32
        %add3A_663 = arith.addi %add3A_661, %add3A_662 : i32
        %get3A_664 = arith.index_cast %add3A_663 : i32 to index
        %get3A_665 = tpu.vector_load %arg5[%get3A_664] {strides = array<i32>} : memref<24576xf32, #tpu.memory_space<vmem>>, vector<16xf32>,
        %get3A_666 = vector.shape_cast %get3A_665 : vector<16xf32> to vector<16xf32>
        %get3A_667 = arith.index_cast %add3A_663 : i32 to index
        %get3A_668 = tpu.vector_load %arg7[%get3A_667] {strides = array<i32>} : memref<24576xf32, #tpu.memory_space<vmem>>, vector<16xf32>,
        %get3A_669 = vector.shape_cast %get3A_668 : vector<16xf32> to vector<16xf32>
        %sub3A_670 = arith.subf %get3A_666, %get3A_669 : vector<16xf32>
        %abs3A_671 = math.absf %sub3A_670 : vector<16xf32>
        %add3A_672 = arith.addf %scan3A_656, %abs3A_671 : vector<16xf32>
        %add3A_673 = arith.constant 16 : i32
        %add3A_674 = arith.addi %add3A_661, %add3A_673 : i32
        %get3A_675 = arith.index_cast %add3A_674 : i32 to index
        %get3A_676 = tpu.vector_load %arg5[%get3A_675] {strides = array<i32>} : memref<24576xf32, #tpu.memory_space<vmem>>, vector<16xf32>,
        %get3A_677 = vector.shape_cast %get3A_676 : vector<16xf32> to vector<16xf32>
        %get3A_678 = arith.index_cast %add3A_674 : i32 to index
        %get3A_679 = tpu.vector_load %arg7[%get3A_678] {strides = array<i32>} : memref<24576xf32, #tpu.memory_space<vmem>>, vector<16xf32>,
        %get3A_680 = vector.shape_cast %get3A_679 : vector<16xf32> to vector<16xf32>
        %sub3A_681 = arith.subf %get3A_677, %get3A_680 : vector<16xf32>
        %abs3A_682 = math.absf %sub3A_681 : vector<16xf32>
        %add3A_683 = arith.addf %scan3A_657, %abs3A_682 : vector<16xf32>
        %add3A_684 = arith.constant 32 : i32
        %add3A_685 = arith.addi %add3A_661, %add3A_684 : i32
        %get3A_686 = arith.index_cast %add3A_685 : i32 to index
        %get3A_687 = tpu.vector_load %arg5[%get3A_686] {strides = array<i32>} : memref<24576xf32, #tpu.memory_space<vmem>>, vector<16xf32>,
        %get3A_688 = vector.shape_cast %get3A_687 : vector<16xf32> to vector<16xf32>
        %get3A_689 = arith.index_cast %add3A_685 : i32 to index
        %get3A_690 = tpu.vector_load %arg7[%get3A_689] {strides = array<i32>} : memref<24576xf32, #tpu.memory_space<vmem>>, vector<16xf32>,
        %get3A_691 = vector.shape_cast %get3A_690 : vector<16xf32> to vector<16xf32>
        %sub3A_692 = arith.subf %get3A_688, %get3A_691 : vector<16xf32>
        %abs3A_693 = math.absf %sub3A_692 : vector<16xf32>
        %add3A_694 = arith.addf %add3A_672, %abs3A_693 : vector<16xf32>
        %add3A_695 = arith.constant 48 : i32
        %add3A_696 = arith.addi %add3A_661, %add3A_695 : i32
        %get3A_697 = arith.index_cast %add3A_696 : i32 to index
        %get3A_698 = tpu.vector_load %arg5[%get3A_697] {strides = array<i32>} : memref<24576xf32, #tpu.memory_space<vmem>>, vector<16xf32>,
        %get3A_699 = vector.shape_cast %get3A_698 : vector<16xf32> to vector<16xf32>
        %get3A_700 = arith.index_cast %add3A_696 : i32 to index
        %get3A_701 = tpu.vector_load %arg7[%get3A_700] {strides = array<i32>} : memref<24576xf32, #tpu.memory_space<vmem>>, vector<16xf32>,
        %get3A_702 = vector.shape_cast %get3A_701 : vector<16xf32> to vector<16xf32>
        %sub3A_703 = arith.subf %get3A_699, %get3A_702 : vector<16xf32>
        %abs3A_704 = math.absf %sub3A_703 : vector<16xf32>
        %add3A_705 = arith.addf %add3A_683, %abs3A_704 : vector<16xf32>
        %add3A_706 = arith.constant 64 : i32
        %add3A_707 = arith.addi %add3A_661, %add3A_706 : i32
        %get3A_708 = arith.index_cast %add3A_707 : i32 to index
        %get3A_709 = tpu.vector_load %arg5[%get3A_708] {strides = array<i32>} : memref<24576xf32, #tpu.memory_space<vmem>>, vector<16xf32>,
        %get3A_710 = vector.shape_cast %get3A_709 : vector<16xf32> to vector<16xf32>
        %get3A_711 = arith.index_cast %add3A_707 : i32 to index
        %get3A_712 = tpu.vector_load %arg7[%get3A_711] {strides = array<i32>} : memref<24576xf32, #tpu.memory_space<vmem>>, vector<16xf32>,
        %get3A_713 = vector.shape_cast %get3A_712 : vector<16xf32> to vector<16xf32>
        %sub3A_714 = arith.subf %get3A_710, %get3A_713 : vector<16xf32>
        %abs3A_715 = math.absf %sub3A_714 : vector<16xf32>
        %add3A_716 = arith.addf %add3A_694, %abs3A_715 : vector<16xf32>
        %add3A_717 = arith.constant 80 : i32
        %add3A_718 = arith.addi %add3A_661, %add3A_717 : i32
        %get3A_719 = arith.index_cast %add3A_718 : i32 to index
        %get3A_720 = tpu.vector_load %arg5[%get3A_719] {strides = array<i32>} : memref<24576xf32, #tpu.memory_space<vmem>>, vector<16xf32>,
        %get3A_721 = vector.shape_cast %get3A_720 : vector<16xf32> to vector<16xf32>
        %get3A_722 = arith.index_cast %add3A_718 : i32 to index
        %get3A_723 = tpu.vector_load %arg7[%get3A_722] {strides = array<i32>} : memref<24576xf32, #tpu.memory_space<vmem>>, vector<16xf32>,
        %get3A_724 = vector.shape_cast %get3A_723 : vector<16xf32> to vector<16xf32>
        %sub3A_725 = arith.subf %get3A_721, %get3A_724 : vector<16xf32>
        %abs3A_726 = math.absf %sub3A_725 : vector<16xf32>
        %add3A_727 = arith.addf %add3A_705, %abs3A_726 : vector<16xf32>
        %add3A_728 = arith.constant 96 : i32
        %add3A_729 = arith.addi %add3A_661, %add3A_728 : i32
        %get3A_730 = arith.index_cast %add3A_729 : i32 to index
        %get3A_731 = tpu.vector_load %arg5[%get3A_730] {strides = array<i32>} : memref<24576xf32, #tpu.memory_space<vmem>>, vector<16xf32>,
        %get3A_732 = vector.shape_cast %get3A_731 : vector<16xf32> to vector<16xf32>
        %get3A_733 = arith.index_cast %add3A_729 : i32 to index
        %get3A_734 = tpu.vector_load %arg7[%get3A_733] {strides = array<i32>} : memref<24576xf32, #tpu.memory_space<vmem>>, vector<16xf32>,
        %get3A_735 = vector.shape_cast %get3A_734 : vector<16xf32> to vector<16xf32>
        %sub3A_736 = arith.subf %get3A_732, %get3A_735 : vector<16xf32>
        %abs3A_737 = math.absf %sub3A_736 : vector<16xf32>
        %add3A_738 = arith.addf %add3A_716, %abs3A_737 : vector<16xf32>
        %add3A_739 = arith.constant 112 : i32
        %add3A_740 = arith.addi %add3A_661, %add3A_739 : i32
        %get3A_741 = arith.index_cast %add3A_740 : i32 to index
        %get3A_742 = tpu.vector_load %arg5[%get3A_741] {strides = array<i32>} : memref<24576xf32, #tpu.memory_space<vmem>>, vector<16xf32>,
        %get3A_743 = vector.shape_cast %get3A_742 : vector<16xf32> to vector<16xf32>
        %get3A_744 = arith.index_cast %add3A_740 : i32 to index
        %get3A_745 = tpu.vector_load %arg7[%get3A_744] {strides = array<i32>} : memref<24576xf32, #tpu.memory_space<vmem>>, vector<16xf32>,
        %get3A_746 = vector.shape_cast %get3A_745 : vector<16xf32> to vector<16xf32>
        %sub3A_747 = arith.subf %get3A_743, %get3A_746 : vector<16xf32>
        %abs3A_748 = math.absf %sub3A_747 : vector<16xf32>
        %add3A_749 = arith.addf %add3A_727, %abs3A_748 : vector<16xf32>
        scf.yield %add3A_738, %add3A_749 : vector<16xf32>, vector<16xf32>
      }
      %scan3A_652 = arith.constant 69 : i32
      %add3A_653 = arith.addf %scan3A_651#0, %scan3A_651#1 : vector<16xf32>
      %add3A_654 = arith.addf %add3A_622, %add3A_653 : vector<16xf32>
      scf.yield %add3A_654, %add3A_347, %add3A_491 : vector<16xf32>, vector<16xf32>, vector<16xf32>
    }
    %scan3A_6 = arith.constant 4 : i32
    %swap3A = arith.constant 0 : i32
    %swap3A_7 = arith.index_cast %swap3A : i32 to index
    %swap3A_8 = arith.constant 0 : index
    %swap3A_9 = tpu.vector_load %arg9[%swap3A_7, %swap3A_8] {strides = array<i32>} : memref<3x16xf32, #tpu.memory_space<vmem>>, vector<1x16xf32>,
    %swap3A_10 = vector.shape_cast %swap3A_9 : vector<1x16xf32> to vector<16xf32>
    %swap3A_11 = vector.shape_cast %scan3A_5#0 : vector<16xf32> to vector<1x16xf32>
    tpu.vector_store %arg9[%swap3A_7, %swap3A_8], %swap3A_11 {strides = array<i32>} : memref<3x16xf32, #tpu.memory_space<vmem>>, vector<1x16xf32>,
    %swap3A_12 = arith.constant 1 : i32
    %swap3A_13 = arith.index_cast %swap3A_12 : i32 to index
    %swap3A_14 = arith.constant 0 : index
    %swap3A_15 = tpu.vector_load %arg9[%swap3A_13, %swap3A_14] {strides = array<i32>} : memref<3x16xf32, #tpu.memory_space<vmem>>, vector<1x16xf32>,
    %swap3A_16 = vector.shape_cast %swap3A_15 : vector<1x16xf32> to vector<16xf32>
    %swap3A_17 = vector.shape_cast %scan3A_5#1 : vector<16xf32> to vector<1x16xf32>
    tpu.vector_store %arg9[%swap3A_13, %swap3A_14], %swap3A_17 {strides = array<i32>} : memref<3x16xf32, #tpu.memory_space<vmem>>, vector<1x16xf32>,
    %swap3A_18 = arith.constant 2 : i32
    %swap3A_19 = arith.index_cast %swap3A_18 : i32 to index
    %swap3A_20 = arith.constant 0 : index
    %swap3A_21 = tpu.vector_load %arg9[%swap3A_19, %swap3A_20] {strides = array<i32>} : memref<3x16xf32, #tpu.memory_space<vmem>>, vector<1x16xf32>,
    %swap3A_22 = vector.shape_cast %swap3A_21 : vector<1x16xf32> to vector<16xf32>
    %swap3A_23 = vector.shape_cast %scan3A_5#2 : vector<16xf32> to vector<1x16xf32>
    tpu.vector_store %arg9[%swap3A_19, %swap3A_20], %swap3A_23 {strides = array<i32>} : memref<3x16xf32, #tpu.memory_space<vmem>>, vector<1x16xf32>,
    "tpu.region"() ({
      %run_scoped3A = tpu.sem_alloc : memref<!tpu.dma_semaphore, #tpu.memory_space<semaphore_mem>>
      %dma_start3A = arith.constant 0 : i32
      %dma_start3A_24 = arith.constant 0 : i32
      %dma_start3A_25 = tpu.memref_slice %arg4[%add3A, %dma_start3A, %dma_start3A_24] : memref<32x3x16xf32, #tpu.memory_space<hbm>> -> memref<1x3x16xf32, #tpu.memory_space<hbm>>
      %dma_start3A_26 = tpu.memref_squeeze %dma_start3A_25 : memref<1x3x16xf32, #tpu.memory_space<hbm>> -> memref<3x16xf32, #tpu.memory_space<hbm>>
      %dma_start3A_27 = arith.constant 0 : i32
      %dma_start3A_28 = arith.constant 0 : i32
      %dma_start3A_29 = tpu.memref_slice %arg4[%add3A, %dma_start3A_27, %dma_start3A_28] : memref<32x3x16xf32, #tpu.memory_space<hbm>> -> memref<1x3x16xf32, #tpu.memory_space<hbm>>
      %dma_start3A_30 = tpu.memref_squeeze %dma_start3A_29 : memref<1x3x16xf32, #tpu.memory_space<hbm>> -> memref<3x16xf32, #tpu.memory_space<hbm>>
      tpu.enqueue_dma source(%arg9 : memref<3x16xf32, #tpu.memory_space<vmem>>) target(%dma_start3A_30 : memref<3x16xf32, #tpu.memory_space<hbm>>) target_semaphore(%run_scoped3A : memref<!tpu.dma_semaphore, #tpu.memory_space<semaphore_mem>>)
      %dma_wait3A = arith.constant 0 : i32
      %dma_wait3A_31 = arith.constant 0 : i32
      %dma_wait3A_32 = tpu.memref_slice %arg4[%add3A, %dma_wait3A, %dma_wait3A_31] : memref<32x3x16xf32, #tpu.memory_space<hbm>> -> memref<1x3x16xf32, #tpu.memory_space<hbm>>
      %dma_wait3A_33 = tpu.memref_squeeze %dma_wait3A_32 : memref<1x3x16xf32, #tpu.memory_space<hbm>> -> memref<3x16xf32, #tpu.memory_space<hbm>>
      %dma_wait3A_34 = arith.constant 0 : i32
      %dma_wait3A_35 = arith.constant 0 : i32
      %dma_wait3A_36 = tpu.memref_slice %arg4[%add3A, %dma_wait3A_34, %dma_wait3A_35] : memref<32x3x16xf32, #tpu.memory_space<hbm>> -> memref<1x3x16xf32, #tpu.memory_space<hbm>>
      %dma_wait3A_37 = tpu.memref_squeeze %dma_wait3A_36 : memref<1x3x16xf32, #tpu.memory_space<hbm>> -> memref<3x16xf32, #tpu.memory_space<hbm>>
      tpu.wait_dma2 semaphore(%run_scoped3A : memref<!tpu.dma_semaphore, #tpu.memory_space<semaphore_mem>>) src(%arg9 : memref<3x16xf32, #tpu.memory_space<vmem>>) dst(%dma_wait3A_37 : memref<3x16xf32, #tpu.memory_space<hbm>>)
      tpu.yield
    }) : () -> ()
    return
  }
}

module attributes {stable_mosaic.version = 14 : i64} {
  func.func @_pad_tc_body(%arg0: i32, %arg1: memref<8x107127xf32, #tpu.memory_space<vmem>>, %arg2: memref<8x107127xf32, #tpu.memory_space<vmem>>, %arg3: memref<8x107136xf32, #tpu.memory_space<vmem>>, %arg4: memref<8x107136xf32, #tpu.memory_space<vmem>>) attributes {dimension_semantics = [#tpu.dimension_semantics<arbitrary>], iteration_bounds = array<i64: 16>, scalar_prefetch = 0 : i64, scratch_operands = 0 : i64, tpu.core_type = #tpu.core_type<tc>, window_params = [{transform_indices = @transform_0, window_bounds = array<i64: 8, 107127>}, {transform_indices = @transform_1, window_bounds = array<i64: 8, 107127>}, {transform_indices = @transform_2, window_bounds = array<i64: 8, 107136>}, {transform_indices = @transform_3, window_bounds = array<i64: 8, 107136>}]} {
    %broadcast_in_dim3A = arith.constant 0.000000e+00 : f32
    %broadcast_in_dim3A_0 = vector.broadcast %broadcast_in_dim3A : f32 to vector<8x9xf32>
    %get3A = arith.constant 0 : index
    %get3A_1 = arith.constant 0 : index
    %get3A_2 = vector.load %arg1[%get3A, %get3A_1] : memref<8x107127xf32, #tpu.memory_space<vmem>>, vector<8x107127xf32>
    %concatenate3A = tpu.concatenate %get3A_2, %broadcast_in_dim3A_0 in 1 : vector<8x107127xf32>, vector<8x9xf32> -> vector<8x107136xf32>
    %swap3A = arith.constant 0 : index
    %swap3A_3 = arith.constant 0 : index
    %swap3A_4 = vector.load %arg3[%swap3A, %swap3A_3] : memref<8x107136xf32, #tpu.memory_space<vmem>>, vector<8x107136xf32>
    tpu.vector_store %arg3[%swap3A, %swap3A_3], %concatenate3A {strides = array<i32>} : memref<8x107136xf32, #tpu.memory_space<vmem>>, vector<8x107136xf32>,
    %get3A_5 = arith.constant 0 : index
    %get3A_6 = arith.constant 0 : index
    %get3A_7 = vector.load %arg2[%get3A_5, %get3A_6] : memref<8x107127xf32, #tpu.memory_space<vmem>>, vector<8x107127xf32>
    %concatenate3A_8 = tpu.concatenate %get3A_7, %broadcast_in_dim3A_0 in 1 : vector<8x107127xf32>, vector<8x9xf32> -> vector<8x107136xf32>
    %swap3A_9 = arith.constant 0 : index
    %swap3A_10 = arith.constant 0 : index
    %swap3A_11 = vector.load %arg4[%swap3A_9, %swap3A_10] : memref<8x107136xf32, #tpu.memory_space<vmem>>, vector<8x107136xf32>
    tpu.vector_store %arg4[%swap3A_9, %swap3A_10], %concatenate3A_8 {strides = array<i32>} : memref<8x107136xf32, #tpu.memory_space<vmem>>, vector<8x107136xf32>,
    return
  }
  func.func @transform_0(%arg0: i32) -> (i32, i32) {
    %c0_i32 = arith.constant 0 : i32
    %c0_i32_0 = arith.constant 0 : i32
    return %arg0, %c0_i32 : i32, i32
  }
  func.func @transform_1(%arg0: i32) -> (i32, i32) {
    %c0_i32 = arith.constant 0 : i32
    %c0_i32_0 = arith.constant 0 : i32
    return %arg0, %c0_i32 : i32, i32
  }
  func.func @transform_2(%arg0: i32) -> (i32, i32) {
    %c0_i32 = arith.constant 0 : i32
    %c0_i32_0 = arith.constant 0 : i32
    return %arg0, %c0_i32 : i32, i32
  }
  func.func @transform_3(%arg0: i32) -> (i32, i32) {
    %c0_i32 = arith.constant 0 : i32
    %c0_i32_0 = arith.constant 0 : i32
    return %arg0, %c0_i32 : i32, i32
  }
}

</mosaic_0001>

<sc_bundles>
// kernel: kernel.4.cloned.1.call-start
scs
__scs_entry_jumppad:
0x0: {  	(pc) =	sbr.rel $0x88, $3  }
0x1: {  	(tag) =	ssettag $0x0;
	lr =	simm.s32 $0x1  }
0x2: {  	[smem:$0x3F9F] =	sst lr;
	_ =	strace $0xD0000000  }
0x3: {  	_ = 	snop  }
0x4: {  	_ = 	snop  }
0x5: {  	_ = 	snop  }
0x6: {  	_ = 	snop  }
0x7: {  	_ = 	snop  }
__scs_overlays_trampoline_lowered:
0x8: {  	[smem:$0x3FAE] =	sst s0  }
0x9: {  	[smem:$0x3FAF] =	sst s1  }
0xa: {  	[smem:$0x3FB0] =	sst s2  }
0xb: {  	[smem:$0x3FB1] =	sst s3  }
0xc: {  	[smem:$0x3FB2] =	sst s4  }
0xd: {  	[smem:$0x3FB3] =	sst s5  }
0xe: {  	[smem:$0x3FB4] =	sst s6  }
0xf: {  	[smem:$0x3FB5] =	sst s7  }
0x10: {  	[smem:$0x3FB6] =	sst s8  }
0x11: {  	[smem:$0x3FB7] =	sst s9;
	s0 =	simm.s32 @!p0 $0x0  }
0x12: {  	s1 =	sld [smem:$0x3F9D];
	s0 =	simm.s32 @p0 $0x1  }
0x13: {  	[smem:$0x3FB8] =	sst s0;
	s0 =	simm.s32 @!p1 $0x0  }
0x14: {  	s2 =	sld [smem:$0x3F9C];
	s0 =	simm.s32 @p1 $0x1  }
0x15: {  	[smem:$0x3FB9] =	sst s0;
	s0 =	simm.s32 @!p2 $0x0  }
0x16: {  	s3 =	sld [smem:$0x3FDB];
	s0 =	simm.s32 @p2 $0x1  }
0x17: {  	s4 =	simm.s32 $0x1BF5;
	[smem:$0x3FBB] =	sst s0  }
0x18: {  	s0 =	sld [smem:$0x3F9E];
	_ =	swait.ge [sflag:s4], $0x0  }
0x19: {  	s7 =	sld [smem:$0x3F9F]  }
0x1a: {  	s8 =	sadd.s32 $0xFFFFE003, lr  }
0x1b: {  	s9 =	sadd.s32 $0xFFFFFEF7, lr;
	s5 =	simm.s32 $0xFFFFFFFF;
	p2 =	slt.u32 s8, $0xFFFFF086  }
0x1c: {  	p1 =	slt.u32 s9, $0xF7A;
	s5 =	simm.s32 @!p2 $0x0  }
0x1d: {  	s5 =	simm.s32 @p1 $0x1;
	p0 =	seq.s32 s7, s2  }
0x1e: {  	s7 =	smul.u32 @!p0 $0xF7A, s2;
	p2 =	seq.s32 @!p0 s5, $0x0  }
0x1f: {  	s9 =	smul.u32 $0xF7A, s1;
	s8 =	simm.s32 @!p0 $0x1BF5;
	p2 =	por !p2, p0  }
0x20: {  	[sflag:s8] =	ssyncset.s32 @!p0 $0xFFFFF086;
	s6 =	sadd.s32 @!p0 s3, s7;
	s7 =	simm.s32 @!p0 $0x108  }
0x21: {  	s3 =	sadd.s32 s3, s9;
	s6 =	sadd.s32 @!p0 $0x88, s6;
	s7 =	simm.s32 @p2 $0x1082  }
0x22: {  	[simem:s7], [sflag:s8] =	dma.local @!p0 [hbm:s6], $0xF7A  }
0x23: {  	s9 =	sor.u32 $0xD0000000, s2;
	s6 =	simm.s32 $0x108;
	_ =	swait.ge @!p0 [sflag:s8], $0x0  }
0x24: {  	s3 =	sadd.s32 $0x88, s3;
	s6 =	simm.s32 @!p1 $0x1082;
	[sflag:s4] =	ssyncset.s32 $0xFFFFF086  }
0x25: {  	[simem:s6], [sflag:s4] =	dma.local [hbm:s3], $0xF7A  }
0x26: {  	[smem:$0x3F9F] =	sst s1;
	(tag) =	ssettag s2;
	_ =	strace s9  }
0x27: {  	s1 =	sld [smem:$0x3FAF]  }
0x28: {  	s2 =	sld [smem:$0x3FB0]  }
0x29: {  	s4 =	sld [smem:$0x3FB2]  }
0x2a: {  	p0 =	seq.s32 s5, $0x0;
	s5 =	sld [smem:$0x3FB3]  }
0x2b: {  	s6 =	sld [smem:$0x3FB4]  }
0x2c: {  	s7 =	sld [smem:$0x3FB5]  }
0x2d: {  	s3 =	simm.s32 $0x108;
	s8 =	sld [smem:$0x3FB6]  }
0x2e: {  	s3 =	simm.s32 @!p0 $0x1082;
	s9 =	sld [smem:$0x3FB7]  }
0x2f: {  	lr =	sadd.s32 s0, s3;
	s0 =	sld [smem:$0x3FAE]  }
0x30: {  	s3 =	sld [smem:$0x3FB1]  }
0x31: {  	[smem:$0x3FBA] =	sst s10  }
0x32: {  	s10 =	sld [smem:$0x3FB8];
	_ =	sdelay $0x3  }
0x33: {  	p0 =	seq.s32 s10, $0x1;
	s10 =	sld [smem:$0x3FBA];
	_ =	sdelay $0x3  }
0x34: {  	[smem:$0x3FBA] =	sst s10  }
0x35: {  	s10 =	sld [smem:$0x3FB9];
	_ =	sdelay $0x3  }
0x36: {  	p1 =	seq.s32 s10, $0x1;
	s10 =	sld [smem:$0x3FBA];
	_ =	sdelay $0x3  }
0x37: {  	[smem:$0x3FBA] =	sst s10  }
0x38: {  	s10 =	sld [smem:$0x3FBB]  }
0x39: {  	_ = 	snop;
	(pc) =	sbr.ind lr, $3  }
0x3a: {  	_ = 	snop  }
0x3b: {  	_ = 	snop  }
0x3c: {  	p2 =	seq.s32 s10, $0x1;
	s10 =	sld [smem:$0x3FBA]  }
0x3d: {  	_ =	shalt  }
0x3e: {  	_ =	shalt  }
0x3f: {  	_ =	shalt  }
0x40: {  	_ =	shalt  }
0x41: {  	_ =	shalt  }
0x42: {  	_ =	shalt  }
0x43: {  	_ =	shalt  }
0x44: {  	_ =	shalt  }
0x45: {  	_ =	shalt  }
0x46: {  	_ =	shalt  }
0x47: {  	_ =	shalt  }
0x48: {  	_ =	shalt  }
0x49: {  	_ =	shalt  }
0x4a: {  	_ =	shalt  }
0x4b: {  	_ =	shalt  }
0x4c: {  	_ =	shalt  }
0x4d: {  	_ =	shalt  }
0x4e: {  	_ =	shalt  }
0x4f: {  	_ =	shalt  }
0x50: {  	_ =	shalt  }
0x51: {  	_ =	shalt  }
0x52: {  	_ =	shalt  }
0x53: {  	_ =	shalt  }
0x54: {  	_ =	shalt  }
0x55: {  	_ =	shalt  }
0x56: {  	_ =	shalt  }
0x57: {  	_ =	shalt  }
0x58: {  	_ =	shalt  }
0x59: {  	_ =	shalt  }
0x5a: {  	_ =	shalt  }
0x5b: {  	_ =	shalt  }
0x5c: {  	_ =	shalt  }
0x5d: {  	_ =	shalt  }
0x5e: {  	_ =	shalt  }
0x5f: {  	_ =	shalt  }
0x60: {  	_ =	shalt  }
0x61: {  	_ =	shalt  }
0x62: {  	_ =	shalt  }
0x63: {  	_ =	shalt  }
0x64: {  	_ =	shalt  }
0x65: {  	_ =	shalt  }
0x66: {  	_ =	shalt  }
0x67: {  	_ =	shalt  }
0x68: {  	_ =	shalt  }
0x69: {  	_ =	shalt  }
0x6a: {  	_ =	shalt  }
0x6b: {  	_ =	shalt  }
0x6c: {  	_ =	shalt  }
0x6d: {  	_ =	shalt  }
0x6e: {  	_ =	shalt  }
0x6f: {  	_ =	shalt  }
0x70: {  	_ =	shalt  }
0x71: {  	_ =	shalt  }
0x72: {  	_ =	shalt  }
0x73: {  	_ =	shalt  }
0x74: {  	_ =	shalt  }
0x75: {  	_ =	shalt  }
0x76: {  	_ =	shalt  }
0x77: {  	_ =	shalt  }
0x78: {  	_ =	shalt  }
0x79: {  	_ =	shalt  }
0x7a: {  	_ =	shalt  }
0x7b: {  	_ =	shalt  }
0x7c: {  	_ =	shalt  }
0x7d: {  	_ =	shalt  }
0x7e: {  	_ =	shalt  }
0x7f: {  	_ =	shalt  }
0x80: {  	_ =	shalt  }
0x81: {  	_ =	shalt  }
0x82: {  	_ =	shalt  }
0x83: {  	_ =	shalt  }
0x84: {  	_ =	shalt  }
0x85: {  	_ =	shalt  }
0x86: {  	_ =	shalt  }
0x87: {  	_ =	shalt  }
.Lfunc_end0:
.L_simem_size_0:
called_computation_lowered:
.L_overlay_start_0:
0x88: {  	s2 =	sld [smem:$0x3FD9]  }
0x89: {  	s3 =	sld [smem:$0x3FFE];
	_ =	sdelay $0x1  }
0x8a: {  	s1 =	srdreg.scid  }
0x8b: {  	s0 =	sand.u32 $0x1, s1  }
0x8c: {  	s16 =	sshll.u32 s0, $0xA;
	s2 =	sadd.s32 s3, s2  }
0x8d: {  	s2 =	sadd.s32 s2, s16  }
0x8e: {  	[smem:$0x3FC6] =	sst s2  }
0x8f: {  	_ = 	snop  }
0x90: {  	(tm) =	ssettm $0x1  }
0x91: {  	s17 =	sld [smem:$0x3FFB];
	_ =	sdelay $0x3  }
0x92: {  	_ =	strace s17  }
0x93: {  	s2 =	sld [smem:$0x3FFC];
	_ =	sdelay $0x3  }
0x94: {  	_ =	strace s2  }
0x95: {  	s2 =	sld [smem:$0x3FFD];
	_ =	sdelay $0x3  }
0x96: {  	_ =	strace s2  }
0x97: {  	_ =	strace $0x8FFFFFFF  }
0x98: {  	s18 =	sld [smem:$0x3FDB];
	_ =	sdelay $0x1  }
0x99: {  	s19 =	simm.s32 $_scs_section_size  }
0x9a: {  	s4 =	simm.s32 $_size__tile_overlayer_lowered;
	s5 =	simm.s32 $_tile_overlayer_lowered  }
0x9b: {  	s22 =	simm.s32 $0x1BFF;
	s21 =	sshll.u32 s5, $0x1;
	s2 =	sadd.s32 s19, s18  }
0x9c: {  	s6 =	simm.s32 $0x0;
	s20 =	sshll.u32 s4, $0x1;
	s4 =	sadd.s32 s21, s2  }
0x9d: {  	[timem:s6], [sflag:s22] =	dma.local [hbm:s4], s20  }
0x9e: {  	_ =	swait.ge [sflag:s22], s20  }
0x9f: {  	s3 =	ssub.s32 $0x0, s20;
	[sflag:s22] =	ssyncset.done $0x0  }
0xa0: {  	[sflag:s22] =	ssyncadd.s32 s3;
	_ =	sdelay $0x1  }
0xa1: {  	s23 =	simm.s32 $0x1B8B  }
0xa2: {  	_ =	swait.ge [sflag:s23], $0x1  }
0xa3: {  	[sflag:s23] =	ssyncset.done $0x0  }
0xa4: {  	s25 =	simm.s32 $0x1B8E;
	s24 =	sld [smem:$0x3FFE];
	[sflag:s23] =	ssyncadd.s32 $0xFFFFFFFF  }
0xa5: {  	s26 =	simm.s32 $execute0_lowered;
	[smem:$0x3FD2] =	sst s25  }
0xa6: {  	s4 =	sshll.u32 s26, $0x1;
	_ =	strace $0x80000046;
	[dreg:$0x1] =	wrdreg $0xFFFFFFFF  }
0xa7: {  	s28 =	simm.s32 $_size_execute0_lowered;
	s2 =	sadd.s32 s2, s4;
	[dreg:$0x0] =	wrdreg $0x0  }
0xa8: {  	s4 =	sshll.u32 s28, $0x1;
	[dreg:$0x2] =	wrdreg s2  }
0xa9: {  	[dreg:$0x3] =	wrdreg s4  }
0xaa: {  	[dreg:$0x4] =	wrdreg $0xC0  }
0xab: {  	_ =	task [dreg:s6], $0x5FFFF  }
0xac: {  	[dreg:$0x1] =	wrdreg $0xFFFFFFFF  }
0xad: {  	[dreg:$0x0] =	wrdreg $0x60  }
0xae: {  	[dreg:$0x2] =	wrdreg s24  }
0xaf: {  	[dreg:$0x3] =	wrdreg $0x9  }
0xb0: {  	_ =	task.clear_ibuf [dreg:s6], $0x4FFFF;
	_ =	strace $0x90000046  }
0xb1: {  	s29 =	simm.s32 $0x9;
	_ =	strace $0x80000048  }
0xb2: {  	_ =	swait.ge [sflag:s29], $0x1  }
0xb3: {  	[sflag:s29] =	ssyncadd.s32 $0xFFFFFFFF  }
0xb4: {  	_ =	strace $0x90000048  }
0xb5: {  	_ =	sfence  }
0xb6: {  	s30 =	sld [smem:$0x0];
	_ =	sdelay $0x2  }
0xb7: {  	s31 =	sshll.u32 s1, $0xD;
	s1 =	sshrl.u32 s1, $0x2  }
0xb8: {  	s3 =	sand.u32 $0x4000, s31;
	s1 =	sadd.s32 s1, s30  }
0xb9: {  	s0 =	sor.u32 s3, s0;
	s1 =	sshll.u32 s1, $0x11  }
0xba: {  	s0 =	sor.u32 s1, s0  }
0xbb: {  	s0 =	sadd.s32 $0x8F2B, s0  }
0xbc: {  	[sflag:s0] =	ssyncadd.remote.s32 $0x1  }
0xbd: {  	_ =	sfence.sel $0xFFFF  }
0xbe: {  	[dreg:$0x0] =	wrdreg $0xFFFFFFFF;
	(pc) =	sbr.abs _section_cstart, $3  }
0xbf: {  	[dreg:$0x1] =	wrdreg $0xFFFFFFFF  }
0xc0: {  	_ =	task.clear_ibuf [dreg:s6], $0x2FFFF;
	_ =	strace $0x9FFFFFFF  }
0xc1: {  	(tm) =	ssettm $0x7FFFFFFF  }
tec
execute0_lowered:
.L_overlay_start_1:
0x0: {  	(tag) =	ssettag $0x1  }
0x1: {  	s1 =	srdreg.scid  }
0x2: {  	s0 =	stileid.u32;
	s5 =	rddreg [dreg:$0x0];
	s2 =	simm.s32 $0x0  }
0x3: {  	s9 =	simm.s32 $0x6000;
	s10 =	simm.s32 $0x12000;
	s11 =	simm.s32 $0x1  }
0x4: {  	s12 =	simm.s32 $0x2;
	s13 =	simm.s32 $0x18000;
	s14 =	simm.s32 $0x3  }
0x5: {  	s4 =	sand.u32 $0x1, s1;
	s3 =	sshll.u32 s0, $0x1;
	s1 =	rddreg [dreg:$0x1]  }
0x6: {  	s15 =	simm.s32 $0x0;
	[smem:$0x7FF] =	sst s2;
	s6 =	sor.u32 s4, s3  }
0x7: {  	_ =	strace $0x80000047;
	s8 =	ssub.s32 $0x2, s4;
	s7 =	smul.u32 $0x6, s6  }
0x8: {  	s3 =	sadd.s32 $0x400, s5;
	s4 =	sadd.s32 $0x1A2C00, s5;
	s31 =	sshrl.u32 s8, $0x1  }
0x9: {  	s8 =	ssub.s32 s8, s31;
	s7 =	sadd.s32 s7, s5;
	s5 =	sshll.u32 s6, $0x2  }
0xa: {  	vm0 =	vmmov $0xfff;
	s6 =	sadd.s32 $0x345400, s7;
	s7 =	smax.u32 s8, $0x1;
	s8 =	simm.s32 $0xC000  }
.LBB2_1:
0xb: {  	v0 =	vimm.f32 $0.0e+00;
	v1 =	vimm.f32 $0.0e+00;
	v2 =	vimm.f32 $0.0e+00;
	s16 =	simm.s32 $0x0  }
.LBB2_2:
0xc: {  	s17 =	sadd.s32 s5, s16  }
0xd: {  	s17 =	smul.u32 $0x1A280, s17;
	_ =	sdelay $0x1  }
0xe: {  	s17 =	sshrl.u32 s17, $0x3  }
0xf: {  	s19 =	simm.s32 $0x0;
	s18 =	sadd.s32 s3, s17  }
0x10: {  	[tilespmem:s19], [sflag:$0x1] =	stream.linear.gather [hbm4b:s18+s19], $0x6000, $0x38;
	[tilespmem:$0x18030] =	vst v63  }
0x11: {  	s30 =	sadd.s32 s4, s17;
	s31 =	sadd.s32 $0xC00, s17  }
0x12: {  	[tilespmem:s8], [sflag:$0x1] =	stream.linear.gather [hbm4b:s30+s19], $0x6000, $0x38;
	[tilespmem:$0x18030] =	vst v63  }
0x13: {  	s20 =	sadd.s32 s3, s31  }
0x14: {  	[tilespmem:s9], [sflag:$0x2] =	stream.linear.gather [hbm4b:s20+s19], $0x6000, $0x38;
	[tilespmem:$0x18030] =	vst v63  }
0x15: {  	s18 =	sadd.s32 s4, s31  }
0x16: {  	[tilespmem:s10], [sflag:$0x2] =	stream.linear.gather [hbm4b:s18+s19], $0x6000, $0x38;
	[tilespmem:$0x18030] =	vst v63  }
0x17: {  	_ =	swait.ge [sflag:s11], $0x6000  }
0x18: {  	[sflag:s11] =	ssyncset.done $0x0  }
0x19: {  	[sflag:s11] =	ssyncadd.s32 $0xFFFFA000  }
0x1a: {  	_ =	swait.ge [sflag:s11], $0x6000  }
0x1b: {  	[sflag:s11] =	ssyncset.done $0x0  }
0x1c: {  	s18 =	simm.s32 $0x0;
	[sflag:s11] =	ssyncadd.s32 $0xFFFFA000  }
0x1d: {  	v3 =	vld [tilespmem:s18+$0x60]  }
0x1e: {  	v6 =	vld [tilespmem:s18+$0xC060]  }
0x1f: {  	v5 =	vld [tilespmem:s18+$0x40]  }
0x20: {  	v8 =	vld [tilespmem:s18+$0xC040]  }
0x21: {  	v4 =	vld [tilespmem:s18+$0x20]  }
0x22: {  	v10 =	vld [tilespmem:s18+$0xC020]  }
0x23: {  	v11 =	vld [tilespmem:s18+$0x0]  }
0x24: {  	v12 =	vld [tilespmem:s18+$0xC000]  }
0x25: {  	v7 =	vimm.f32 $0.0e+00;
	v9 =	vimm.f32 $0.0e+00;
	s19 =	simm.s32 $0x200;
	v13 =	vld [tilespmem:s18+$0x10]  }
.LBB2_3:
0x26: {  	p0 =	sne.s32 s19, $0xB800;
	v14 =	vld [tilespmem:s18+$0xC010]  }
0x27: {  	v15 =	vld [tilespmem:s18+$0x30]  }
0x28: {  	v16 =	vld [tilespmem:s18+$0xC030]  }
0x29: {  	v17 =	vld [tilespmem:s18+$0x50]  }
0x2a: {  	v19 =	vsub.f32 v3, v6;
	v18 =	vld [tilespmem:s18+$0xC050]  }
0x2b: {  	v6 =	vsub.f32 v11, v12;
	v11 =	vsub.f32 v13, v14;
	v12 =	vld [tilespmem:s18+$0x70]  }
0x2c: {  	v4 =	vsub.f32 v4, v10;
	v10 =	vsub.f32 v5, v8;
	v13 =	vld [tilespmem:s18+$0xC070];
	s18 =	sshra.s32 s19, $0x2  }
0x2d: {  	v5 =	vand.u32 $0x7FFFFFFF, v6;
	v3 =	vld [tilespmem:s18+$0x60];
	v8 =	vand.u32 $0x7FFFFFFF, v11;
	v11 =	vsub.f32 v15, v16  }
0x2e: {  	v7 =	vadd.f32 v5, v7;
	v6 =	vld [tilespmem:s18+$0xC060];
	v9 =	vadd.f32 v8, v9  }
0x2f: {  	v4 =	vand.u32 $0x7FFFFFFF, v4;
	v5 =	vld [tilespmem:s18+$0x40];
	v11 =	vand.u32 $0x7FFFFFFF, v11;
	v14 =	vsub.f32 v17, v18  }
0x30: {  	v7 =	vadd.f32 v4, v7;
	v8 =	vld [tilespmem:s18+$0xC040];
	v9 =	vadd.f32 v11, v9  }
.Ltmp0:
0x31: {  	v11 =	vand.u32 $0x7FFFFFFF, v10;
	v4 =	vld [tilespmem:s18+$0x20];
	v14 =	vand.u32 $0x7FFFFFFF, v14;
	v12 =	vsub.f32 v12, v13;
	(pc) =	sbr.rel @p0 .LBB2_3-.Ltmp0, $4  }
0x32: {  	v7 =	vadd.f32 v11, v7;
	v10 =	vld [tilespmem:s18+$0xC020];
	v9 =	vadd.f32 v14, v9  }
0x33: {  	v13 =	vand.u32 $0x7FFFFFFF, v19;
	v11 =	vld [tilespmem:s18+$0x0];
	v14 =	vand.u32 $0x7FFFFFFF, v12  }
0x34: {  	v7 =	vadd.f32 v13, v7;
	v12 =	vld [tilespmem:s18+$0xC000];
	v9 =	vadd.f32 v14, v9  }
0x35: {  	s19 =	sadd.s32 $0x200, s19;
	v13 =	vld [tilespmem:s18+$0x10]  }
0x36: {  	v14 =	vld [tilespmem:s18+$0xC010]  }
0x37: {  	v15 =	vld [tilespmem:s18+$0x30]  }
0x38: {  	v16 =	vld [tilespmem:s18+$0xC030]  }
0x39: {  	v17 =	vld [tilespmem:s18+$0x50]  }
0x3a: {  	v18 =	vld [tilespmem:s18+$0xC050]  }
0x3b: {  	v19 =	vld [tilespmem:s18+$0x70]  }
0x3c: {  	v20 =	vld [tilespmem:s18+$0xC070]  }
0x3d: {  	v11 =	vsub.f32 v11, v12;
	v12 =	vld [tilespmem:$0x2ED0]  }
0x3e: {  	v21 =	vld [tilespmem:$0x2E80]  }
0x3f: {  	v55 =	vld [tilespmem:$0xEE80]  }
0x40: {  	v56 =	vld [tilespmem:$0x2E90]  }
0x41: {  	v57 =	vld [tilespmem:$0xEE90]  }
0x42: {  	[tilespmem:$0x1FFC0] =	vst v12;
	v12 =	vsub.f32 v13, v14;
	v13 =	vld [tilespmem:$0xEED0]  }
0x43: {  	v58 =	vld [tilespmem:$0x2EA0]  }
0x44: {  	v59 =	vld [tilespmem:$0xEEA0]  }
0x45: {  	v60 =	vld [tilespmem:$0x2EB0];
	[tilespmem:$0x1FF20] =	vst v21  }
0x46: {  	v61 =	vld [tilespmem:$0xEEB0];
	v10 =	vsub.f32 v4, v10;
	[tilespmem:$0x1FF30] =	vst v55;
	v11 =	vand.u32 $0x7FFFFFFF, v11  }
0x47: {  	v62 =	vld [tilespmem:$0x2EC0];
	v11 =	vadd.f32 v11, v7;
	v12 =	vand.u32 $0x7FFFFFFF, v12;
	[tilespmem:$0x1FFD0] =	vst v13;
	v13 =	vsub.f32 v15, v16  }
0x48: {  	v63 =	vld [tilespmem:$0xEEC0];
	s18 =	simm.s32 $0x0;
	[tilespmem:$0x1FF40] =	vst v56;
	v14 =	vsub.f32 v5, v8;
	v8 =	vand.u32 $0x7FFFFFFF, v10;
	v9 =	vadd.f32 v12, v9  }
0x49: {  	v6 =	vsub.f32 v3, v6;
	v4 =	vld [tilespmem:s18+$0x2F40];
	[tilespmem:$0x1FF50] =	vst v57;
	v11 =	vadd.f32 v8, v11;
	v12 =	vand.u32 $0x7FFFFFFF, v13  }
0x4a: {  	v3 =	vld [tilespmem:s18+$0x2F00];
	[tilespmem:$0x1FF60] =	vst v58;
	v10 =	vsub.f32 v17, v18;
	v12 =	vadd.f32 v12, v9;
	v9 =	vand.u32 $0x7FFFFFFF, v14  }
0x4b: {  	[tilespmem:$0x1FF70] =	vst v59;
	v7 =	vld [tilespmem:s18+$0xEF40];
	v14 =	vadd.f32 v9, v11  }
0x4c: {  	v6 =	vand.u32 $0x7FFFFFFF, v6;
	[tilespmem:$0x1FF80] =	vst v60;
	v5 =	vld [tilespmem:s18+$0x2F20];
	v10 =	vand.u32 $0x7FFFFFFF, v10;
	v13 =	vsub.f32 v19, v20  }
0x4d: {  	[tilespmem:$0x1FF90] =	vst v61;
	v8 =	vld [tilespmem:s18+$0xEF20];
	v10 =	vadd.f32 v10, v12;
	v6 =	vadd.f32 v6, v14  }
0x4e: {  	[tilespmem:$0x1FFA0] =	vst v62;
	v9 =	vld [tilespmem:s18+$0xEF00];
	v13 =	vand.u32 $0x7FFFFFFF, v13  }
0x4f: {  	v11 =	vld [tilespmem:s18+$0x2EE0];
	[tilespmem:$0x1FFE0] =	vst v6;
	v6 =	vadd.f32 v13, v10  }
0x50: {  	[tilespmem:$0x1FFB0] =	vst v63;
	v12 =	vld [tilespmem:s18+$0xEEE0]  }
0x51: {  	s19 =	simm.s32 $0x200;
	v13 =	vld [tilespmem:s18+$0x2EF0];
	v10 =	vimm.f32 $0.0e+00;
	[tilespmem:$0x1FFF0] =	vst v6;
	v6 =	vimm.f32 $0.0e+00  }
.LBB2_5:
0x52: {  	p0 =	sne.s32 s19, $0x2200;
	v14 =	vld [tilespmem:s18+$0xEEF0]  }
0x53: {  	v15 =	vld [tilespmem:s18+$0x2F10]  }
0x54: {  	v16 =	vld [tilespmem:s18+$0xEF10]  }
0x55: {  	v17 =	vld [tilespmem:s18+$0x2F30]  }
0x56: {  	v19 =	vsub.f32 v4, v7;
	v18 =	vld [tilespmem:s18+$0xEF30]  }
0x57: {  	v7 =	vsub.f32 v11, v12;
	v11 =	vsub.f32 v13, v14;
	v12 =	vld [tilespmem:s18+$0x2F50]  }
0x58: {  	v3 =	vsub.f32 v3, v9;
	v9 =	vsub.f32 v5, v8;
	v13 =	vld [tilespmem:s18+$0xEF50];
	s18 =	sshra.s32 s19, $0x2  }
0x59: {  	v5 =	vand.u32 $0x7FFFFFFF, v7;
	v4 =	vld [tilespmem:s18+$0x2F40];
	v8 =	vand.u32 $0x7FFFFFFF, v11;
	v11 =	vsub.f32 v15, v16  }
0x5a: {  	v6 =	vadd.f32 v5, v6;
	v7 =	vld [tilespmem:s18+$0xEF40];
	v10 =	vadd.f32 v8, v10  }
0x5b: {  	v3 =	vand.u32 $0x7FFFFFFF, v3;
	v5 =	vld [tilespmem:s18+$0x2F20];
	v11 =	vand.u32 $0x7FFFFFFF, v11;
	v14 =	vsub.f32 v17, v18  }
0x5c: {  	v6 =	vadd.f32 v3, v6;
	v8 =	vld [tilespmem:s18+$0xEF20];
	v10 =	vadd.f32 v11, v10  }
.Ltmp1:
0x5d: {  	v11 =	vand.u32 $0x7FFFFFFF, v9;
	v3 =	vld [tilespmem:s18+$0x2F00];
	v14 =	vand.u32 $0x7FFFFFFF, v14;
	v12 =	vsub.f32 v12, v13;
	(pc) =	sbr.rel @p0 .LBB2_5-.Ltmp1, $4  }
0x5e: {  	v6 =	vadd.f32 v11, v6;
	v9 =	vld [tilespmem:s18+$0xEF00];
	v10 =	vadd.f32 v14, v10  }
0x5f: {  	v13 =	vand.u32 $0x7FFFFFFF, v19;
	v11 =	vld [tilespmem:s18+$0x2EE0];
	v14 =	vand.u32 $0x7FFFFFFF, v12  }
0x60: {  	v6 =	vadd.f32 v13, v6;
	v12 =	vld [tilespmem:s18+$0xEEE0];
	v10 =	vadd.f32 v14, v10  }
0x61: {  	s19 =	sadd.s32 $0x200, s19;
	v13 =	vld [tilespmem:s18+$0x2EF0]  }
0x62: {  	v14 =	vld [tilespmem:s18+$0xEEF0]  }
0x63: {  	v15 =	vld [tilespmem:s18+$0x2F10]  }
0x64: {  	v16 =	vld [tilespmem:s18+$0xEF10]  }
0x65: {  	v17 =	vld [tilespmem:s18+$0x2F30]  }
0x66: {  	v18 =	vld [tilespmem:s18+$0xEF30]  }
0x67: {  	v19 =	vld [tilespmem:s18+$0x2F50]  }
0x68: {  	v20 =	vld [tilespmem:s18+$0xEF50]  }
0x69: {  	v63 =	vsub.f32 v4, v7;
	v4 =	vld [tilespmem:$0xF820]  }
0x6a: {  	v21 =	vld [tilespmem:$0x37E0]  }
0x6b: {  	v55 =	vld [tilespmem:$0xF7E0]  }
0x6c: {  	v56 =	vld [tilespmem:$0x37F0]  }
0x6d: {  	v8 =	vsub.f32 v5, v8;
	v5 =	vld [tilespmem:$0xF830]  }
0x6e: {  	[tilespmem:$0x1FED0] =	vst v4;
	v4 =	vsub.f32 v11, v12;
	v11 =	vld [tilespmem:$0x3830]  }
0x6f: {  	v57 =	vld [tilespmem:$0xF7F0]  }
0x70: {  	v58 =	vld [tilespmem:$0x3800]  }
0x71: {  	v59 =	vld [tilespmem:$0xF800];
	v3 =	vsub.f32 v3, v9;
	[tilespmem:$0x1FE40] =	vst v21  }
0x72: {  	v60 =	vld [tilespmem:$0x3810];
	v7 =	vsub.f32 v13, v14;
	[tilespmem:$0x1FEF0] =	vst v5;
	v5 =	vand.u32 $0x7FFFFFFF, v4  }
0x73: {  	v61 =	vld [tilespmem:$0xF810];
	v3 =	vand.u32 $0x7FFFFFFF, v3;
	[tilespmem:$0x1FEE0] =	vst v11;
	v11 =	vadd.f32 v5, v6  }
0x74: {  	v62 =	vld [tilespmem:$0x3820];
	s18 =	simm.s32 $0x0;
	[tilespmem:$0x1FE50] =	vst v55;
	v9 =	vsub.f32 v15, v16;
	v12 =	vsub.f32 v19, v20;
	v7 =	vand.u32 $0x7FFFFFFF, v7  }
0x75: {  	[tilespmem:$0x1FE60] =	vst v56;
	v14 =	vld [tilespmem:s18+$0x3850];
	v7 =	vadd.f32 v7, v10;
	v3 =	vadd.f32 v3, v11  }
0x76: {  	[tilespmem:$0x1FE70] =	vst v57;
	v4 =	vld [tilespmem:s18+$0x38A0];
	v9 =	vand.u32 $0x7FFFFFFF, v9;
	v10 =	vsub.f32 v17, v18;
	v11 =	vand.u32 $0x7FFFFFFF, v8  }
0x77: {  	[tilespmem:$0x1FE80] =	vst v58;
	v13 =	vand.u32 $0x7FFFFFFF, v12;
	v12 =	vld [tilespmem:s18+$0x3840];
	v9 =	vadd.f32 v9, v7;
	v3 =	vadd.f32 v11, v3  }
0x78: {  	[tilespmem:$0x1FE90] =	vst v59;
	v6 =	vld [tilespmem:s18+$0xF8A0];
	v10 =	vand.u32 $0x7FFFFFFF, v10;
	v11 =	vand.u32 $0x7FFFFFFF, v63  }
0x79: {  	[tilespmem:$0x1FEA0] =	vst v60;
	v5 =	vld [tilespmem:s18+$0x3880];
	v10 =	vadd.f32 v10, v9;
	v3 =	vadd.f32 v11, v3  }
0x7a: {  	[tilespmem:$0x1FEB0] =	vst v61;
	v7 =	vld [tilespmem:s18+$0xF880]  }
0x7b: {  	v8 =	vld [tilespmem:s18+$0x3860];
	[tilespmem:$0x1FF00] =	vst v3;
	v3 =	vadd.f32 v13, v10  }
0x7c: {  	[tilespmem:$0x1FEC0] =	vst v62;
	v9 =	vld [tilespmem:s18+$0xF860]  }
0x7d: {  	s19 =	simm.s32 $0x200;
	v11 =	vimm.f32 $0.0e+00;
	v13 =	vld [tilespmem:s18+$0xF840];
	v10 =	vimm.f32 $0.0e+00;
	[tilespmem:$0x1FF10] =	vst v3;
	v3 =	vimm.f32 $0.0e+00  }
.LBB2_7:
0x7e: {  	p0 =	sne.s32 s19, $0x9400;
	v15 =	vld [tilespmem:s18+$0xF850]  }
0x7f: {  	v16 =	vld [tilespmem:s18+$0x3870]  }
0x80: {  	v17 =	vld [tilespmem:s18+$0xF870]  }
0x81: {  	v18 =	vld [tilespmem:s18+$0x3890]  }
0x82: {  	v20 =	vsub.f32 v4, v6;
	v19 =	vld [tilespmem:s18+$0xF890]  }
0x83: {  	v6 =	vsub.f32 v12, v13;
	v12 =	vsub.f32 v14, v15;
	v13 =	vld [tilespmem:s18+$0x38B0]  }
0x84: {  	v8 =	vsub.f32 v8, v9;
	v9 =	vsub.f32 v5, v7;
	v14 =	vld [tilespmem:s18+$0xF8B0];
	s18 =	sshra.s32 s19, $0x2  }
0x85: {  	v5 =	vand.u32 $0x7FFFFFFF, v6;
	v4 =	vld [tilespmem:s18+$0x38A0];
	v7 =	vand.u32 $0x7FFFFFFF, v12;
	v12 =	vsub.f32 v16, v17  }
0x86: {  	v10 =	vadd.f32 v5, v10;
	v6 =	vld [tilespmem:s18+$0xF8A0];
	v11 =	vadd.f32 v7, v11  }
0x87: {  	v8 =	vand.u32 $0x7FFFFFFF, v8;
	v5 =	vld [tilespmem:s18+$0x3880];
	v12 =	vand.u32 $0x7FFFFFFF, v12;
	v15 =	vsub.f32 v18, v19  }
0x88: {  	v10 =	vadd.f32 v8, v10;
	v7 =	vld [tilespmem:s18+$0xF880];
	v11 =	vadd.f32 v12, v11  }
.Ltmp2:
0x89: {  	v12 =	vand.u32 $0x7FFFFFFF, v9;
	v8 =	vld [tilespmem:s18+$0x3860];
	v15 =	vand.u32 $0x7FFFFFFF, v15;
	v13 =	vsub.f32 v13, v14;
	(pc) =	sbr.rel @p0 .LBB2_7-.Ltmp2, $4  }
0x8a: {  	v10 =	vadd.f32 v12, v10;
	v9 =	vld [tilespmem:s18+$0xF860];
	v11 =	vadd.f32 v15, v11  }
0x8b: {  	v14 =	vand.u32 $0x7FFFFFFF, v20;
	v12 =	vld [tilespmem:s18+$0x3840];
	v15 =	vand.u32 $0x7FFFFFFF, v13  }
0x8c: {  	v10 =	vadd.f32 v14, v10;
	v13 =	vld [tilespmem:s18+$0xF840];
	v11 =	vadd.f32 v15, v11  }
0x8d: {  	s19 =	sadd.s32 $0x200, s19;
	v14 =	vld [tilespmem:s18+$0x3850]  }
0x8e: {  	v15 =	vld [tilespmem:s18+$0xF850]  }
0x8f: {  	v16 =	vld [tilespmem:s18+$0x3870]  }
0x90: {  	v17 =	vld [tilespmem:s18+$0xF870]  }
0x91: {  	v18 =	vld [tilespmem:s18+$0x3890]  }
0x92: {  	v19 =	vld [tilespmem:s18+$0xF890];
	v20 =	vsub.f32 v4, v6;
	v6 =	vsub.f32 v12, v13  }
0x93: {  	v21 =	vld [tilespmem:s18+$0x38B0];
	v12 =	vsub.f32 v14, v15  }
0x94: {  	v8 =	vsub.f32 v8, v9;
	v13 =	vld [tilespmem:s18+$0xF8B0];
	v14 =	vsub.f32 v5, v7;
	v6 =	vand.u32 $0x7FFFFFFF, v6  }
0x95: {  	s18 =	simm.s32 $0x0;
	v9 =	vsub.f32 v16, v17;
	v6 =	vadd.f32 v6, v10;
	v7 =	vand.u32 $0x7FFFFFFF, v12  }
0x96: {  	v8 =	vand.u32 $0x7FFFFFFF, v8;
	v4 =	vld [tilespmem:s18+$0x5E20];
	v10 =	vadd.f32 v7, v11  }
0x97: {  	v5 =	vld [tilespmem:s18+$0x11E20];
	v12 =	vsub.f32 v18, v19;
	v11 =	vand.u32 $0x7FFFFFFF, v9;
	v15 =	vadd.f32 v8, v6  }
0x98: {  	v7 =	vld [tilespmem:s18+$0x5E00];
	v10 =	vadd.f32 v11, v10;
	v11 =	vand.u32 $0x7FFFFFFF, v14  }
0x99: {  	v9 =	vld [tilespmem:s18+$0x11E00];
	v13 =	vsub.f32 v21, v13;
	v12 =	vand.u32 $0x7FFFFFFF, v12;
	v14 =	vadd.f32 v11, v15  }
0x9a: {  	v6 =	vld [tilespmem:s18+$0x5DE0];
	v15 =	vand.u32 $0x7FFFFFFF, v20;
	v10 =	vadd.f32 v12, v10  }
0x9b: {  	v8 =	vld [tilespmem:s18+$0x11DE0];
	v13 =	vand.u32 $0x7FFFFFFF, v13;
	v14 =	vadd.f32 v15, v14  }
0x9c: {  	v11 =	vld [tilespmem:s18+$0x5DC0];
	v10 =	vadd.f32 v13, v10  }
0x9d: {  	v12 =	vld [tilespmem:s18+$0x11DC0];
	[tilespmem:$0x1FE20] =	vst v14  }
0x9e: {  	s19 =	simm.s32 $0x200;
	v13 =	vld [tilespmem:s18+$0x5DD0];
	[tilespmem:$0x1FE30] =	vst v10;
	v10 =	vimm.f32 $0.0e+00  }
.LBB2_9:
0x9f: {  	p0 =	sne.s32 s19, $0x600;
	v14 =	vld [tilespmem:s18+$0x11DD0]  }
0xa0: {  	v15 =	vld [tilespmem:s18+$0x5DF0]  }
0xa1: {  	v16 =	vld [tilespmem:s18+$0x11DF0]  }
0xa2: {  	v17 =	vld [tilespmem:s18+$0x5E10]  }
0xa3: {  	v19 =	vsub.f32 v4, v5;
	v18 =	vld [tilespmem:s18+$0x11E10]  }
0xa4: {  	v5 =	vsub.f32 v11, v12;
	v11 =	vsub.f32 v13, v14;
	v12 =	vld [tilespmem:s18+$0x5E30]  }
0xa5: {  	v6 =	vsub.f32 v6, v8;
	v8 =	vsub.f32 v7, v9;
	v13 =	vld [tilespmem:s18+$0x11E30];
	s18 =	sshra.s32 s19, $0x2  }
0xa6: {  	v7 =	vand.u32 $0x7FFFFFFF, v5;
	v4 =	vld [tilespmem:s18+$0x5E20];
	v9 =	vand.u32 $0x7FFFFFFF, v11;
	v11 =	vsub.f32 v15, v16  }
0xa7: {  	v3 =	vadd.f32 v7, v3;
	v5 =	vld [tilespmem:s18+$0x11E20];
	v10 =	vadd.f32 v9, v10  }
0xa8: {  	v6 =	vand.u32 $0x7FFFFFFF, v6;
	v7 =	vld [tilespmem:s18+$0x5E00];
	v11 =	vand.u32 $0x7FFFFFFF, v11;
	v14 =	vsub.f32 v17, v18  }
0xa9: {  	v3 =	vadd.f32 v6, v3;
	v9 =	vld [tilespmem:s18+$0x11E00];
	v10 =	vadd.f32 v11, v10  }
.Ltmp3:
0xaa: {  	v11 =	vand.u32 $0x7FFFFFFF, v8;
	v6 =	vld [tilespmem:s18+$0x5DE0];
	v14 =	vand.u32 $0x7FFFFFFF, v14;
	v12 =	vsub.f32 v12, v13;
	(pc) =	sbr.rel @p0 .LBB2_9-.Ltmp3, $4  }
0xab: {  	v3 =	vadd.f32 v11, v3;
	v8 =	vld [tilespmem:s18+$0x11DE0];
	v10 =	vadd.f32 v14, v10  }
0xac: {  	v13 =	vand.u32 $0x7FFFFFFF, v19;
	v11 =	vld [tilespmem:s18+$0x5DC0];
	v14 =	vand.u32 $0x7FFFFFFF, v12  }
0xad: {  	v3 =	vadd.f32 v13, v3;
	v12 =	vld [tilespmem:s18+$0x11DC0];
	v10 =	vadd.f32 v14, v10  }
0xae: {  	s19 =	sadd.s32 $0x200, s19;
	v13 =	vld [tilespmem:s18+$0x5DD0]  }
0xaf: {  	v14 =	vld [tilespmem:s18+$0x11DD0]  }
0xb0: {  	v15 =	vld [tilespmem:s18+$0x5DF0]  }
0xb1: {  	v16 =	vld [tilespmem:s18+$0x11DF0]  }
0xb2: {  	v17 =	vld [tilespmem:s18+$0x5E10]  }
0xb3: {  	v18 =	vld [tilespmem:s18+$0x11E10]  }
0xb4: {  	v19 =	vld [tilespmem:s18+$0x5E30]  }
0xb5: {  	v20 =	vld [tilespmem:s18+$0x11E30]  }
0xb6: {  	v21 =	vld [tilespmem:$0x5FC0]  }
0xb7: {  	v57 =	vld [tilespmem:$0x11FC0]  }
0xb8: {  	v58 =	vld [tilespmem:$0x5FD0]  }
0xb9: {  	v59 =	vld [tilespmem:$0x11FD0]  }
0xba: {  	v60 =	vld [tilespmem:$0x5FE0]  }
0xbb: {  	v61 =	vld [tilespmem:$0x11FE0];
	s31 =	sadd.s32 $0x1800, s17  }
0xbc: {  	v62 =	vld [tilespmem:$0x5FF0];
	s20 =	simm.s32 $0x0;
	s19 =	sadd.s32 s3, s31  }
0xbd: {  	v63 =	vld [tilespmem:$0x11FF0];
	[tilespmem:s20], [sflag:$0x1] =	stream.linear.gather [hbm4b:s19+s20], $0x6000, $0x38  }
0xbe: {  	s18 =	sadd.s32 s4, s31  }
0xbf: {  	[tilespmem:s8], [sflag:$0x1] =	stream.linear.gather [hbm4b:s18+s20], $0x6000, $0x38;
	[tilespmem:$0x18030] =	vst v63  }
0xc0: {  	[tilespmem:$0x1FD80] =	vst v21  }
0xc1: {  	[tilespmem:$0x1FD90] =	vst v57  }
0xc2: {  	[tilespmem:$0x1FDA0] =	vst v58  }
0xc3: {  	[tilespmem:$0x1FDB0] =	vst v59  }
0xc4: {  	[tilespmem:$0x1FDC0] =	vst v60  }
0xc5: {  	[tilespmem:$0x1FDD0] =	vst v61  }
0xc6: {  	[tilespmem:$0x1FDE0] =	vst v62  }
0xc7: {  	[tilespmem:$0x1FDF0] =	vst v63  }
0xc8: {  	_ =	swait.ge [sflag:s12], $0x6000  }
0xc9: {  	v11 =	vsub.f32 v11, v12;
	[sflag:s12] =	ssyncset.done $0x0  }
0xca: {  	v5 =	vsub.f32 v4, v5;
	[sflag:s12] =	ssyncadd.s32 $0xFFFFA000  }
0xcb: {  	v12 =	vsub.f32 v13, v14;
	v13 =	vsub.f32 v6, v8;
	v8 =	vand.u32 $0x7FFFFFFF, v11;
	_ =	swait.ge [sflag:s12], $0x6000  }
0xcc: {  	v11 =	vsub.f32 v15, v16;
	v3 =	vadd.f32 v8, v3;
	[sflag:s12] =	ssyncset.done $0x0  }
0xcd: {  	s18 =	simm.s32 $0x0;
	v14 =	vsub.f32 v7, v9;
	v12 =	vand.u32 $0x7FFFFFFF, v12;
	v9 =	vand.u32 $0x7FFFFFFF, v13;
	[sflag:s12] =	ssyncadd.s32 $0xFFFFA000  }
0xce: {  	v10 =	vadd.f32 v12, v10;
	v13 =	vadd.f32 v9, v3;
	v6 =	vld [tilespmem:s18+$0x6060]  }
0xcf: {  	v11 =	vand.u32 $0x7FFFFFFF, v11;
	v4 =	vand.u32 $0x7FFFFFFF, v14;
	v12 =	vsub.f32 v17, v18;
	v8 =	vld [tilespmem:s18+$0x12060]  }
0xd0: {  	v10 =	vadd.f32 v11, v10;
	v13 =	vadd.f32 v4, v13;
	v7 =	vld [tilespmem:s18+$0x6040]  }
0xd1: {  	v5 =	vand.u32 $0x7FFFFFFF, v5;
	v11 =	vand.u32 $0x7FFFFFFF, v12;
	v12 =	vsub.f32 v19, v20;
	v9 =	vld [tilespmem:s18+$0x12040]  }
0xd2: {  	v3 =	vld [tilespmem:s18+$0x6020];
	v10 =	vadd.f32 v11, v10;
	v5 =	vadd.f32 v5, v13  }
0xd3: {  	v4 =	vld [tilespmem:s18+$0x12020];
	v14 =	vand.u32 $0x7FFFFFFF, v12  }
0xd4: {  	v11 =	vld [tilespmem:s18+$0x6000];
	[tilespmem:$0x1FE00] =	vst v5;
	v5 =	vadd.f32 v14, v10  }
0xd5: {  	v12 =	vld [tilespmem:s18+$0x12000]  }
0xd6: {  	s19 =	simm.s32 $0x200;
	v13 =	vld [tilespmem:s18+$0x6010];
	v10 =	vimm.f32 $0.0e+00;
	[tilespmem:$0x1FE10] =	vst v5;
	v5 =	vimm.f32 $0.0e+00  }
.LBB2_11:
0xd7: {  	p0 =	sne.s32 s19, $0x1A00;
	v14 =	vld [tilespmem:s18+$0x12010]  }
0xd8: {  	v15 =	vld [tilespmem:s18+$0x6030]  }
0xd9: {  	v16 =	vld [tilespmem:s18+$0x12030]  }
0xda: {  	v17 =	vld [tilespmem:s18+$0x6050]  }
0xdb: {  	v19 =	vsub.f32 v6, v8;
	v18 =	vld [tilespmem:s18+$0x12050]  }
0xdc: {  	v8 =	vsub.f32 v11, v12;
	v11 =	vsub.f32 v13, v14;
	v12 =	vld [tilespmem:s18+$0x6070]  }
0xdd: {  	v3 =	vsub.f32 v3, v4;
	v4 =	vsub.f32 v7, v9;
	v13 =	vld [tilespmem:s18+$0x12070];
	s18 =	sshra.s32 s19, $0x2  }
0xde: {  	v7 =	vand.u32 $0x7FFFFFFF, v8;
	v6 =	vld [tilespmem:s18+$0x6060];
	v9 =	vand.u32 $0x7FFFFFFF, v11;
	v11 =	vsub.f32 v15, v16  }
0xdf: {  	v5 =	vadd.f32 v7, v5;
	v8 =	vld [tilespmem:s18+$0x12060];
	v10 =	vadd.f32 v9, v10  }
0xe0: {  	v3 =	vand.u32 $0x7FFFFFFF, v3;
	v7 =	vld [tilespmem:s18+$0x6040];
	v11 =	vand.u32 $0x7FFFFFFF, v11;
	v14 =	vsub.f32 v17, v18  }
0xe1: {  	v5 =	vadd.f32 v3, v5;
	v9 =	vld [tilespmem:s18+$0x12040];
	v10 =	vadd.f32 v11, v10  }
.Ltmp4:
0xe2: {  	v11 =	vand.u32 $0x7FFFFFFF, v4;
	v3 =	vld [tilespmem:s18+$0x6020];
	v14 =	vand.u32 $0x7FFFFFFF, v14;
	v12 =	vsub.f32 v12, v13;
	(pc) =	sbr.rel @p0 .LBB2_11-.Ltmp4, $4  }
0xe3: {  	v5 =	vadd.f32 v11, v5;
	v4 =	vld [tilespmem:s18+$0x12020];
	v10 =	vadd.f32 v14, v10  }
0xe4: {  	v13 =	vand.u32 $0x7FFFFFFF, v19;
	v11 =	vld [tilespmem:s18+$0x6000];
	v14 =	vand.u32 $0x7FFFFFFF, v12  }
0xe5: {  	v5 =	vadd.f32 v13, v5;
	v12 =	vld [tilespmem:s18+$0x12000];
	v10 =	vadd.f32 v14, v10  }
0xe6: {  	s19 =	sadd.s32 $0x200, s19;
	v13 =	vld [tilespmem:s18+$0x6010]  }
0xe7: {  	v14 =	vld [tilespmem:s18+$0x12010]  }
0xe8: {  	v15 =	vld [tilespmem:s18+$0x6030]  }
0xe9: {  	v16 =	vld [tilespmem:s18+$0x12030]  }
0xea: {  	v17 =	vld [tilespmem:s18+$0x6050]  }
0xeb: {  	v18 =	vld [tilespmem:s18+$0x12050]  }
0xec: {  	v19 =	vld [tilespmem:s18+$0x6070]  }
0xed: {  	v20 =	vld [tilespmem:s18+$0x12070]  }
0xee: {  	v46 =	vld [tilespmem:$0x6700]  }
0xef: {  	v47 =	vld [tilespmem:$0x12700]  }
0xf0: {  	v43 =	vld [tilespmem:$0x6710];
	v11 =	vsub.f32 v11, v12  }
0xf1: {  	v44 =	vld [tilespmem:$0x12710];
	s18 =	simm.s32 $0x0;
	v12 =	vsub.f32 v13, v14  }
0xf2: {  	v13 =	vsub.f32 v3, v4;
	v4 =	vand.u32 $0x7FFFFFFF, v11;
	v3 =	vld [tilespmem:s18+$0x6780]  }
0xf3: {  	v11 =	vsub.f32 v15, v16;
	v14 =	vadd.f32 v4, v5;
	v4 =	vld [tilespmem:s18+$0x12780];
	v12 =	vand.u32 $0x7FFFFFFF, v12  }
0xf4: {  	v9 =	vsub.f32 v7, v9;
	v5 =	vld [tilespmem:s18+$0x6760];
	v7 =	vand.u32 $0x7FFFFFFF, v13;
	v10 =	vadd.f32 v12, v10  }
0xf5: {  	v11 =	vand.u32 $0x7FFFFFFF, v11;
	v12 =	vsub.f32 v17, v18;
	v13 =	vadd.f32 v7, v14;
	v7 =	vld [tilespmem:s18+$0x12760]  }
0xf6: {  	v14 =	vsub.f32 v6, v8;
	v8 =	vand.u32 $0x7FFFFFFF, v9;
	v6 =	vld [tilespmem:s18+$0x6740];
	v10 =	vadd.f32 v11, v10  }
0xf7: {  	v9 =	vand.u32 $0x7FFFFFFF, v12;
	v12 =	vsub.f32 v19, v20;
	v13 =	vadd.f32 v8, v13;
	v8 =	vld [tilespmem:s18+$0x12740]  }
0xf8: {  	v11 =	vld [tilespmem:s18+$0x6720];
	v9 =	vadd.f32 v9, v10;
	v10 =	vand.u32 $0x7FFFFFFF, v14  }
0xf9: {  	v14 =	vand.u32 $0x7FFFFFFF, v12;
	v12 =	vld [tilespmem:s18+$0x12720];
	v48 =	vadd.f32 v10, v13  }
0xfa: {  	s19 =	simm.s32 $0x200;
	v13 =	vld [tilespmem:s18+$0x6730];
	v10 =	vimm.f32 $0.0e+00;
	v45 =	vadd.f32 v14, v9;
	v9 =	vimm.f32 $0.0e+00  }
.LBB2_13:
0xfb: {  	p0 =	sne.s32 s19, $0xB800;
	v14 =	vld [tilespmem:s18+$0x12730]  }
0xfc: {  	v15 =	vld [tilespmem:s18+$0x6750]  }
0xfd: {  	v16 =	vld [tilespmem:s18+$0x12750]  }
0xfe: {  	v17 =	vld [tilespmem:s18+$0x6770]  }
0xff: {  	v19 =	vsub.f32 v3, v4;
	v18 =	vld [tilespmem:s18+$0x12770]  }
0x100: {  	v4 =	vsub.f32 v11, v12;
	v11 =	vsub.f32 v13, v14;
	v12 =	vld [tilespmem:s18+$0x6790]  }
0x101: {  	v6 =	vsub.f32 v6, v8;
	v8 =	vsub.f32 v5, v7;
	v13 =	vld [tilespmem:s18+$0x12790];
	s18 =	sshra.s32 s19, $0x2  }
0x102: {  	v5 =	vand.u32 $0x7FFFFFFF, v4;
	v3 =	vld [tilespmem:s18+$0x6780];
	v7 =	vand.u32 $0x7FFFFFFF, v11;
	v11 =	vsub.f32 v15, v16  }
0x103: {  	v9 =	vadd.f32 v5, v9;
	v4 =	vld [tilespmem:s18+$0x12780];
	v10 =	vadd.f32 v7, v10  }
0x104: {  	v6 =	vand.u32 $0x7FFFFFFF, v6;
	v5 =	vld [tilespmem:s18+$0x6760];
	v11 =	vand.u32 $0x7FFFFFFF, v11;
	v14 =	vsub.f32 v17, v18  }
0x105: {  	v9 =	vadd.f32 v6, v9;
	v7 =	vld [tilespmem:s18+$0x12760];
	v10 =	vadd.f32 v11, v10  }
.Ltmp5:
0x106: {  	v11 =	vand.u32 $0x7FFFFFFF, v8;
	v6 =	vld [tilespmem:s18+$0x6740];
	v14 =	vand.u32 $0x7FFFFFFF, v14;
	v12 =	vsub.f32 v12, v13;
	(pc) =	sbr.rel @p0 .LBB2_13-.Ltmp5, $4  }
0x107: {  	v9 =	vadd.f32 v11, v9;
	v8 =	vld [tilespmem:s18+$0x12740];
	v10 =	vadd.f32 v14, v10  }
0x108: {  	v13 =	vand.u32 $0x7FFFFFFF, v19;
	v11 =	vld [tilespmem:s18+$0x6720];
	v14 =	vand.u32 $0x7FFFFFFF, v12  }
0x109: {  	v9 =	vadd.f32 v13, v9;
	v12 =	vld [tilespmem:s18+$0x12720];
	v10 =	vadd.f32 v14, v10  }
0x10a: {  	s19 =	sadd.s32 $0x200, s19;
	v13 =	vld [tilespmem:s18+$0x6730]  }
0x10b: {  	v14 =	vld [tilespmem:s18+$0x12730]  }
0x10c: {  	v15 =	vld [tilespmem:s18+$0x6750]  }
0x10d: {  	v17 =	vld [tilespmem:s18+$0x12750]  }
0x10e: {  	v19 =	vld [tilespmem:s18+$0x6770]  }
0x10f: {  	v20 =	vld [tilespmem:s18+$0x12770]  }
0x110: {  	v21 =	vld [tilespmem:s18+$0x6790]  }
0x111: {  	v22 =	vld [tilespmem:s18+$0x12790]  }
0x112: {  	v53 =	vld [tilespmem:$0x95A0]  }
0x113: {  	v58 =	vld [tilespmem:$0x155A0]  }
0x114: {  	v54 =	vld [tilespmem:$0x95B0]  }
0x115: {  	v59 =	vld [tilespmem:$0x155B0]  }
0x116: {  	v55 =	vld [tilespmem:$0x95C0]  }
0x117: {  	v60 =	vld [tilespmem:$0x155C0]  }
0x118: {  	v51 =	vld [tilespmem:$0x95D0]  }
0x119: {  	v56 =	vld [tilespmem:$0x155D0]  }
0x11a: {  	v49 =	vld [tilespmem:$0x95E0]  }
0x11b: {  	v52 =	vld [tilespmem:$0x155E0]  }
0x11c: {  	v50 =	vld [tilespmem:$0x95F0];
	v5 =	vsub.f32 v5, v7  }
0x11d: {  	v57 =	vld [tilespmem:$0x155F0];
	s18 =	simm.s32 $0x0;
	v11 =	vsub.f32 v11, v12;
	v12 =	vsub.f32 v13, v14  }
0x11e: {  	v3 =	vsub.f32 v3, v4;
	v6 =	vsub.f32 v6, v8;
	v16 =	vld [tilespmem:s18+$0x9660]  }
0x11f: {  	v18 =	vld [tilespmem:s18+$0x9640];
	v8 =	vand.u32 $0x7FFFFFFF, v11;
	v11 =	vsub.f32 v15, v17;
	v12 =	vand.u32 $0x7FFFFFFF, v12  }
0x120: {  	v24 =	vld [tilespmem:s18+$0x9610];
	v8 =	vadd.f32 v8, v9;
	v7 =	vadd.f32 v12, v10  }
0x121: {  	v6 =	vand.u32 $0x7FFFFFFF, v6;
	v17 =	vld [tilespmem:s18+$0x15660];
	v9 =	vsub.f32 v19, v20;
	v10 =	vand.u32 $0x7FFFFFFF, v11  }
0x122: {  	v14 =	vld [tilespmem:s18+$0x15600];
	v6 =	vadd.f32 v6, v8;
	v63 =	vadd.f32 v10, v7  }
0x123: {  	v5 =	vand.u32 $0x7FFFFFFF, v5;
	v19 =	vld [tilespmem:s18+$0x15640];
	v7 =	vand.u32 $0x7FFFFFFF, v9;
	v9 =	vsub.f32 v21, v22  }
0x124: {  	v20 =	vld [tilespmem:s18+$0x9620];
	v5 =	vadd.f32 v5, v6;
	v4 =	vadd.f32 v7, v63  }
0x125: {  	v23 =	vimm.f32 $0.0e+00;
	v3 =	vand.u32 $0x7FFFFFFF, v3;
	v8 =	vld [tilespmem:s18+$0x9600];
	v6 =	vand.u32 $0x7FFFFFFF, v9  }
0x126: {  	s19 =	simm.s32 $0x200;
	v21 =	vld [tilespmem:s18+$0x15620];
	v22 =	vimm.f32 $0.0e+00;
	v62 =	vadd.f32 v3, v5;
	v61 =	vadd.f32 v6, v4  }
.LBB2_15:
0x127: {  	p0 =	sne.s32 s19, $0x4C00;
	v3 =	vld [tilespmem:s18+$0x15610]  }
0x128: {  	v4 =	vld [tilespmem:s18+$0x9630]  }
0x129: {  	v5 =	vld [tilespmem:s18+$0x15630]  }
0x12a: {  	v6 =	vld [tilespmem:s18+$0x9650]  }
0x12b: {  	v9 =	vsub.f32 v16, v17;
	v7 =	vld [tilespmem:s18+$0x15650]  }
0x12c: {  	v8 =	vsub.f32 v8, v14;
	v3 =	vsub.f32 v24, v3;
	v10 =	vld [tilespmem:s18+$0x9670]  }
0x12d: {  	v12 =	vsub.f32 v18, v19;
	v11 =	vsub.f32 v20, v21;
	v13 =	vld [tilespmem:s18+$0x15670];
	s18 =	sshra.s32 s19, $0x2  }
0x12e: {  	v8 =	vand.u32 $0x7FFFFFFF, v8;
	v16 =	vld [tilespmem:s18+$0x9660];
	v3 =	vand.u32 $0x7FFFFFFF, v3;
	v4 =	vsub.f32 v4, v5  }
0x12f: {  	v5 =	vadd.f32 v8, v22;
	v17 =	vld [tilespmem:s18+$0x15660];
	v3 =	vadd.f32 v3, v23  }
0x130: {  	v8 =	vand.u32 $0x7FFFFFFF, v11;
	v18 =	vld [tilespmem:s18+$0x9640];
	v4 =	vand.u32 $0x7FFFFFFF, v4;
	v6 =	vsub.f32 v6, v7  }
0x131: {  	v5 =	vadd.f32 v8, v5;
	v19 =	vld [tilespmem:s18+$0x15640];
	v3 =	vadd.f32 v4, v3  }
.Ltmp6:
0x132: {  	v4 =	vand.u32 $0x7FFFFFFF, v12;
	v20 =	vld [tilespmem:s18+$0x9620];
	v6 =	vand.u32 $0x7FFFFFFF, v6;
	v7 =	vsub.f32 v10, v13;
	(pc) =	sbr.rel @p0 .LBB2_15-.Ltmp6, $4  }
0x133: {  	v4 =	vadd.f32 v4, v5;
	v21 =	vld [tilespmem:s18+$0x15620];
	v3 =	vadd.f32 v6, v3  }
0x134: {  	v5 =	vand.u32 $0x7FFFFFFF, v9;
	v8 =	vld [tilespmem:s18+$0x9600];
	v6 =	vand.u32 $0x7FFFFFFF, v7  }
0x135: {  	v22 =	vadd.f32 v5, v4;
	v14 =	vld [tilespmem:s18+$0x15600];
	v23 =	vadd.f32 v6, v3  }
0x136: {  	s19 =	sadd.s32 $0x200, s19;
	v24 =	vld [tilespmem:s18+$0x9610]  }
0x137: {  	v25 =	vld [tilespmem:s18+$0x15610]  }
0x138: {  	v26 =	vld [tilespmem:s18+$0x9630]  }
0x139: {  	v27 =	vld [tilespmem:s18+$0x15630]  }
0x13a: {  	v28 =	vld [tilespmem:s18+$0x9650]  }
0x13b: {  	v29 =	vld [tilespmem:s18+$0x15650]  }
0x13c: {  	v30 =	vld [tilespmem:s18+$0x9670]  }
0x13d: {  	v31 =	vld [tilespmem:s18+$0x15670]  }
0x13e: {  	v11 =	vld [tilespmem:$0xA980]  }
0x13f: {  	v15 =	vld [tilespmem:$0x16980]  }
0x140: {  	v9 =	vld [tilespmem:$0xA990]  }
0x141: {  	v12 =	vld [tilespmem:$0x16990]  }
0x142: {  	v10 =	vld [tilespmem:$0xA9A0]  }
0x143: {  	v13 =	vld [tilespmem:$0x169A0]  }
0x144: {  	v3 =	vld [tilespmem:$0xA9B0]  }
0x145: {  	v6 =	vld [tilespmem:$0x169B0]  }
0x146: {  	v63 =	vld [tilespmem:$0xA9C0]  }
0x147: {  	v4 =	vld [tilespmem:$0x169C0]  }
0x148: {  	v5 =	vld [tilespmem:$0xA9D0]  }
0x149: {  	v7 =	vld [tilespmem:$0x169D0]  }
0x14a: {  	v32 =	vsub.f32 v8, v14;
	v8 =	vld [tilespmem:$0xA9E0]  }
0x14b: {  	s18 =	simm.s32 $0x0;
	v14 =	vld [tilespmem:$0x169E0];
	v24 =	vsub.f32 v24, v25  }
0x14c: {  	v18 =	vsub.f32 v18, v19;
	v25 =	vsub.f32 v20, v21;
	v21 =	vand.u32 $0x7FFFFFFF, v32;
	v20 =	vld [tilespmem:s18+$0xAA50]  }
0x14d: {  	v26 =	vsub.f32 v26, v27;
	v27 =	vsub.f32 v28, v29;
	v28 =	vld [tilespmem:s18+$0xA9F0];
	v24 =	vand.u32 $0x7FFFFFFF, v24  }
0x14e: {  	v29 =	vld [tilespmem:s18+$0x169F0];
	v22 =	vadd.f32 v21, v22;
	v19 =	vadd.f32 v24, v23  }
0x14f: {  	v16 =	vsub.f32 v16, v17;
	v21 =	vld [tilespmem:s18+$0x16A50];
	v26 =	vand.u32 $0x7FFFFFFF, v26;
	v23 =	vand.u32 $0x7FFFFFFF, v25  }
0x150: {  	v24 =	vld [tilespmem:s18+$0xAA30];
	v23 =	vadd.f32 v23, v22;
	v17 =	vadd.f32 v26, v19  }
0x151: {  	v18 =	vand.u32 $0x7FFFFFFF, v18;
	v25 =	vld [tilespmem:s18+$0x16A30];
	v19 =	vand.u32 $0x7FFFFFFF, v27;
	v26 =	vsub.f32 v30, v31  }
0x152: {  	v22 =	vld [tilespmem:s18+$0xAA10];
	v18 =	vadd.f32 v18, v23;
	v19 =	vadd.f32 v19, v17  }
0x153: {  	v16 =	vand.u32 $0x7FFFFFFF, v16;
	v30 =	vld [tilespmem:s18+$0xAA00];
	v27 =	vimm.f32 $0.0e+00;
	v26 =	vand.u32 $0x7FFFFFFF, v26  }
0x154: {  	s19 =	simm.s32 $0x200;
	v23 =	vld [tilespmem:s18+$0x16A10];
	v17 =	vadd.f32 v16, v18;
	v16 =	vadd.f32 v26, v19;
	v26 =	vimm.f32 $0.0e+00  }
.LBB2_17:
0x155: {  	p0 =	sne.s32 s19, $0x5600;
	v18 =	vld [tilespmem:s18+$0x16A00]  }
0x156: {  	v19 =	vld [tilespmem:s18+$0xAA20]  }
0x157: {  	v31 =	vld [tilespmem:s18+$0x16A20]  }
0x158: {  	v32 =	vld [tilespmem:s18+$0xAA40]  }
0x159: {  	v34 =	vsub.f32 v20, v21;
	v33 =	vld [tilespmem:s18+$0x16A40]  }
0x15a: {  	v21 =	vsub.f32 v28, v29;
	v18 =	vsub.f32 v30, v18;
	v28 =	vld [tilespmem:s18+$0xAA60]  }
0x15b: {  	v22 =	vsub.f32 v22, v23;
	v23 =	vsub.f32 v24, v25;
	v29 =	vld [tilespmem:s18+$0x16A60];
	s18 =	sshra.s32 s19, $0x2  }
0x15c: {  	v24 =	vand.u32 $0x7FFFFFFF, v21;
	v20 =	vld [tilespmem:s18+$0xAA50];
	v18 =	vand.u32 $0x7FFFFFFF, v18;
	v19 =	vsub.f32 v19, v31  }
0x15d: {  	v26 =	vadd.f32 v24, v26;
	v21 =	vld [tilespmem:s18+$0x16A50];
	v18 =	vadd.f32 v18, v27  }
0x15e: {  	v22 =	vand.u32 $0x7FFFFFFF, v22;
	v24 =	vld [tilespmem:s18+$0xAA30];
	v19 =	vand.u32 $0x7FFFFFFF, v19;
	v27 =	vsub.f32 v32, v33  }
0x15f: {  	v26 =	vadd.f32 v22, v26;
	v25 =	vld [tilespmem:s18+$0x16A30];
	v18 =	vadd.f32 v19, v18  }
.Ltmp7:
0x160: {  	v19 =	vand.u32 $0x7FFFFFFF, v23;
	v22 =	vld [tilespmem:s18+$0xAA10];
	v27 =	vand.u32 $0x7FFFFFFF, v27;
	v29 =	vsub.f32 v28, v29;
	(pc) =	sbr.rel @p0 .LBB2_17-.Ltmp7, $4  }
0x161: {  	v19 =	vadd.f32 v19, v26;
	v23 =	vld [tilespmem:s18+$0x16A10];
	v18 =	vadd.f32 v27, v18  }
0x162: {  	v26 =	vand.u32 $0x7FFFFFFF, v34;
	v28 =	vld [tilespmem:s18+$0xA9F0];
	v27 =	vand.u32 $0x7FFFFFFF, v29  }
0x163: {  	v26 =	vadd.f32 v26, v19;
	v29 =	vld [tilespmem:s18+$0x169F0];
	v27 =	vadd.f32 v27, v18  }
0x164: {  	s19 =	sadd.s32 $0x200, s19;
	v30 =	vld [tilespmem:s18+$0xAA00]  }
0x165: {  	v31 =	vld [tilespmem:s18+$0x16A00]  }
0x166: {  	v32 =	vld [tilespmem:s18+$0xAA20]  }
0x167: {  	v33 =	vld [tilespmem:s18+$0x16A20]  }
0x168: {  	v34 =	vld [tilespmem:s18+$0xAA40]  }
0x169: {  	v35 =	vld [tilespmem:s18+$0x16A40]  }
0x16a: {  	v36 =	vld [tilespmem:s18+$0xAA60]  }
0x16b: {  	v37 =	vld [tilespmem:s18+$0x16A60];
	s31 =	sadd.s32 $0x2400, s17  }
0x16c: {  	v18 =	vld [tilespmem:$0xBFF0];
	s20 =	simm.s32 $0x0;
	s19 =	sadd.s32 s3, s31  }
0x16d: {  	v19 =	vld [tilespmem:$0x17FF0];
	[tilespmem:s9], [sflag:$0x2] =	stream.linear.gather [hbm4b:s19+s20], $0x6000, $0x38  }
0x16e: {  	s18 =	sadd.s32 s4, s31  }
0x16f: {  	[tilespmem:s10], [sflag:$0x2] =	stream.linear.gather [hbm4b:s18+s20], $0x6000, $0x38;
	[tilespmem:$0x18030] =	vst v63  }
0x170: {  	_ =	swait.ge [sflag:s11], $0x6000  }
0x171: {  	[sflag:s11] =	ssyncset.done $0x0  }
0x172: {  	[sflag:s11] =	ssyncadd.s32 $0xFFFFA000  }
0x173: {  	_ =	swait.ge [sflag:s11], $0x6000  }
0x174: {  	v28 =	vsub.f32 v28, v29;
	[sflag:s11] =	ssyncset.done $0x0  }
0x175: {  	s18 =	simm.s32 $0x0;
	v29 =	vsub.f32 v30, v31;
	[sflag:s11] =	ssyncadd.s32 $0xFFFFA000  }
0x176: {  	v30 =	vsub.f32 v22, v23;
	v23 =	vand.u32 $0x7FFFFFFF, v28;
	v22 =	vld [tilespmem:s18+$0x60]  }
0x177: {  	v28 =	vsub.f32 v32, v33;
	v31 =	vadd.f32 v23, v26;
	v29 =	vand.u32 $0x7FFFFFFF, v29;
	v23 =	vld [tilespmem:s18+$0xC060]  }
0x178: {  	v24 =	vsub.f32 v24, v25;
	v25 =	vadd.f32 v29, v27;
	v27 =	vand.u32 $0x7FFFFFFF, v30;
	v26 =	vld [tilespmem:s18+$0x40]  }
0x179: {  	v28 =	vand.u32 $0x7FFFFFFF, v28;
	v29 =	vsub.f32 v34, v35;
	v30 =	vadd.f32 v27, v31;
	v27 =	vld [tilespmem:s18+$0xC040]  }
0x17a: {  	v20 =	vsub.f32 v20, v21;
	v21 =	vadd.f32 v28, v25;
	v25 =	vand.u32 $0x7FFFFFFF, v24;
	v24 =	vld [tilespmem:s18+$0x20]  }
0x17b: {  	v28 =	vand.u32 $0x7FFFFFFF, v29;
	v29 =	vsub.f32 v36, v37;
	v31 =	vadd.f32 v25, v30;
	v25 =	vld [tilespmem:s18+$0xC020]  }
0x17c: {  	v20 =	vand.u32 $0x7FFFFFFF, v20;
	v30 =	vld [tilespmem:s18+$0x0];
	v28 =	vadd.f32 v28, v21  }
0x17d: {  	v32 =	vld [tilespmem:s18+$0x10];
	v29 =	vand.u32 $0x7FFFFFFF, v29;
	v21 =	vadd.f32 v20, v31  }
0x17e: {  	s19 =	simm.s32 $0x200;
	v31 =	vld [tilespmem:s18+$0xC000];
	v20 =	vadd.f32 v29, v28;
	v28 =	vimm.f32 $0.0e+00;
	v29 =	vimm.f32 $0.0e+00  }
.LBB2_19:
0x17f: {  	p0 =	sne.s32 s19, $0x17E00;
	v33 =	vld [tilespmem:s18+$0xC010]  }
0x180: {  	v34 =	vld [tilespmem:s18+$0x30]  }
0x181: {  	v35 =	vld [tilespmem:s18+$0xC030]  }
0x182: {  	v36 =	vld [tilespmem:s18+$0x50]  }
0x183: {  	v38 =	vsub.f32 v22, v23;
	v37 =	vld [tilespmem:s18+$0xC050]  }
0x184: {  	v23 =	vsub.f32 v30, v31;
	v30 =	vsub.f32 v32, v33;
	v31 =	vld [tilespmem:s18+$0x70]  }
0x185: {  	v24 =	vsub.f32 v24, v25;
	v25 =	vsub.f32 v26, v27;
	v32 =	vld [tilespmem:s18+$0xC070];
	s18 =	sshra.s32 s19, $0x2  }
0x186: {  	v26 =	vand.u32 $0x7FFFFFFF, v23;
	v22 =	vld [tilespmem:s18+$0x60];
	v27 =	vand.u32 $0x7FFFFFFF, v30;
	v30 =	vsub.f32 v34, v35  }
0x187: {  	v28 =	vadd.f32 v26, v28;
	v23 =	vld [tilespmem:s18+$0xC060];
	v29 =	vadd.f32 v27, v29  }
0x188: {  	v24 =	vand.u32 $0x7FFFFFFF, v24;
	v26 =	vld [tilespmem:s18+$0x40];
	v30 =	vand.u32 $0x7FFFFFFF, v30;
	v33 =	vsub.f32 v36, v37  }
0x189: {  	v28 =	vadd.f32 v24, v28;
	v27 =	vld [tilespmem:s18+$0xC040];
	v29 =	vadd.f32 v30, v29  }
.Ltmp8:
0x18a: {  	v30 =	vand.u32 $0x7FFFFFFF, v25;
	v24 =	vld [tilespmem:s18+$0x20];
	v33 =	vand.u32 $0x7FFFFFFF, v33;
	v31 =	vsub.f32 v31, v32;
	(pc) =	sbr.rel @p0 .LBB2_19-.Ltmp8, $4  }
0x18b: {  	v28 =	vadd.f32 v30, v28;
	v25 =	vld [tilespmem:s18+$0xC020];
	v29 =	vadd.f32 v33, v29  }
0x18c: {  	v32 =	vand.u32 $0x7FFFFFFF, v38;
	v30 =	vld [tilespmem:s18+$0x0];
	v33 =	vand.u32 $0x7FFFFFFF, v31  }
0x18d: {  	v28 =	vadd.f32 v32, v28;
	v31 =	vld [tilespmem:s18+$0xC000];
	v29 =	vadd.f32 v33, v29  }
0x18e: {  	s19 =	sadd.s32 $0x200, s19;
	v32 =	vld [tilespmem:s18+$0x10]  }
0x18f: {  	v33 =	vld [tilespmem:s18+$0xC010]  }
0x190: {  	v34 =	vld [tilespmem:s18+$0x30]  }
0x191: {  	v35 =	vld [tilespmem:s18+$0xC030]  }
0x192: {  	v36 =	vld [tilespmem:s18+$0x50]  }
0x193: {  	v37 =	vld [tilespmem:s18+$0xC050];
	s17 =	sadd.s32 $0x3000, s17  }
0x194: {  	v38 =	vld [tilespmem:s18+$0x70];
	s19 =	simm.s32 $0x0;
	s31 =	sadd.s32 s3, s17  }
0x195: {  	v39 =	vld [tilespmem:s18+$0xC070];
	[tilespmem:s19], [sflag:$0x1] =	stream.linear.gather [hbm4b:s31+s19], $0x2280, $0x38  }
0x196: {  	s17 =	sadd.s32 s4, s17  }
0x197: {  	[tilespmem:s8], [sflag:$0x1] =	stream.linear.gather [hbm4b:s17+s19], $0x2280, $0x38;
	[tilespmem:$0x18030] =	vst v63  }
0x198: {  	_ =	swait.ge [sflag:s12], $0x6000  }
0x199: {  	[sflag:s12] =	ssyncset.done $0x0  }
0x19a: {  	[sflag:s12] =	ssyncadd.s32 $0xFFFFA000  }
0x19b: {  	_ =	swait.ge [sflag:s12], $0x6000  }
0x19c: {  	v30 =	vsub.f32 v30, v31;
	[sflag:s12] =	ssyncset.done $0x0  }
0x19d: {  	s17 =	simm.s32 $0x0;
	v31 =	vsub.f32 v32, v33;
	[sflag:s12] =	ssyncadd.s32 $0xFFFFA000  }
0x19e: {  	v41 =	vsub.f32 v24, v25;
	v25 =	vand.u32 $0x7FFFFFFF, v30;
	v24 =	vld [tilespmem:s17+$0x6060]  }
0x19f: {  	v28 =	vadd.f32 v25, v28;
	v30 =	vand.u32 $0x7FFFFFFF, v31;
	v31 =	vsub.f32 v34, v35;
	v25 =	vld [tilespmem:s17+$0x12060]  }
0x1a0: {  	v42 =	vsub.f32 v26, v27;
	v27 =	vand.u32 $0x7FFFFFFF, v41;
	v29 =	vadd.f32 v30, v29;
	v26 =	vld [tilespmem:s17+$0x6040]  }
0x1a1: {  	v32 =	vadd.f32 v27, v28;
	v30 =	vand.u32 $0x7FFFFFFF, v31;
	v31 =	vsub.f32 v36, v37;
	v27 =	vld [tilespmem:s17+$0x12040]  }
0x1a2: {  	v22 =	vsub.f32 v22, v23;
	v23 =	vadd.f32 v30, v29;
	v29 =	vand.u32 $0x7FFFFFFF, v42;
	v28 =	vld [tilespmem:s17+$0x6020]  }
0x1a3: {  	v30 =	vand.u32 $0x7FFFFFFF, v31;
	v31 =	vsub.f32 v38, v39;
	v33 =	vadd.f32 v29, v32;
	v29 =	vld [tilespmem:s17+$0x12020]  }
0x1a4: {  	v22 =	vand.u32 $0x7FFFFFFF, v22;
	v32 =	vld [tilespmem:s17+$0x6000];
	v23 =	vadd.f32 v30, v23  }
0x1a5: {  	v34 =	vld [tilespmem:s17+$0x6010];
	v30 =	vand.u32 $0x7FFFFFFF, v31;
	v22 =	vadd.f32 v22, v33  }
0x1a6: {  	s18 =	simm.s32 $0x200;
	v33 =	vld [tilespmem:s17+$0x12000];
	v31 =	vimm.f32 $0.0e+00;
	v23 =	vadd.f32 v30, v23;
	v30 =	vimm.f32 $0.0e+00  }
.LBB2_21:
0x1a7: {  	p0 =	sne.s32 s18, $0x17E00;
	v35 =	vld [tilespmem:s17+$0x12010]  }
0x1a8: {  	v36 =	vld [tilespmem:s17+$0x6030]  }
0x1a9: {  	v37 =	vld [tilespmem:s17+$0x12030]  }
0x1aa: {  	v38 =	vld [tilespmem:s17+$0x6050]  }
0x1ab: {  	v40 =	vsub.f32 v24, v25;
	v39 =	vld [tilespmem:s17+$0x12050]  }
0x1ac: {  	v25 =	vsub.f32 v32, v33;
	v32 =	vsub.f32 v34, v35;
	v33 =	vld [tilespmem:s17+$0x6070]  }
0x1ad: {  	v28 =	vsub.f32 v28, v29;
	v29 =	vsub.f32 v26, v27;
	v34 =	vld [tilespmem:s17+$0x12070];
	s17 =	sshra.s32 s18, $0x2  }
0x1ae: {  	v26 =	vand.u32 $0x7FFFFFFF, v25;
	v24 =	vld [tilespmem:s17+$0x6060];
	v27 =	vand.u32 $0x7FFFFFFF, v32;
	v32 =	vsub.f32 v36, v37  }
0x1af: {  	v30 =	vadd.f32 v26, v30;
	v25 =	vld [tilespmem:s17+$0x12060];
	v31 =	vadd.f32 v27, v31  }
0x1b0: {  	v28 =	vand.u32 $0x7FFFFFFF, v28;
	v26 =	vld [tilespmem:s17+$0x6040];
	v32 =	vand.u32 $0x7FFFFFFF, v32;
	v35 =	vsub.f32 v38, v39  }
0x1b1: {  	v30 =	vadd.f32 v28, v30;
	v27 =	vld [tilespmem:s17+$0x12040];
	v31 =	vadd.f32 v32, v31  }
.Ltmp9:
0x1b2: {  	v32 =	vand.u32 $0x7FFFFFFF, v29;
	v28 =	vld [tilespmem:s17+$0x6020];
	v35 =	vand.u32 $0x7FFFFFFF, v35;
	v33 =	vsub.f32 v33, v34;
	(pc) =	sbr.rel @p0 .LBB2_21-.Ltmp9, $4  }
0x1b3: {  	v30 =	vadd.f32 v32, v30;
	v29 =	vld [tilespmem:s17+$0x12020];
	v31 =	vadd.f32 v35, v31  }
0x1b4: {  	v34 =	vand.u32 $0x7FFFFFFF, v40;
	v32 =	vld [tilespmem:s17+$0x6000];
	v35 =	vand.u32 $0x7FFFFFFF, v33  }
0x1b5: {  	v30 =	vadd.f32 v34, v30;
	v33 =	vld [tilespmem:s17+$0x12000];
	v31 =	vadd.f32 v35, v31  }
0x1b6: {  	s18 =	sadd.s32 $0x200, s18;
	v34 =	vld [tilespmem:s17+$0x6010]  }
0x1b7: {  	v35 =	vld [tilespmem:s17+$0x12010]  }
0x1b8: {  	v36 =	vld [tilespmem:s17+$0x6030]  }
0x1b9: {  	v37 =	vld [tilespmem:s17+$0x12030]  }
0x1ba: {  	v38 =	vld [tilespmem:s17+$0x6050]  }
0x1bb: {  	v39 =	vld [tilespmem:s17+$0x12050]  }
0x1bc: {  	v40 =	vld [tilespmem:s17+$0x6070]  }
0x1bd: {  	v41 =	vld [tilespmem:s17+$0x12070];
	_ =	swait.ge [sflag:s11], $0x2280  }
0x1be: {  	[sflag:s11] =	ssyncset.done $0x0  }
0x1bf: {  	[sflag:s11] =	ssyncadd.s32 $0xFFFFDD80  }
0x1c0: {  	_ =	swait.ge [sflag:s11], $0x2280  }
0x1c1: {  	v32 =	vsub.f32 v32, v33;
	[sflag:s11] =	ssyncset.done $0x0  }
0x1c2: {  	s17 =	simm.s32 $0x0;
	v42 =	vsub.f32 v34, v35;
	[sflag:s11] =	ssyncadd.s32 $0xFFFFDD80  }
0x1c3: {  	v34 =	vsub.f32 v28, v29;
	v29 =	vand.u32 $0x7FFFFFFF, v32;
	v28 =	vld [tilespmem:s17+$0x60]  }
0x1c4: {  	v30 =	vadd.f32 v29, v30;
	v29 =	vld [tilespmem:s17+$0xC060];
	v32 =	vand.u32 $0x7FFFFFFF, v42;
	v42 =	vsub.f32 v36, v37  }
0x1c5: {  	v36 =	vsub.f32 v26, v27;
	v27 =	vand.u32 $0x7FFFFFFF, v34;
	v26 =	vld [tilespmem:s17+$0x40];
	v31 =	vadd.f32 v32, v31  }
0x1c6: {  	v38 =	vsub.f32 v38, v39;
	v34 =	vadd.f32 v27, v30;
	v27 =	vld [tilespmem:s17+$0xC040];
	v37 =	vand.u32 $0x7FFFFFFF, v42  }
0x1c7: {  	v24 =	vsub.f32 v24, v25;
	v30 =	vld [tilespmem:s17+$0x20];
	v25 =	vadd.f32 v37, v31  }
0x1c8: {  	v41 =	vsub.f32 v40, v41;
	v39 =	vand.u32 $0x7FFFFFFF, v38;
	v31 =	vand.u32 $0x7FFFFFFF, v36;
	v36 =	vld [tilespmem:s17+$0x10]  }
0x1c9: {  	v35 =	vadd.f32 v31, v34;
	v31 =	vld [tilespmem:s17+$0xC020];
	v25 =	vadd.f32 v39, v25  }
0x1ca: {  	v24 =	vand.u32 $0x7FFFFFFF, v24;
	v33 =	vimm.f32 $0.0e+00;
	v42 =	vand.u32 $0x7FFFFFFF, v41;
	v34 =	vld [tilespmem:s17+$0x0]  }
0x1cb: {  	s18 =	simm.s32 $0x200;
	v32 =	vimm.f32 $0.0e+00;
	v24 =	vadd.f32 v24, v35;
	v35 =	vld [tilespmem:s17+$0xC000];
	v25 =	vadd.f32 v42, v25  }
.LBB2_23:
0x1cc: {  	p0 =	sne.s32 s18, $0x8800;
	v37 =	vld [tilespmem:s17+$0xC010]  }
0x1cd: {  	v38 =	vld [tilespmem:s17+$0x30]  }
0x1ce: {  	v39 =	vld [tilespmem:s17+$0xC030]  }
0x1cf: {  	v40 =	vld [tilespmem:s17+$0x50]  }
0x1d0: {  	v42 =	vsub.f32 v28, v29;
	v41 =	vld [tilespmem:s17+$0xC050]  }
0x1d1: {  	v29 =	vsub.f32 v34, v35;
	v34 =	vsub.f32 v36, v37;
	v35 =	vld [tilespmem:s17+$0x70]  }
0x1d2: {  	v30 =	vsub.f32 v30, v31;
	v31 =	vsub.f32 v26, v27;
	v36 =	vld [tilespmem:s17+$0xC070];
	s17 =	sshra.s32 s18, $0x2  }
0x1d3: {  	v26 =	vand.u32 $0x7FFFFFFF, v29;
	v28 =	vld [tilespmem:s17+$0x60];
	v27 =	vand.u32 $0x7FFFFFFF, v34;
	v34 =	vsub.f32 v38, v39  }
0x1d4: {  	v32 =	vadd.f32 v26, v32;
	v29 =	vld [tilespmem:s17+$0xC060];
	v33 =	vadd.f32 v27, v33  }
0x1d5: {  	v30 =	vand.u32 $0x7FFFFFFF, v30;
	v26 =	vld [tilespmem:s17+$0x40];
	v34 =	vand.u32 $0x7FFFFFFF, v34;
	v37 =	vsub.f32 v40, v41  }
0x1d6: {  	v32 =	vadd.f32 v30, v32;
	v27 =	vld [tilespmem:s17+$0xC040];
	v33 =	vadd.f32 v34, v33  }
.Ltmp10:
0x1d7: {  	v34 =	vand.u32 $0x7FFFFFFF, v31;
	v30 =	vld [tilespmem:s17+$0x20];
	v37 =	vand.u32 $0x7FFFFFFF, v37;
	v35 =	vsub.f32 v35, v36;
	(pc) =	sbr.rel @p0 .LBB2_23-.Ltmp10, $4  }
0x1d8: {  	v32 =	vadd.f32 v34, v32;
	v31 =	vld [tilespmem:s17+$0xC020];
	v33 =	vadd.f32 v37, v33  }
0x1d9: {  	v36 =	vand.u32 $0x7FFFFFFF, v42;
	v34 =	vld [tilespmem:s17+$0x0];
	v37 =	vand.u32 $0x7FFFFFFF, v35  }
0x1da: {  	v32 =	vadd.f32 v36, v32;
	v35 =	vld [tilespmem:s17+$0xC000];
	v33 =	vadd.f32 v37, v33  }
0x1db: {  	s18 =	sadd.s32 $0x200, s18;
	v36 =	vld [tilespmem:s17+$0x10]  }
0x1dc: {  	v37 =	vld [tilespmem:s17+$0xC010]  }
0x1dd: {  	v38 =	vld [tilespmem:s17+$0x30]  }
0x1de: {  	v39 =	vld [tilespmem:s17+$0xC030]  }
0x1df: {  	v40 =	vld [tilespmem:s17+$0x50]  }
0x1e0: {  	v28 =	vsub.f32 v28, v29;
	v29 =	vld [tilespmem:s17+$0xC050]  }
0x1e1: {  	v41 =	vld [tilespmem:s17+$0xC070]  }
0x1e2: {  	v34 =	vsub.f32 v34, v35;
	v35 =	vsub.f32 v36, v37;
	v36 =	vld [tilespmem:s17+$0x70]  }
0x1e3: {  	v37 =	vld [tilespmem:$0x1FF40]  }
0x1e4: {  	v42 =	vsub.f32 v38, v39;
	v38 =	vld [tilespmem:$0x1FF50]  }
0x1e5: {  	v26 =	vsub.f32 v26, v27;
	v30 =	vsub.f32 v30, v31;
	v34 =	vand.u32 $0x7FFFFFFF, v34;
	v39 =	vld [tilespmem:$0x1FF60]  }
0x1e6: {  	v29 =	vsub.f32 v40, v29;
	v40 =	vld [tilespmem:$0x1FF70];
	v32 =	vadd.f32 v34, v32;
	v35 =	vand.u32 $0x7FFFFFFF, v35  }
0x1e7: {  	v30 =	vand.u32 $0x7FFFFFFF, v30;
	v31 =	vand.u32 $0x7FFFFFFF, v42;
	v42 =	vld [tilespmem:$0x1FF90];
	v33 =	vadd.f32 v35, v33  }
0x1e8: {  	v30 =	vadd.f32 v30, v32;
	v35 =	vld [tilespmem:$0x1FF20]  }
0x1e9: {  	v26 =	vand.u32 $0x7FFFFFFF, v26;
	v31 =	vadd.f32 v31, v33;
	v27 =	vsub.f32 v36, v41;
	v36 =	vld [tilespmem:$0x1FF30]  }
0x1ea: {  	v29 =	vand.u32 $0x7FFFFFFF, v29;
	v26 =	vadd.f32 v26, v30;
	v41 =	vld [tilespmem:$0x1FF80]  }
0x1eb: {  	v29 =	vadd.f32 v29, v31;
	v31 =	vsub.f32 v37, v38;
	v37 =	vld [tilespmem:$0x1FFF0]  }
0x1ec: {  	v28 =	vand.u32 $0x7FFFFFFF, v28;
	v38 =	vld [tilespmem:$0x1FFA0]  }
0x1ed: {  	v26 =	vadd.f32 v28, v26;
	v28 =	vsub.f32 v39, v40;
	v39 =	vld [tilespmem:$0x1FFB0]  }
0x1ee: {  	v30 =	vsub.f32 v35, v36;
	v36 =	vld [tilespmem:$0x1FFE0]  }
0x1ef: {  	v40 =	vld [tilespmem:$0x1FFC0]  }
0x1f0: {  	v32 =	vsub.f32 v41, v42;
	v41 =	vld [tilespmem:$0x1FFD0]  }
0x1f1: {  	v31 =	vand.u32 $0x7FFFFFFF, v31;
	v42 =	vld [tilespmem:$0x1FE40]  }
0x1f2: {  	v30 =	vand.u32 $0x7FFFFFFF, v30;
	v31 =	vadd.f32 v31, v37;
	v37 =	vld [tilespmem:$0x1FE60]  }
0x1f3: {  	v33 =	vsub.f32 v38, v39;
	v38 =	vld [tilespmem:$0x1FE70];
	v30 =	vadd.f32 v30, v36  }
0x1f4: {  	v28 =	vand.u32 $0x7FFFFFFF, v28;
	v36 =	vld [tilespmem:$0x1FE50]  }
0x1f5: {  	v32 =	vand.u32 $0x7FFFFFFF, v32;
	v39 =	vld [tilespmem:$0x1FE80];
	v28 =	vadd.f32 v28, v30  }
0x1f6: {  	v30 =	vadd.f32 v32, v31;
	v31 =	vsub.f32 v40, v41;
	v40 =	vld [tilespmem:$0x1FE90]  }
0x1f7: {  	v33 =	vand.u32 $0x7FFFFFFF, v33;
	v41 =	vld [tilespmem:$0x1FF00]  }
0x1f8: {  	v28 =	vadd.f32 v33, v28;
	v33 =	vsub.f32 v37, v38;
	v37 =	vld [tilespmem:$0x1FEA0]  }
0x1f9: {  	v32 =	vsub.f32 v42, v36;
	v36 =	vld [tilespmem:$0x1FF10]  }
0x1fa: {  	v38 =	vld [tilespmem:$0x1FEB0]  }
0x1fb: {  	v34 =	vsub.f32 v39, v40;
	v39 =	vld [tilespmem:$0x1FEC0]  }
0x1fc: {  	v31 =	vand.u32 $0x7FFFFFFF, v31;
	v32 =	vand.u32 $0x7FFFFFFF, v32;
	v40 =	vld [tilespmem:$0x1FED0]  }
0x1fd: {  	v30 =	vadd.f32 v31, v30;
	v42 =	vand.u32 $0x7FFFFFFF, v33;
	v31 =	vadd.f32 v32, v41;
	v41 =	vld [tilespmem:$0x1FEE0]  }
0x1fe: {  	v32 =	vadd.f32 v42, v36;
	v42 =	vld [tilespmem:$0x1FEF0];
	_ =	sdelay $0x2  }
0x1ff: {  	v33 =	vsub.f32 v37, v38;
	v34 =	vand.u32 $0x7FFFFFFF, v34  }
0x200: {  	v31 =	vadd.f32 v34, v31  }
0x201: {  	v37 =	vld [tilespmem:$0x1FD80];
	v33 =	vand.u32 $0x7FFFFFFF, v33;
	v34 =	vsub.f32 v39, v40;
	v35 =	vsub.f32 v41, v42  }
0x202: {  	v27 =	vand.u32 $0x7FFFFFFF, v27;
	v38 =	vld [tilespmem:$0x1FD90];
	v40 =	vadd.f32 v33, v32  }
0x203: {  	v27 =	vadd.f32 v27, v29;
	v39 =	vld [tilespmem:$0x1FDA0];
	v41 =	vand.u32 $0x7FFFFFFF, v34;
	v36 =	vand.u32 $0x7FFFFFFF, v35  }
0x204: {  	v42 =	vadd.f32 v41, v31;
	v41 =	vld [tilespmem:$0x1FDC0];
	v29 =	vadd.f32 v36, v40  }
0x205: {  	v11 =	vsub.f32 v11, v15;
	v40 =	vld [tilespmem:$0x1FDB0]  }
0x206: {  	v9 =	vsub.f32 v9, v12;
	v29 =	vadd.f32 v29, v42;
	v42 =	vld [tilespmem:$0x1FDD0]  }
0x207: {  	v10 =	vsub.f32 v10, v13;
	v31 =	vsub.f32 v37, v38;
	v37 =	vld [tilespmem:$0x1FDE0]  }
0x208: {  	v3 =	vsub.f32 v3, v6;
	v28 =	vadd.f32 v30, v28;
	v38 =	vld [tilespmem:$0x1FDF0]  }
0x209: {  	v4 =	vsub.f32 v63, v4;
	v5 =	vsub.f32 v5, v7;
	v36 =	vld [tilespmem:$0x1FE00]  }
0x20a: {  	v2 =	vadd.f32 v28, v2;
	v28 =	vsub.f32 v39, v40;
	v39 =	vld [tilespmem:$0x1FE10]  }
0x20b: {  	v11 =	vand.u32 $0x7FFFFFFF, v11;
	v9 =	vand.u32 $0x7FFFFFFF, v9;
	v30 =	vsub.f32 v41, v42;
	v41 =	vld [tilespmem:$0x1FE20]  }
0x20c: {  	v11 =	vadd.f32 v11, v17;
	v9 =	vadd.f32 v9, v16;
	v42 =	vld [tilespmem:$0x1FE30]  }
0x20d: {  	v31 =	vand.u32 $0x7FFFFFFF, v31;
	v32 =	vsub.f32 v37, v38;
	v37 =	vsub.f32 v53, v58  }
0x20e: {  	v38 =	vsub.f32 v54, v59;
	v31 =	vadd.f32 v31, v36;
	v28 =	vand.u32 $0x7FFFFFFF, v28  }
0x20f: {  	v1 =	vadd.f32 v29, v1;
	v40 =	vand.u32 $0x7FFFFFFF, v30;
	v28 =	vadd.f32 v28, v39  }
0x210: {  	v36 =	vand.u32 $0x7FFFFFFF, v32;
	v29 =	vadd.f32 v40, v31;
	v39 =	vsub.f32 v55, v60  }
0x211: {  	v31 =	vand.u32 $0x7FFFFFFF, v37;
	v40 =	vsub.f32 v51, v56;
	v30 =	vadd.f32 v42, v41  }
0x212: {  	v31 =	vadd.f32 v31, v62;
	v28 =	vadd.f32 v36, v28  }
0x213: {  	v41 =	vsub.f32 v49, v52;
	v2 =	vadd.f32 v30, v2;
	v30 =	vand.u32 $0x7FFFFFFF, v38  }
0x214: {  	v42 =	vsub.f32 v50, v57;
	v30 =	vadd.f32 v30, v61  }
0x215: {  	v32 =	vand.u32 $0x7FFFFFFF, v40;
	v28 =	vadd.f32 v28, v29;
	v29 =	vand.u32 $0x7FFFFFFF, v39  }
0x216: {  	v10 =	vand.u32 $0x7FFFFFFF, v10;
	v29 =	vadd.f32 v29, v31;
	v30 =	vadd.f32 v32, v30  }
0x217: {  	v10 =	vadd.f32 v10, v11;
	v49 =	vand.u32 $0x7FFFFFFF, v41;
	v51 =	vand.u32 $0x7FFFFFFF, v42  }
0x218: {  	v3 =	vand.u32 $0x7FFFFFFF, v3;
	v50 =	vadd.f32 v49, v29;
	v29 =	vadd.f32 v51, v30  }
0x219: {  	v4 =	vand.u32 $0x7FFFFFFF, v4;
	v3 =	vadd.f32 v3, v9;
	v56 =	vsub.f32 v18, v19  }
0x21a: {  	v5 =	vand.u32 $0x7FFFFFFF, v5;
	v55 =	vsub.f32 v8, v14;
	v53 =	vadd.f32 v29, v50  }
0x21b: {  	v4 =	vadd.f32 v4, v10;
	v3 =	vadd.f32 v5, v3;
	v57 =	vand.u32 $0x7FFFFFFF, v56  }
0x21c: {  	v6 =	vand.u32 $0x7FFFFFFF, v55;
	v7 =	vadd.f32 v57, v21;
	v2 =	vadd.f32 v53, v2  }
0x21d: {  	v47 =	vsub.f32 v46, v47;
	v3 =	vadd.f32 v3, v4;
	v58 =	vsel vm0, $0x0, v6  }
0x21e: {  	v7 =	vadd.f32 v7, v20;
	v2 =	vadd.f32 v58, v2  }
0x21f: {  	v0 =	vadd.f32 v3, v0;
	v54 =	vsub.f32 v43, v44  }
0x220: {  	s16 =	sadd.s32 $0x1, s16;
	v59 =	vadd.f32 v23, v22;
	v52 =	vand.u32 $0x7FFFFFFF, v47;
	v2 =	vadd.f32 v7, v2  }
0x221: {  	p0 =	sne.s32 s16, $0x4;
	v60 =	vand.u32 $0x7FFFFFFF, v54;
	v15 =	vadd.f32 v52, v48;
	v61 =	vadd.f32 v25, v24  }
.Ltmp11:
0x222: {  	v7 =	vadd.f32 v60, v45;
	v2 =	vadd.f32 v59, v2;
	(pc) =	sbr.rel @p0 .LBB2_2-.Ltmp11, $4  }
0x223: {  	v3 =	vadd.f32 v27, v26;
	v1 =	vadd.f32 v28, v1  }
0x224: {  	v63 =	vnsel vm0, $0x0, v6;
	v62 =	vadd.f32 v7, v15;
	v2 =	vadd.f32 v61, v2  }
0x225: {  	v0 =	vadd.f32 v63, v0  }
0x226: {  	v1 =	vadd.f32 v62, v1;
	v2 =	vadd.f32 v3, v2  }
0x227: {  	[tilespmem:$0x18020] =	vst v0;
	s15 =	sadd.s32 $0x1, s15  }
0x228: {  	[tilespmem:$0x18000] =	vst v2;
	p0 =	sne.s32 s15, s7  }
.Ltmp12:
0x229: {  	[tilespmem:$0x18010] =	vst v1;
	(pc) =	sbr.rel @p0 .LBB2_1-.Ltmp12, $4  }
0x22a: {  	[hbm4b:s6+s2] =	stream.linear.scatter [tilespmem:s13], [sflag:$0x3], $0x30, $0x38;
	[tilespmem:$0x18030] =	vst v63  }
0x22b: {  	_ =	swait.ge [sflag:s14], $0x30  }
0x22c: {  	[sflag:s14] =	ssyncset.done $0x0  }
0x22d: {  	[sflag:s14] =	ssyncadd.s32 $0xFFFFFFD0  }
0x22e: {  	_ =	sfence.sel $0x180000  }
0x22f: {  	[bflag:$0x0] =	sbarrier.arrive $0xFFFF  }
0x230: {  	p0 =	sne.s32 s0, $0x0;
	_ =	strace $0x90000047  }
0x231: {  	s0 =	sadd.s32 @!p0 $0x100000, s1;
	[bflag:$0x2] =	sbarrier.arrive $0xFFFF  }
0x232: {  	[sflag:s0] =	ssyncadd.tile.s32 @!p0 $0x1;
	_ =	shalt  }
.Lfunc_end2:
_tile_overlayer_lowered:
.L_overlay_start_2:
0x233: {  	(tag) =	ssettag $0x2  }
0x234: {  	s0 =	rddreg [dreg:$0x0];
	s2 =	stileid.u32  }
0x235: {  	s1 =	rddreg [dreg:$0x1];
	p0 =	sne.s32 s2, $0x0  }
0x236: {  	s3 =	rddreg [dreg:$0x2];
	[bflag:$0x3] =	sbarrier.arrive $0xFFFF;
	s2 =	simm.s32 @!p0 $0x1C03  }
0x237: {  	[timem:s3], [sflag:s2] =	dma.local @!p0 [hbm:s0], s1  }
0x238: {  	s0 =	simm.s32 @!p0 $0x3  }
0x239: {  	_ =	swait.ge @!p0 [sflag:s0], s1  }
0x23a: {  	s1 =	ssub.s32 @!p0 $0x0, s1;
	[sflag:s0] =	ssyncset.done @!p0 $0x0  }
0x23b: {  	[sflag:s0] =	ssyncadd.s32 @!p0 s1  }
0x23c: {  	[bflag:$0x3] =	sbarrier.arrive $0xFFFF  }
0x23d: {  	_ =	shalt  }

</sc_bundles>
